<compile_context>
chip_gen: v7x
topology: tpu7x:2x2x1
jax: 0.10.2.dev20260603
libtpu: 0.0.44.dev20260713+nightly
codegen_flags: <defaults>
</compile_context>

<pallas_src>
import functools

import jax
import jax.numpy as jnp
from jax import lax
from jax.experimental import pallas as pl
from jax.experimental.pallas import tpu as pltpu
from jax.experimental.pallas import tpu_sc as plsc

N = 10000
D = 128
E = 320000
NR = 10240
NC, NS = 2, 16
NW = NC * NS
CHUNK = 80
NPART = 63
NPARTS = 2
NCHUNK = NPARTS * NPART
EPT = NCHUNK * CHUNK
EPAD = NW * EPT
ROWS_PER_TILE = NR // NS

_MESH = plsc.VectorSubcoreMesh(
    core_axis_name="c", subcore_axis_name="s", num_cores=NC, num_subcores=NS
)

f32 = jnp.float32


NSLOT = NR


@functools.partial(
    pl.kernel,
    out_type=jax.ShapeDtypeStruct((NW, NSLOT), f32),
    mesh=_MESH,
    scratch_types=[
        pltpu.VMEM((EPT,), jnp.int32),
        pltpu.VMEM((NSLOT,), f32),
    ],
    compiler_params=pltpu.CompilerParams(needs_layout_passes=False),
)
def _sc_degree(dst_hbm, out_hbm, dst_v, hist_v):
    c = lax.axis_index("c")
    s = lax.axis_index("s")
    wid = c * NS + s
    pltpu.sync_copy(dst_hbm.at[wid], dst_v)

    zeros16 = jnp.zeros((16,), f32)

    def zstep(i, carry):
        hist_v[pl.ds(i * 16, 16)] = zeros16
        return carry

    lax.fori_loop(0, NSLOT // 16, zstep, 0)

    ones = jnp.full((16,), 1.0, f32)

    def step(i, carry):
        v = dst_v[pl.ds(i * 16, 16)]
        plsc.addupdate_scatter(hist_v, [v], ones)
        return carry

    lax.fori_loop(0, EPT // 16, step, 0)
    pltpu.sync_copy(hist_v, out_hbm.at[wid])


@functools.partial(
    pl.kernel,
    out_type=jax.ShapeDtypeStruct((NC, NR, D), f32),
    mesh=_MESH,
    scratch_types=[
        pltpu.VMEM((NPART, CHUNK), jnp.int32),
        pltpu.VMEM((NPART, CHUNK), jnp.int32),
        pltpu.VMEM((CHUNK, D), f32),
        pltpu.VMEM((CHUNK, D), f32),
        pltpu.VMEM((CHUNK, D), f32),
        pltpu.VMEM_SHARED((NR, D), f32),
        pltpu.SemaphoreType.DMA,
        pltpu.SemaphoreType.DMA,
        pltpu.SemaphoreType.DMA,
    ],
)
def _sc_edge_pass(src_hbm, dst_hbm, g_hbm, out_hbm,
                  src_v, dst_v, rows0_v, rows1_v, rows2_v, acc_s,
                  sem0, sem1, sem2):
    c = lax.axis_index("c")
    s = lax.axis_index("s")
    wid = c * NS + s
    r0 = s * ROWS_PER_TILE
    @pl.when(c == 0)
    def _():
        pltpu.sync_copy(g_hbm.at[pl.ds(r0, ROWS_PER_TILE)],
                        acc_s.at[pl.ds(r0, ROWS_PER_TILE)])

    @pl.when(c != 0)
    def _():
        for k in range(ROWS_PER_TILE // 128):
            pltpu.sync_copy(g_hbm.at[pl.ds(N, 128)],
                            acc_s.at[pl.ds(r0 + k * 128, 128)])

    plsc.subcore_barrier()

    bufs = (rows0_v, rows1_v, rows2_v)
    sems = (sem0, sem1, sem2)

    def gather(j, b):
        pltpu.async_copy(g_hbm.at[src_v.at[j]], bufs[b], sems[b])

    def drain_scatter(j, b):
        pltpu.make_async_copy(g_hbm.at[src_v.at[j]], bufs[b], sems[b]).wait()
        pltpu.sync_copy(bufs[b], acc_s.at[dst_v.at[j]], add=True)

    for h in range(NPARTS):
        pltpu.sync_copy(src_hbm.at[wid, h], src_v)
        pltpu.sync_copy(dst_hbm.at[wid, h], dst_v)
        gather(0, 0)
        gather(1, 1)

        def step(i, carry):
            j = i * 3
            gather(j + 2, 2)
            drain_scatter(j, 0)

            @pl.when(i < NPART // 3 - 1)
            def _():
                gather(j + 3, 0)

            drain_scatter(j + 1, 1)

            @pl.when(i < NPART // 3 - 1)
            def _():
                gather(j + 4, 1)

            drain_scatter(j + 2, 2)
            return carry

        lax.fori_loop(0, NPART // 3, step, 0)

    plsc.subcore_barrier()
    pltpu.sync_copy(acc_s.at[pl.ds(r0, ROWS_PER_TILE)],
                    out_hbm.at[c, pl.ds(r0, ROWS_PER_TILE)])


_BS = 1024
_G = NR // _BS


def _row_spec():
    return pl.BlockSpec((_BS, D), lambda i: (i, 0))


def _col_spec():
    return pl.BlockSpec((_BS, 1), lambda i: (i, 0))


def _acc_spec(half):
    return pl.BlockSpec((1, _BS, D), lambda i, h=half: (h, i, 0))


def _tc_pre_body(degt_ref, emb_ref, w_ref, g_ref, dinv_ref):
    i = pl.program_id(0)
    deg = jnp.sum(degt_ref[...], axis=1, keepdims=True) + 1.0
    rid = lax.broadcasted_iota(jnp.int32, (_BS, 1), 0) + i * _BS
    dinv = jnp.where(rid < N, lax.rsqrt(deg), 0.0)
    h = jnp.dot(emb_ref[...], w_ref[...], preferred_element_type=f32)
    g_ref[...] = h * dinv
    dinv_ref[...] = dinv


def _tc_pre(degt, emb_pad, w1):
    return pl.pallas_call(
        _tc_pre_body,
        grid=(_G,),
        in_specs=[pl.BlockSpec((_BS, NW), lambda i: (i, 0)), _row_spec(),
                  pl.BlockSpec((D, D), lambda i: (0, 0))],
        out_specs=[_row_spec(), _col_spec()],
        out_shape=[jax.ShapeDtypeStruct((NR, D), f32),
                   jax.ShapeDtypeStruct((NR, 1), f32)],
    )(degt, emb_pad, w1)


def _tc_mid_body(a0_ref, a1_ref, dinv_ref, b_ref, w_ref, g_ref):
    dinv = dinv_ref[...]
    x = jnp.maximum((a0_ref[0] + a1_ref[0]) * dinv + b_ref[...], 0.0)
    g_ref[...] = jnp.dot(x, w_ref[...], preferred_element_type=f32) * dinv


def _tc_mid(acc, dinv, b1, w2):
    return pl.pallas_call(
        _tc_mid_body,
        grid=(_G,),
        in_specs=[_acc_spec(0), _acc_spec(1), _col_spec(),
                  pl.BlockSpec((1, D), lambda i: (0, 0)),
                  pl.BlockSpec((D, D), lambda i: (0, 0))],
        out_specs=_row_spec(),
        out_shape=jax.ShapeDtypeStruct((NR, D), f32),
    )(acc, acc, dinv, b1, w2)


def _tc_post_body(a0_ref, a1_ref, dinv_ref, b_ref, out_ref):
    out_ref[...] = (a0_ref[0] + a1_ref[0]) * dinv_ref[...] + b_ref[...]


def _tc_post(acc, dinv, b2):
    return pl.pallas_call(
        _tc_post_body,
        grid=(_G,),
        in_specs=[_acc_spec(0), _acc_spec(1), _col_spec(),
                  pl.BlockSpec((1, D), lambda i: (0, 0))],
        out_specs=_row_spec(),
        out_shape=jax.ShapeDtypeStruct((N, D), f32),
    )(acc, acc, dinv, b2)


def kernel(adj_t, emb, W1, b1, W2, b2):
    pad_i = jnp.arange(EPAD - E, dtype=jnp.int32)
    src = jnp.concatenate([adj_t[0].astype(jnp.int32), N + pad_i % (NR - N)])
    dst = jnp.concatenate([adj_t[1].astype(jnp.int32), N + pad_i % 128])
    src_t = src.reshape(NW, NPARTS, NPART, CHUNK)
    dst_t = dst.reshape(NW, NPARTS, NPART, CHUNK)
    dst_flat = dst.reshape(NW, EPT)

    emb_pad = jnp.zeros((NR, D), f32).at[:N].set(emb)

    degp = _sc_degree(dst_flat)
    degt = degp.T

    g1, dinv = _tc_pre(degt, emb_pad, W1)
    acc1 = _sc_edge_pass(src_t, dst_t, g1)
    g2 = _tc_mid(acc1, dinv, b1.reshape(1, D), W2)
    acc2 = _sc_edge_pass(src_t, dst_t, g2)
    return _tc_post(acc2, dinv, b2.reshape(1, D))

# --- scband reference (transcript-rebuilt; emitter-appended) ---
"""Pipeline reference for scband-gcn-59742995087372 (READ-ONLY COPY).

The authoritative reference and input builder live on the scoring server;
editing this copy changes nothing except your own understanding.
"""

import jax, jax.numpy as jnp
import numpy as np

N = 10000
D = 128
E = 320000


def setup_inputs(seed: int = 0) -> dict:
    key = jax.random.key(seed)
    k1, k2, k3, k4 = jax.random.split(key, 4)
    adj_t = jax.random.randint(k1, (2, E), 0, N, dtype=jnp.int32)
    emb = jax.random.normal(k2, (N, D), dtype=jnp.float32)
    W1 = jax.random.normal(k3, (D, D), dtype=jnp.float32) / np.sqrt(D)
    b1 = jnp.zeros((D,), dtype=jnp.float32)
    W2 = jax.random.normal(k4, (D, D), dtype=jnp.float32) / np.sqrt(D)
    b2 = jnp.zeros((D,), dtype=jnp.float32)
    return {"adj_t": adj_t, "emb": emb, "W1": W1, "b1": b1, "W2": W2, "b2": b2}


def _gcn_conv(x, src, dst, W, b, n):
    # torch_geometric GCNConv (eval): h = x W; symmetric norm with self-loops; scatter-add; + bias
    h = x @ W
    deg = jnp.zeros((n,), dtype=x.dtype).at[dst].add(1.0)
    dinv = jnp.where(deg > 0, 1.0 / jnp.sqrt(jnp.maximum(deg, 1e-12)), 0.0)
    norm = dinv[src] * dinv[dst]
    msg = h[src] * norm[:, None]
    out = jnp.zeros_like(h).at[dst].add(msg)
    return out + b


def reference(adj_t, emb, W1, b1, W2, b2):
    n = emb.shape[0]
    # GCNConv adds self-loops by default
    loop = jnp.arange(n, dtype=adj_t.dtype)
    src = jnp.concatenate([adj_t[0], loop])
    dst = jnp.concatenate([adj_t[1], loop])
    # GCN.forward with use_text=False: x = emb.weight; conv1 -> relu -> (dropout p=0, eval) -> conv2
    x = _gcn_conv(emb, src, dst, W1, b1, n)
    x = jax.nn.relu(x)
    x = _gcn_conv(x, src, dst, W2, b2, n)
    return x

if __name__ == "__main__":
    import jax
    _d = setup_inputs()
    print(jax.jit(kernel)(*tuple(_d.values())))

</pallas_src>

<mosaic_0001>
#map = affine_map<(d0, d1) -> (0, 0, 0, 0)>
#map1 = affine_map<(d0, d1) -> (0, 0)>
#map2 = affine_map<(d0, d1) -> (0, 0, 0)>
module attributes {stable_mosaic.version = 14 : i64} {
  func.func @_sc_edge_pass(%arg0: i32, %arg1: i32, %arg2: memref<32x2x63x80xi32, #tpu.memory_space<hbm>>, %arg3: memref<32x2x63x80xi32, #tpu.memory_space<hbm>>, %arg4: memref<10240x128xf32, #tpu.memory_space<hbm>>, %arg5: memref<2x10240x128xf32, #tpu.memory_space<hbm>>, %arg6: memref<63x80xi32, #tpu.memory_space<vmem>>, %arg7: memref<63x80xi32, #tpu.memory_space<vmem>>, %arg8: memref<80x128xf32, #tpu.memory_space<vmem>>, %arg9: memref<80x128xf32, #tpu.memory_space<vmem>>, %arg10: memref<80x128xf32, #tpu.memory_space<vmem>>, %arg11: memref<10240x128xf32, #tpu.memory_space<vmem_shared>>, %arg12: memref<!tpu.dma_semaphore, #tpu.memory_space<semaphore_mem>>, %arg13: memref<!tpu.dma_semaphore, #tpu.memory_space<semaphore_mem>>, %arg14: memref<!tpu.dma_semaphore, #tpu.memory_space<semaphore_mem>>) attributes {dimension_semantics = [#tpu.dimension_semantics<core_parallel>, #tpu.dimension_semantics<subcore_parallel>], iteration_bounds = array<i64: 2, 16>, scalar_prefetch = 0 : i64, scratch_operands = 9 : i64, tpu.core_type = #tpu.core_type<sc_vector_subcore>, window_params = [{transform_indices = #map}, {transform_indices = #map}, {transform_indices = #map1}, {transform_indices = #map2}]} {
    %mul3A = arith.constant 16 : i32
    %mul3A_0 = arith.muli %arg0, %mul3A : i32
    %add3A = arith.addi %mul3A_0, %arg1 : i32
    %mul3A_1 = arith.constant 640 : i32
    %mul3A_2 = arith.muli %arg1, %mul3A_1 : i32
    %eq3A = arith.constant 0 : i32
    %eq3A_3 = arith.cmpi eq, %arg0, %eq3A : i32
    %convert_element_type3A = arith.extui %eq3A_3 : i1 to i32
    %cond3A = arith.constant 0 : i32
    %cond3A_4 = arith.cmpi ne, %convert_element_type3A, %cond3A : i32
    scf.if %cond3A_4 {
      "tpu.region"() ({
        %run_scoped3A_51 = tpu.sem_alloc : memref<!tpu.dma_semaphore, #tpu.memory_space<semaphore_mem>>
        %dma_start3A_52 = arith.constant 0 : i32
        %dma_start3A_53 = tpu.memref_slice %arg11[%mul3A_2, %dma_start3A_52] : memref<10240x128xf32, #tpu.memory_space<vmem_shared>> -> memref<640x128xf32, #tpu.memory_space<vmem_shared>>
        %dma_start3A_54 = arith.constant 0 : i32
        %dma_start3A_55 = tpu.memref_slice %arg4[%mul3A_2, %dma_start3A_54] : memref<10240x128xf32, #tpu.memory_space<hbm>> -> memref<640x128xf32, #tpu.memory_space<hbm>>
        tpu.enqueue_dma source(%dma_start3A_55 : memref<640x128xf32, #tpu.memory_space<hbm>>) target(%dma_start3A_53 : memref<640x128xf32, #tpu.memory_space<vmem_shared>>) target_semaphore(%run_scoped3A_51 : memref<!tpu.dma_semaphore, #tpu.memory_space<semaphore_mem>>)
        %dma_wait3A = arith.constant 0 : i32
        %dma_wait3A_56 = tpu.memref_slice %arg11[%mul3A_2, %dma_wait3A] : memref<10240x128xf32, #tpu.memory_space<vmem_shared>> -> memref<640x128xf32, #tpu.memory_space<vmem_shared>>
        %dma_wait3A_57 = arith.constant 0 : i32
        %dma_wait3A_58 = tpu.memref_slice %arg4[%mul3A_2, %dma_wait3A_57] : memref<10240x128xf32, #tpu.memory_space<hbm>> -> memref<640x128xf32, #tpu.memory_space<hbm>>
        tpu.wait_dma2 semaphore(%run_scoped3A_51 : memref<!tpu.dma_semaphore, #tpu.memory_space<semaphore_mem>>) src(%dma_wait3A_58 : memref<640x128xf32, #tpu.memory_space<hbm>>) dst(%dma_wait3A_56 : memref<640x128xf32, #tpu.memory_space<vmem_shared>>)
        tpu.yield
      }) : () -> ()
    } else {
    }
    %ne3A = arith.constant 0 : i32
    %ne3A_5 = arith.cmpi ne, %arg0, %ne3A : i32
    %convert_element_type3A_6 = arith.extui %ne3A_5 : i1 to i32
    %cond3A_7 = arith.constant 0 : i32
    %cond3A_8 = arith.cmpi ne, %convert_element_type3A_6, %cond3A_7 : i32
    scf.if %cond3A_8 {
      %add3A_51 = arith.constant 0 : i32
      %add3A_52 = arith.addi %mul3A_2, %add3A_51 : i32
      "tpu.region"() ({
        %run_scoped3A_61 = tpu.sem_alloc : memref<!tpu.dma_semaphore, #tpu.memory_space<semaphore_mem>>
        %dma_start3A_62 = arith.constant 0 : i32
        %dma_start3A_63 = tpu.memref_slice %arg11[%add3A_52, %dma_start3A_62] : memref<10240x128xf32, #tpu.memory_space<vmem_shared>> -> memref<128x128xf32, #tpu.memory_space<vmem_shared>>
        %dma_start3A_64 = arith.constant 10000 : i32
        %dma_start3A_65 = arith.constant 0 : i32
        %dma_start3A_66 = tpu.memref_slice %arg4[%dma_start3A_64, %dma_start3A_65] : memref<10240x128xf32, #tpu.memory_space<hbm>> -> memref<128x128xf32, #tpu.memory_space<hbm>>
        tpu.enqueue_dma source(%dma_start3A_66 : memref<128x128xf32, #tpu.memory_space<hbm>>) target(%dma_start3A_63 : memref<128x128xf32, #tpu.memory_space<vmem_shared>>) target_semaphore(%run_scoped3A_61 : memref<!tpu.dma_semaphore, #tpu.memory_space<semaphore_mem>>)
        %dma_wait3A = arith.constant 0 : i32
        %dma_wait3A_67 = tpu.memref_slice %arg11[%add3A_52, %dma_wait3A] : memref<10240x128xf32, #tpu.memory_space<vmem_shared>> -> memref<128x128xf32, #tpu.memory_space<vmem_shared>>
        %dma_wait3A_68 = arith.constant 10000 : i32
        %dma_wait3A_69 = arith.constant 0 : i32
        %dma_wait3A_70 = tpu.memref_slice %arg4[%dma_wait3A_68, %dma_wait3A_69] : memref<10240x128xf32, #tpu.memory_space<hbm>> -> memref<128x128xf32, #tpu.memory_space<hbm>>
        tpu.wait_dma2 semaphore(%run_scoped3A_61 : memref<!tpu.dma_semaphore, #tpu.memory_space<semaphore_mem>>) src(%dma_wait3A_70 : memref<128x128xf32, #tpu.memory_space<hbm>>) dst(%dma_wait3A_67 : memref<128x128xf32, #tpu.memory_space<vmem_shared>>)
        tpu.yield
      }) : () -> ()
      %add3A_53 = arith.constant 128 : i32
      %add3A_54 = arith.addi %mul3A_2, %add3A_53 : i32
      "tpu.region"() ({
        %run_scoped3A_61 = tpu.sem_alloc : memref<!tpu.dma_semaphore, #tpu.memory_space<semaphore_mem>>
        %dma_start3A_62 = arith.constant 0 : i32
        %dma_start3A_63 = tpu.memref_slice %arg11[%add3A_54, %dma_start3A_62] : memref<10240x128xf32, #tpu.memory_space<vmem_shared>> -> memref<128x128xf32, #tpu.memory_space<vmem_shared>>
        %dma_start3A_64 = arith.constant 10000 : i32
        %dma_start3A_65 = arith.constant 0 : i32
        %dma_start3A_66 = tpu.memref_slice %arg4[%dma_start3A_64, %dma_start3A_65] : memref<10240x128xf32, #tpu.memory_space<hbm>> -> memref<128x128xf32, #tpu.memory_space<hbm>>
        tpu.enqueue_dma source(%dma_start3A_66 : memref<128x128xf32, #tpu.memory_space<hbm>>) target(%dma_start3A_63 : memref<128x128xf32, #tpu.memory_space<vmem_shared>>) target_semaphore(%run_scoped3A_61 : memref<!tpu.dma_semaphore, #tpu.memory_space<semaphore_mem>>)
        %dma_wait3A = arith.constant 0 : i32
        %dma_wait3A_67 = tpu.memref_slice %arg11[%add3A_54, %dma_wait3A] : memref<10240x128xf32, #tpu.memory_space<vmem_shared>> -> memref<128x128xf32, #tpu.memory_space<vmem_shared>>
        %dma_wait3A_68 = arith.constant 10000 : i32
        %dma_wait3A_69 = arith.constant 0 : i32
        %dma_wait3A_70 = tpu.memref_slice %arg4[%dma_wait3A_68, %dma_wait3A_69] : memref<10240x128xf32, #tpu.memory_space<hbm>> -> memref<128x128xf32, #tpu.memory_space<hbm>>
        tpu.wait_dma2 semaphore(%run_scoped3A_61 : memref<!tpu.dma_semaphore, #tpu.memory_space<semaphore_mem>>) src(%dma_wait3A_70 : memref<128x128xf32, #tpu.memory_space<hbm>>) dst(%dma_wait3A_67 : memref<128x128xf32, #tpu.memory_space<vmem_shared>>)
        tpu.yield
      }) : () -> ()
      %add3A_55 = arith.constant 256 : i32
      %add3A_56 = arith.addi %mul3A_2, %add3A_55 : i32
      "tpu.region"() ({
        %run_scoped3A_61 = tpu.sem_alloc : memref<!tpu.dma_semaphore, #tpu.memory_space<semaphore_mem>>
        %dma_start3A_62 = arith.constant 0 : i32
        %dma_start3A_63 = tpu.memref_slice %arg11[%add3A_56, %dma_start3A_62] : memref<10240x128xf32, #tpu.memory_space<vmem_shared>> -> memref<128x128xf32, #tpu.memory_space<vmem_shared>>
        %dma_start3A_64 = arith.constant 10000 : i32
        %dma_start3A_65 = arith.constant 0 : i32
        %dma_start3A_66 = tpu.memref_slice %arg4[%dma_start3A_64, %dma_start3A_65] : memref<10240x128xf32, #tpu.memory_space<hbm>> -> memref<128x128xf32, #tpu.memory_space<hbm>>
        tpu.enqueue_dma source(%dma_start3A_66 : memref<128x128xf32, #tpu.memory_space<hbm>>) target(%dma_start3A_63 : memref<128x128xf32, #tpu.memory_space<vmem_shared>>) target_semaphore(%run_scoped3A_61 : memref<!tpu.dma_semaphore, #tpu.memory_space<semaphore_mem>>)
        %dma_wait3A = arith.constant 0 : i32
        %dma_wait3A_67 = tpu.memref_slice %arg11[%add3A_56, %dma_wait3A] : memref<10240x128xf32, #tpu.memory_space<vmem_shared>> -> memref<128x128xf32, #tpu.memory_space<vmem_shared>>
        %dma_wait3A_68 = arith.constant 10000 : i32
        %dma_wait3A_69 = arith.constant 0 : i32
        %dma_wait3A_70 = tpu.memref_slice %arg4[%dma_wait3A_68, %dma_wait3A_69] : memref<10240x128xf32, #tpu.memory_space<hbm>> -> memref<128x128xf32, #tpu.memory_space<hbm>>
        tpu.wait_dma2 semaphore(%run_scoped3A_61 : memref<!tpu.dma_semaphore, #tpu.memory_space<semaphore_mem>>) src(%dma_wait3A_70 : memref<128x128xf32, #tpu.memory_space<hbm>>) dst(%dma_wait3A_67 : memref<128x128xf32, #tpu.memory_space<vmem_shared>>)
        tpu.yield
      }) : () -> ()
      %add3A_57 = arith.constant 384 : i32
      %add3A_58 = arith.addi %mul3A_2, %add3A_57 : i32
      "tpu.region"() ({
        %run_scoped3A_61 = tpu.sem_alloc : memref<!tpu.dma_semaphore, #tpu.memory_space<semaphore_mem>>
        %dma_start3A_62 = arith.constant 0 : i32
        %dma_start3A_63 = tpu.memref_slice %arg11[%add3A_58, %dma_start3A_62] : memref<10240x128xf32, #tpu.memory_space<vmem_shared>> -> memref<128x128xf32, #tpu.memory_space<vmem_shared>>
        %dma_start3A_64 = arith.constant 10000 : i32
        %dma_start3A_65 = arith.constant 0 : i32
        %dma_start3A_66 = tpu.memref_slice %arg4[%dma_start3A_64, %dma_start3A_65] : memref<10240x128xf32, #tpu.memory_space<hbm>> -> memref<128x128xf32, #tpu.memory_space<hbm>>
        tpu.enqueue_dma source(%dma_start3A_66 : memref<128x128xf32, #tpu.memory_space<hbm>>) target(%dma_start3A_63 : memref<128x128xf32, #tpu.memory_space<vmem_shared>>) target_semaphore(%run_scoped3A_61 : memref<!tpu.dma_semaphore, #tpu.memory_space<semaphore_mem>>)
        %dma_wait3A = arith.constant 0 : i32
        %dma_wait3A_67 = tpu.memref_slice %arg11[%add3A_58, %dma_wait3A] : memref<10240x128xf32, #tpu.memory_space<vmem_shared>> -> memref<128x128xf32, #tpu.memory_space<vmem_shared>>
        %dma_wait3A_68 = arith.constant 10000 : i32
        %dma_wait3A_69 = arith.constant 0 : i32
        %dma_wait3A_70 = tpu.memref_slice %arg4[%dma_wait3A_68, %dma_wait3A_69] : memref<10240x128xf32, #tpu.memory_space<hbm>> -> memref<128x128xf32, #tpu.memory_space<hbm>>
        tpu.wait_dma2 semaphore(%run_scoped3A_61 : memref<!tpu.dma_semaphore, #tpu.memory_space<semaphore_mem>>) src(%dma_wait3A_70 : memref<128x128xf32, #tpu.memory_space<hbm>>) dst(%dma_wait3A_67 : memref<128x128xf32, #tpu.memory_space<vmem_shared>>)
        tpu.yield
      }) : () -> ()
      %add3A_59 = arith.constant 512 : i32
      %add3A_60 = arith.addi %mul3A_2, %add3A_59 : i32
      "tpu.region"() ({
        %run_scoped3A_61 = tpu.sem_alloc : memref<!tpu.dma_semaphore, #tpu.memory_space<semaphore_mem>>
        %dma_start3A_62 = arith.constant 0 : i32
        %dma_start3A_63 = tpu.memref_slice %arg11[%add3A_60, %dma_start3A_62] : memref<10240x128xf32, #tpu.memory_space<vmem_shared>> -> memref<128x128xf32, #tpu.memory_space<vmem_shared>>
        %dma_start3A_64 = arith.constant 10000 : i32
        %dma_start3A_65 = arith.constant 0 : i32
        %dma_start3A_66 = tpu.memref_slice %arg4[%dma_start3A_64, %dma_start3A_65] : memref<10240x128xf32, #tpu.memory_space<hbm>> -> memref<128x128xf32, #tpu.memory_space<hbm>>
        tpu.enqueue_dma source(%dma_start3A_66 : memref<128x128xf32, #tpu.memory_space<hbm>>) target(%dma_start3A_63 : memref<128x128xf32, #tpu.memory_space<vmem_shared>>) target_semaphore(%run_scoped3A_61 : memref<!tpu.dma_semaphore, #tpu.memory_space<semaphore_mem>>)
        %dma_wait3A = arith.constant 0 : i32
        %dma_wait3A_67 = tpu.memref_slice %arg11[%add3A_60, %dma_wait3A] : memref<10240x128xf32, #tpu.memory_space<vmem_shared>> -> memref<128x128xf32, #tpu.memory_space<vmem_shared>>
        %dma_wait3A_68 = arith.constant 10000 : i32
        %dma_wait3A_69 = arith.constant 0 : i32
        %dma_wait3A_70 = tpu.memref_slice %arg4[%dma_wait3A_68, %dma_wait3A_69] : memref<10240x128xf32, #tpu.memory_space<hbm>> -> memref<128x128xf32, #tpu.memory_space<hbm>>
        tpu.wait_dma2 semaphore(%run_scoped3A_61 : memref<!tpu.dma_semaphore, #tpu.memory_space<semaphore_mem>>) src(%dma_wait3A_70 : memref<128x128xf32, #tpu.memory_space<hbm>>) dst(%dma_wait3A_67 : memref<128x128xf32, #tpu.memory_space<vmem_shared>>)
        tpu.yield
      }) : () -> ()
    } else {
    }
    %barrier3A = arith.constant 0 : index
    tpu.barrier barrier_id(%barrier3A)
    %run_scoped3A = arith.constant 0 : i32
    "tpu.region"() ({
      %run_scoped3A_51 = tpu.sem_alloc : memref<!tpu.dma_semaphore, #tpu.memory_space<semaphore_mem>>
      %dma_start3A_52 = arith.constant 0 : i32
      %dma_start3A_53 = arith.constant 0 : i32
      %dma_start3A_54 = tpu.memref_slice %arg2[%add3A, %run_scoped3A, %dma_start3A_52, %dma_start3A_53] : memref<32x2x63x80xi32, #tpu.memory_space<hbm>> -> memref<1x1x63x80xi32, #tpu.memory_space<hbm>>
      %dma_start3A_55 = tpu.memref_squeeze %dma_start3A_54 : memref<1x1x63x80xi32, #tpu.memory_space<hbm>> -> memref<63x80xi32, #tpu.memory_space<hbm>>
      %dma_start3A_56 = arith.constant 0 : i32
      %dma_start3A_57 = arith.constant 0 : i32
      %dma_start3A_58 = tpu.memref_slice %arg2[%add3A, %run_scoped3A, %dma_start3A_56, %dma_start3A_57] : memref<32x2x63x80xi32, #tpu.memory_space<hbm>> -> memref<1x1x63x80xi32, #tpu.memory_space<hbm>>
      %dma_start3A_59 = tpu.memref_squeeze %dma_start3A_58 : memref<1x1x63x80xi32, #tpu.memory_space<hbm>> -> memref<63x80xi32, #tpu.memory_space<hbm>>
      tpu.enqueue_dma source(%dma_start3A_59 : memref<63x80xi32, #tpu.memory_space<hbm>>) target(%arg6 : memref<63x80xi32, #tpu.memory_space<vmem>>) target_semaphore(%run_scoped3A_51 : memref<!tpu.dma_semaphore, #tpu.memory_space<semaphore_mem>>)
      %dma_wait3A = arith.constant 0 : i32
      %dma_wait3A_60 = arith.constant 0 : i32
      %dma_wait3A_61 = tpu.memref_slice %arg2[%add3A, %run_scoped3A, %dma_wait3A, %dma_wait3A_60] : memref<32x2x63x80xi32, #tpu.memory_space<hbm>> -> memref<1x1x63x80xi32, #tpu.memory_space<hbm>>
      %dma_wait3A_62 = tpu.memref_squeeze %dma_wait3A_61 : memref<1x1x63x80xi32, #tpu.memory_space<hbm>> -> memref<63x80xi32, #tpu.memory_space<hbm>>
      %dma_wait3A_63 = arith.constant 0 : i32
      %dma_wait3A_64 = arith.constant 0 : i32
      %dma_wait3A_65 = tpu.memref_slice %arg2[%add3A, %run_scoped3A, %dma_wait3A_63, %dma_wait3A_64] : memref<32x2x63x80xi32, #tpu.memory_space<hbm>> -> memref<1x1x63x80xi32, #tpu.memory_space<hbm>>
      %dma_wait3A_66 = tpu.memref_squeeze %dma_wait3A_65 : memref<1x1x63x80xi32, #tpu.memory_space<hbm>> -> memref<63x80xi32, #tpu.memory_space<hbm>>
      tpu.wait_dma2 semaphore(%run_scoped3A_51 : memref<!tpu.dma_semaphore, #tpu.memory_space<semaphore_mem>>) src(%dma_wait3A_66 : memref<63x80xi32, #tpu.memory_space<hbm>>) dst(%arg6 : memref<63x80xi32, #tpu.memory_space<vmem>>)
      tpu.yield
    }) : () -> ()
    %run_scoped3A_9 = arith.constant 0 : i32
    "tpu.region"() ({
      %run_scoped3A_51 = tpu.sem_alloc : memref<!tpu.dma_semaphore, #tpu.memory_space<semaphore_mem>>
      %dma_start3A_52 = arith.constant 0 : i32
      %dma_start3A_53 = arith.constant 0 : i32
      %dma_start3A_54 = tpu.memref_slice %arg3[%add3A, %run_scoped3A_9, %dma_start3A_52, %dma_start3A_53] : memref<32x2x63x80xi32, #tpu.memory_space<hbm>> -> memref<1x1x63x80xi32, #tpu.memory_space<hbm>>
      %dma_start3A_55 = tpu.memref_squeeze %dma_start3A_54 : memref<1x1x63x80xi32, #tpu.memory_space<hbm>> -> memref<63x80xi32, #tpu.memory_space<hbm>>
      %dma_start3A_56 = arith.constant 0 : i32
      %dma_start3A_57 = arith.constant 0 : i32
      %dma_start3A_58 = tpu.memref_slice %arg3[%add3A, %run_scoped3A_9, %dma_start3A_56, %dma_start3A_57] : memref<32x2x63x80xi32, #tpu.memory_space<hbm>> -> memref<1x1x63x80xi32, #tpu.memory_space<hbm>>
      %dma_start3A_59 = tpu.memref_squeeze %dma_start3A_58 : memref<1x1x63x80xi32, #tpu.memory_space<hbm>> -> memref<63x80xi32, #tpu.memory_space<hbm>>
      tpu.enqueue_dma source(%dma_start3A_59 : memref<63x80xi32, #tpu.memory_space<hbm>>) target(%arg7 : memref<63x80xi32, #tpu.memory_space<vmem>>) target_semaphore(%run_scoped3A_51 : memref<!tpu.dma_semaphore, #tpu.memory_space<semaphore_mem>>)
      %dma_wait3A = arith.constant 0 : i32
      %dma_wait3A_60 = arith.constant 0 : i32
      %dma_wait3A_61 = tpu.memref_slice %arg3[%add3A, %run_scoped3A_9, %dma_wait3A, %dma_wait3A_60] : memref<32x2x63x80xi32, #tpu.memory_space<hbm>> -> memref<1x1x63x80xi32, #tpu.memory_space<hbm>>
      %dma_wait3A_62 = tpu.memref_squeeze %dma_wait3A_61 : memref<1x1x63x80xi32, #tpu.memory_space<hbm>> -> memref<63x80xi32, #tpu.memory_space<hbm>>
      %dma_wait3A_63 = arith.constant 0 : i32
      %dma_wait3A_64 = arith.constant 0 : i32
      %dma_wait3A_65 = tpu.memref_slice %arg3[%add3A, %run_scoped3A_9, %dma_wait3A_63, %dma_wait3A_64] : memref<32x2x63x80xi32, #tpu.memory_space<hbm>> -> memref<1x1x63x80xi32, #tpu.memory_space<hbm>>
      %dma_wait3A_66 = tpu.memref_squeeze %dma_wait3A_65 : memref<1x1x63x80xi32, #tpu.memory_space<hbm>> -> memref<63x80xi32, #tpu.memory_space<hbm>>
      tpu.wait_dma2 semaphore(%run_scoped3A_51 : memref<!tpu.dma_semaphore, #tpu.memory_space<semaphore_mem>>) src(%dma_wait3A_66 : memref<63x80xi32, #tpu.memory_space<hbm>>) dst(%arg7 : memref<63x80xi32, #tpu.memory_space<vmem>>)
      tpu.yield
    }) : () -> ()
    %dma_start3A = arith.constant 0 : i32
    %dma_start3A_10 = arith.constant 0 : i32
    %dma_start3A_11 = tpu.memref_slice %arg6[%dma_start3A, %dma_start3A_10] : memref<63x80xi32, #tpu.memory_space<vmem>> -> memref<1x80xi32, #tpu.memory_space<vmem>>
    %dma_start3A_12 = tpu.memref_squeeze %dma_start3A_11 : memref<1x80xi32, #tpu.memory_space<vmem>> -> memref<80xi32, #tpu.memory_space<vmem>>
    %dma_start3A_13 = arith.constant 0 : i32
    %dma_start3A_14 = arith.constant 0 : i32
    %dma_start3A_15 = tpu.memref_slice %arg4[%dma_start3A_13, %dma_start3A_14] : memref<10240x128xf32, #tpu.memory_space<hbm>> -> memref<10240x128xf32, #tpu.memory_space<hbm>>
    tpu.enqueue_indirect_dma source(%dma_start3A_15 : memref<10240x128xf32, #tpu.memory_space<hbm>>) target(%arg8 : memref<80x128xf32, #tpu.memory_space<vmem>>) offsets(%dma_start3A_12 : memref<80xi32, #tpu.memory_space<vmem>>) semaphore(%arg12 : memref<!tpu.dma_semaphore, #tpu.memory_space<semaphore_mem>>)
    %dma_start3A_16 = arith.constant 1 : i32
    %dma_start3A_17 = arith.constant 0 : i32
    %dma_start3A_18 = tpu.memref_slice %arg6[%dma_start3A_16, %dma_start3A_17] : memref<63x80xi32, #tpu.memory_space<vmem>> -> memref<1x80xi32, #tpu.memory_space<vmem>>
    %dma_start3A_19 = tpu.memref_squeeze %dma_start3A_18 : memref<1x80xi32, #tpu.memory_space<vmem>> -> memref<80xi32, #tpu.memory_space<vmem>>
    %dma_start3A_20 = arith.constant 0 : i32
    %dma_start3A_21 = arith.constant 0 : i32
    %dma_start3A_22 = tpu.memref_slice %arg4[%dma_start3A_20, %dma_start3A_21] : memref<10240x128xf32, #tpu.memory_space<hbm>> -> memref<10240x128xf32, #tpu.memory_space<hbm>>
    tpu.enqueue_indirect_dma source(%dma_start3A_22 : memref<10240x128xf32, #tpu.memory_space<hbm>>) target(%arg9 : memref<80x128xf32, #tpu.memory_space<vmem>>) offsets(%dma_start3A_19 : memref<80xi32, #tpu.memory_space<vmem>>) semaphore(%arg13 : memref<!tpu.dma_semaphore, #tpu.memory_space<semaphore_mem>>)
    %scan3A = arith.constant 0 : i32
    %scan3A_23 = arith.constant 0 : i32
    %scan3A_24 = arith.constant 21 : i32
    %scan3A_25 = arith.addi %scan3A_23, %scan3A_24 : i32
    %scan3A_26 = arith.constant 1 : i32
    scf.for %scan3A_51 = %scan3A_23 to %scan3A_25 step %scan3A_26  : i32 {
      %mul3A_52 = arith.constant 3 : i32
      %mul3A_53 = arith.muli %scan3A_51, %mul3A_52 : i32
      %add3A_54 = arith.constant 2 : i32
      %add3A_55 = arith.addi %mul3A_53, %add3A_54 : i32
      %dma_start3A_56 = arith.constant 0 : i32
      %dma_start3A_57 = tpu.memref_slice %arg6[%add3A_55, %dma_start3A_56] : memref<63x80xi32, #tpu.memory_space<vmem>> -> memref<1x80xi32, #tpu.memory_space<vmem>>
      %dma_start3A_58 = tpu.memref_squeeze %dma_start3A_57 : memref<1x80xi32, #tpu.memory_space<vmem>> -> memref<80xi32, #tpu.memory_space<vmem>>
      %dma_start3A_59 = arith.constant 0 : i32
      %dma_start3A_60 = arith.constant 0 : i32
      %dma_start3A_61 = tpu.memref_slice %arg4[%dma_start3A_59, %dma_start3A_60] : memref<10240x128xf32, #tpu.memory_space<hbm>> -> memref<10240x128xf32, #tpu.memory_space<hbm>>
      tpu.enqueue_indirect_dma source(%dma_start3A_61 : memref<10240x128xf32, #tpu.memory_space<hbm>>) target(%arg10 : memref<80x128xf32, #tpu.memory_space<vmem>>) offsets(%dma_start3A_58 : memref<80xi32, #tpu.memory_space<vmem>>) semaphore(%arg14 : memref<!tpu.dma_semaphore, #tpu.memory_space<semaphore_mem>>)
      %dma_wait3A = arith.constant 0 : i32
      %dma_wait3A_62 = tpu.memref_slice %arg6[%mul3A_53, %dma_wait3A] : memref<63x80xi32, #tpu.memory_space<vmem>> -> memref<1x80xi32, #tpu.memory_space<vmem>>
      %dma_wait3A_63 = tpu.memref_squeeze %dma_wait3A_62 : memref<1x80xi32, #tpu.memory_space<vmem>> -> memref<80xi32, #tpu.memory_space<vmem>>
      %dma_wait3A_64 = arith.constant 0 : i32
      %dma_wait3A_65 = arith.constant 0 : i32
      %dma_wait3A_66 = tpu.memref_slice %arg4[%dma_wait3A_64, %dma_wait3A_65] : memref<10240x128xf32, #tpu.memory_space<hbm>> -> memref<10240x128xf32, #tpu.memory_space<hbm>>
      tpu.wait_indirect_dma semaphore(%arg12 : memref<!tpu.dma_semaphore, #tpu.memory_space<semaphore_mem>>) src(%dma_wait3A_66 : memref<10240x128xf32, #tpu.memory_space<hbm>>) dst(%arg8 : memref<80x128xf32, #tpu.memory_space<vmem>>)
      "tpu.region"() ({
        %run_scoped3A_92 = tpu.sem_alloc : memref<!tpu.dma_semaphore, #tpu.memory_space<semaphore_mem>>
        %dma_start3A_93 = arith.constant 0 : i32
        %dma_start3A_94 = tpu.memref_slice %arg7[%mul3A_53, %dma_start3A_93] : memref<63x80xi32, #tpu.memory_space<vmem>> -> memref<1x80xi32, #tpu.memory_space<vmem>>
        %dma_start3A_95 = tpu.memref_squeeze %dma_start3A_94 : memref<1x80xi32, #tpu.memory_space<vmem>> -> memref<80xi32, #tpu.memory_space<vmem>>
        %dma_start3A_96 = arith.constant 0 : i32
        %dma_start3A_97 = arith.constant 0 : i32
        %dma_start3A_98 = tpu.memref_slice %arg11[%dma_start3A_96, %dma_start3A_97] : memref<10240x128xf32, #tpu.memory_space<vmem_shared>> -> memref<10240x128xf32, #tpu.memory_space<vmem_shared>>
        tpu.enqueue_indirect_dma source(%arg8 : memref<80x128xf32, #tpu.memory_space<vmem>>) target(%dma_start3A_98 : memref<10240x128xf32, #tpu.memory_space<vmem_shared>>) offsets(%dma_start3A_95 : memref<80xi32, #tpu.memory_space<vmem>>) semaphore(%run_scoped3A_92 : memref<!tpu.dma_semaphore, #tpu.memory_space<semaphore_mem>>) {add = true}
        %dma_wait3A_99 = arith.constant 0 : i32
        %dma_wait3A_100 = tpu.memref_slice %arg7[%mul3A_53, %dma_wait3A_99] : memref<63x80xi32, #tpu.memory_space<vmem>> -> memref<1x80xi32, #tpu.memory_space<vmem>>
        %dma_wait3A_101 = tpu.memref_squeeze %dma_wait3A_100 : memref<1x80xi32, #tpu.memory_space<vmem>> -> memref<80xi32, #tpu.memory_space<vmem>>
        %dma_wait3A_102 = arith.constant 0 : i32
        %dma_wait3A_103 = arith.constant 0 : i32
        %dma_wait3A_104 = tpu.memref_slice %arg11[%dma_wait3A_102, %dma_wait3A_103] : memref<10240x128xf32, #tpu.memory_space<vmem_shared>> -> memref<10240x128xf32, #tpu.memory_space<vmem_shared>>
        tpu.wait_indirect_dma semaphore(%run_scoped3A_92 : memref<!tpu.dma_semaphore, #tpu.memory_space<semaphore_mem>>) src(%arg8 : memref<80x128xf32, #tpu.memory_space<vmem>>) dst(%dma_wait3A_104 : memref<10240x128xf32, #tpu.memory_space<vmem_shared>>)
        tpu.yield
      }) : () -> ()
      %lt3A = arith.constant 20 : i32
      %lt3A_67 = arith.cmpi slt, %scan3A_51, %lt3A : i32
      %convert_element_type3A_68 = arith.extui %lt3A_67 : i1 to i32
      %cond3A_69 = arith.constant 0 : i32
      %cond3A_70 = arith.cmpi ne, %convert_element_type3A_68, %cond3A_69 : i32
      scf.if %cond3A_70 {
        %add3A_92 = arith.constant 3 : i32
        %add3A_93 = arith.addi %mul3A_53, %add3A_92 : i32
        %dma_start3A_94 = arith.constant 0 : i32
        %dma_start3A_95 = tpu.memref_slice %arg6[%add3A_93, %dma_start3A_94] : memref<63x80xi32, #tpu.memory_space<vmem>> -> memref<1x80xi32, #tpu.memory_space<vmem>>
        %dma_start3A_96 = tpu.memref_squeeze %dma_start3A_95 : memref<1x80xi32, #tpu.memory_space<vmem>> -> memref<80xi32, #tpu.memory_space<vmem>>
        %dma_start3A_97 = arith.constant 0 : i32
        %dma_start3A_98 = arith.constant 0 : i32
        %dma_start3A_99 = tpu.memref_slice %arg4[%dma_start3A_97, %dma_start3A_98] : memref<10240x128xf32, #tpu.memory_space<hbm>> -> memref<10240x128xf32, #tpu.memory_space<hbm>>
        tpu.enqueue_indirect_dma source(%dma_start3A_99 : memref<10240x128xf32, #tpu.memory_space<hbm>>) target(%arg8 : memref<80x128xf32, #tpu.memory_space<vmem>>) offsets(%dma_start3A_96 : memref<80xi32, #tpu.memory_space<vmem>>) semaphore(%arg12 : memref<!tpu.dma_semaphore, #tpu.memory_space<semaphore_mem>>)
      } else {
      }
      %add3A_71 = arith.constant 1 : i32
      %add3A_72 = arith.addi %mul3A_53, %add3A_71 : i32
      %dma_wait3A_73 = arith.constant 0 : i32
      %dma_wait3A_74 = tpu.memref_slice %arg6[%add3A_72, %dma_wait3A_73] : memref<63x80xi32, #tpu.memory_space<vmem>> -> memref<1x80xi32, #tpu.memory_space<vmem>>
      %dma_wait3A_75 = tpu.memref_squeeze %dma_wait3A_74 : memref<1x80xi32, #tpu.memory_space<vmem>> -> memref<80xi32, #tpu.memory_space<vmem>>
      %dma_wait3A_76 = arith.constant 0 : i32
      %dma_wait3A_77 = arith.constant 0 : i32
      %dma_wait3A_78 = tpu.memref_slice %arg4[%dma_wait3A_76, %dma_wait3A_77] : memref<10240x128xf32, #tpu.memory_space<hbm>> -> memref<10240x128xf32, #tpu.memory_space<hbm>>
      tpu.wait_indirect_dma semaphore(%arg13 : memref<!tpu.dma_semaphore, #tpu.memory_space<semaphore_mem>>) src(%dma_wait3A_78 : memref<10240x128xf32, #tpu.memory_space<hbm>>) dst(%arg9 : memref<80x128xf32, #tpu.memory_space<vmem>>)
      "tpu.region"() ({
        %run_scoped3A_92 = tpu.sem_alloc : memref<!tpu.dma_semaphore, #tpu.memory_space<semaphore_mem>>
        %dma_start3A_93 = arith.constant 0 : i32
        %dma_start3A_94 = tpu.memref_slice %arg7[%add3A_72, %dma_start3A_93] : memref<63x80xi32, #tpu.memory_space<vmem>> -> memref<1x80xi32, #tpu.memory_space<vmem>>
        %dma_start3A_95 = tpu.memref_squeeze %dma_start3A_94 : memref<1x80xi32, #tpu.memory_space<vmem>> -> memref<80xi32, #tpu.memory_space<vmem>>
        %dma_start3A_96 = arith.constant 0 : i32
        %dma_start3A_97 = arith.constant 0 : i32
        %dma_start3A_98 = tpu.memref_slice %arg11[%dma_start3A_96, %dma_start3A_97] : memref<10240x128xf32, #tpu.memory_space<vmem_shared>> -> memref<10240x128xf32, #tpu.memory_space<vmem_shared>>
        tpu.enqueue_indirect_dma source(%arg9 : memref<80x128xf32, #tpu.memory_space<vmem>>) target(%dma_start3A_98 : memref<10240x128xf32, #tpu.memory_space<vmem_shared>>) offsets(%dma_start3A_95 : memref<80xi32, #tpu.memory_space<vmem>>) semaphore(%run_scoped3A_92 : memref<!tpu.dma_semaphore, #tpu.memory_space<semaphore_mem>>) {add = true}
        %dma_wait3A_99 = arith.constant 0 : i32
        %dma_wait3A_100 = tpu.memref_slice %arg7[%add3A_72, %dma_wait3A_99] : memref<63x80xi32, #tpu.memory_space<vmem>> -> memref<1x80xi32, #tpu.memory_space<vmem>>
        %dma_wait3A_101 = tpu.memref_squeeze %dma_wait3A_100 : memref<1x80xi32, #tpu.memory_space<vmem>> -> memref<80xi32, #tpu.memory_space<vmem>>
        %dma_wait3A_102 = arith.constant 0 : i32
        %dma_wait3A_103 = arith.constant 0 : i32
        %dma_wait3A_104 = tpu.memref_slice %arg11[%dma_wait3A_102, %dma_wait3A_103] : memref<10240x128xf32, #tpu.memory_space<vmem_shared>> -> memref<10240x128xf32, #tpu.memory_space<vmem_shared>>
        tpu.wait_indirect_dma semaphore(%run_scoped3A_92 : memref<!tpu.dma_semaphore, #tpu.memory_space<semaphore_mem>>) src(%arg9 : memref<80x128xf32, #tpu.memory_space<vmem>>) dst(%dma_wait3A_104 : memref<10240x128xf32, #tpu.memory_space<vmem_shared>>)
        tpu.yield
      }) : () -> ()
      %lt3A_79 = arith.constant 20 : i32
      %lt3A_80 = arith.cmpi slt, %scan3A_51, %lt3A_79 : i32
      %convert_element_type3A_81 = arith.extui %lt3A_80 : i1 to i32
      %cond3A_82 = arith.constant 0 : i32
      %cond3A_83 = arith.cmpi ne, %convert_element_type3A_81, %cond3A_82 : i32
      scf.if %cond3A_83 {
        %add3A_92 = arith.constant 4 : i32
        %add3A_93 = arith.addi %mul3A_53, %add3A_92 : i32
        %dma_start3A_94 = arith.constant 0 : i32
        %dma_start3A_95 = tpu.memref_slice %arg6[%add3A_93, %dma_start3A_94] : memref<63x80xi32, #tpu.memory_space<vmem>> -> memref<1x80xi32, #tpu.memory_space<vmem>>
        %dma_start3A_96 = tpu.memref_squeeze %dma_start3A_95 : memref<1x80xi32, #tpu.memory_space<vmem>> -> memref<80xi32, #tpu.memory_space<vmem>>
        %dma_start3A_97 = arith.constant 0 : i32
        %dma_start3A_98 = arith.constant 0 : i32
        %dma_start3A_99 = tpu.memref_slice %arg4[%dma_start3A_97, %dma_start3A_98] : memref<10240x128xf32, #tpu.memory_space<hbm>> -> memref<10240x128xf32, #tpu.memory_space<hbm>>
        tpu.enqueue_indirect_dma source(%dma_start3A_99 : memref<10240x128xf32, #tpu.memory_space<hbm>>) target(%arg9 : memref<80x128xf32, #tpu.memory_space<vmem>>) offsets(%dma_start3A_96 : memref<80xi32, #tpu.memory_space<vmem>>) semaphore(%arg13 : memref<!tpu.dma_semaphore, #tpu.memory_space<semaphore_mem>>)
      } else {
      }
      %add3A_84 = arith.constant 2 : i32
      %add3A_85 = arith.addi %mul3A_53, %add3A_84 : i32
      %dma_wait3A_86 = arith.constant 0 : i32
      %dma_wait3A_87 = tpu.memref_slice %arg6[%add3A_85, %dma_wait3A_86] : memref<63x80xi32, #tpu.memory_space<vmem>> -> memref<1x80xi32, #tpu.memory_space<vmem>>
      %dma_wait3A_88 = tpu.memref_squeeze %dma_wait3A_87 : memref<1x80xi32, #tpu.memory_space<vmem>> -> memref<80xi32, #tpu.memory_space<vmem>>
      %dma_wait3A_89 = arith.constant 0 : i32
      %dma_wait3A_90 = arith.constant 0 : i32
      %dma_wait3A_91 = tpu.memref_slice %arg4[%dma_wait3A_89, %dma_wait3A_90] : memref<10240x128xf32, #tpu.memory_space<hbm>> -> memref<10240x128xf32, #tpu.memory_space<hbm>>
      tpu.wait_indirect_dma semaphore(%arg14 : memref<!tpu.dma_semaphore, #tpu.memory_space<semaphore_mem>>) src(%dma_wait3A_91 : memref<10240x128xf32, #tpu.memory_space<hbm>>) dst(%arg10 : memref<80x128xf32, #tpu.memory_space<vmem>>)
      "tpu.region"() ({
        %run_scoped3A_92 = tpu.sem_alloc : memref<!tpu.dma_semaphore, #tpu.memory_space<semaphore_mem>>
        %dma_start3A_93 = arith.constant 0 : i32
        %dma_start3A_94 = tpu.memref_slice %arg7[%add3A_85, %dma_start3A_93] : memref<63x80xi32, #tpu.memory_space<vmem>> -> memref<1x80xi32, #tpu.memory_space<vmem>>
        %dma_start3A_95 = tpu.memref_squeeze %dma_start3A_94 : memref<1x80xi32, #tpu.memory_space<vmem>> -> memref<80xi32, #tpu.memory_space<vmem>>
        %dma_start3A_96 = arith.constant 0 : i32
        %dma_start3A_97 = arith.constant 0 : i32
        %dma_start3A_98 = tpu.memref_slice %arg11[%dma_start3A_96, %dma_start3A_97] : memref<10240x128xf32, #tpu.memory_space<vmem_shared>> -> memref<10240x128xf32, #tpu.memory_space<vmem_shared>>
        tpu.enqueue_indirect_dma source(%arg10 : memref<80x128xf32, #tpu.memory_space<vmem>>) target(%dma_start3A_98 : memref<10240x128xf32, #tpu.memory_space<vmem_shared>>) offsets(%dma_start3A_95 : memref<80xi32, #tpu.memory_space<vmem>>) semaphore(%run_scoped3A_92 : memref<!tpu.dma_semaphore, #tpu.memory_space<semaphore_mem>>) {add = true}
        %dma_wait3A_99 = arith.constant 0 : i32
        %dma_wait3A_100 = tpu.memref_slice %arg7[%add3A_85, %dma_wait3A_99] : memref<63x80xi32, #tpu.memory_space<vmem>> -> memref<1x80xi32, #tpu.memory_space<vmem>>
        %dma_wait3A_101 = tpu.memref_squeeze %dma_wait3A_100 : memref<1x80xi32, #tpu.memory_space<vmem>> -> memref<80xi32, #tpu.memory_space<vmem>>
        %dma_wait3A_102 = arith.constant 0 : i32
        %dma_wait3A_103 = arith.constant 0 : i32
        %dma_wait3A_104 = tpu.memref_slice %arg11[%dma_wait3A_102, %dma_wait3A_103] : memref<10240x128xf32, #tpu.memory_space<vmem_shared>> -> memref<10240x128xf32, #tpu.memory_space<vmem_shared>>
        tpu.wait_indirect_dma semaphore(%run_scoped3A_92 : memref<!tpu.dma_semaphore, #tpu.memory_space<semaphore_mem>>) src(%arg10 : memref<80x128xf32, #tpu.memory_space<vmem>>) dst(%dma_wait3A_104 : memref<10240x128xf32, #tpu.memory_space<vmem_shared>>)
        tpu.yield
      }) : () -> ()
    }
    %scan3A_27 = arith.constant 21 : i32
    %run_scoped3A_28 = arith.constant 1 : i32
    "tpu.region"() ({
      %run_scoped3A_51 = tpu.sem_alloc : memref<!tpu.dma_semaphore, #tpu.memory_space<semaphore_mem>>
      %dma_start3A_52 = arith.constant 0 : i32
      %dma_start3A_53 = arith.constant 0 : i32
      %dma_start3A_54 = tpu.memref_slice %arg2[%add3A, %run_scoped3A_28, %dma_start3A_52, %dma_start3A_53] : memref<32x2x63x80xi32, #tpu.memory_space<hbm>> -> memref<1x1x63x80xi32, #tpu.memory_space<hbm>>
      %dma_start3A_55 = tpu.memref_squeeze %dma_start3A_54 : memref<1x1x63x80xi32, #tpu.memory_space<hbm>> -> memref<63x80xi32, #tpu.memory_space<hbm>>
      %dma_start3A_56 = arith.constant 0 : i32
      %dma_start3A_57 = arith.constant 0 : i32
      %dma_start3A_58 = tpu.memref_slice %arg2[%add3A, %run_scoped3A_28, %dma_start3A_56, %dma_start3A_57] : memref<32x2x63x80xi32, #tpu.memory_space<hbm>> -> memref<1x1x63x80xi32, #tpu.memory_space<hbm>>
      %dma_start3A_59 = tpu.memref_squeeze %dma_start3A_58 : memref<1x1x63x80xi32, #tpu.memory_space<hbm>> -> memref<63x80xi32, #tpu.memory_space<hbm>>
      tpu.enqueue_dma source(%dma_start3A_59 : memref<63x80xi32, #tpu.memory_space<hbm>>) target(%arg6 : memref<63x80xi32, #tpu.memory_space<vmem>>) target_semaphore(%run_scoped3A_51 : memref<!tpu.dma_semaphore, #tpu.memory_space<semaphore_mem>>)
      %dma_wait3A = arith.constant 0 : i32
      %dma_wait3A_60 = arith.constant 0 : i32
      %dma_wait3A_61 = tpu.memref_slice %arg2[%add3A, %run_scoped3A_28, %dma_wait3A, %dma_wait3A_60] : memref<32x2x63x80xi32, #tpu.memory_space<hbm>> -> memref<1x1x63x80xi32, #tpu.memory_space<hbm>>
      %dma_wait3A_62 = tpu.memref_squeeze %dma_wait3A_61 : memref<1x1x63x80xi32, #tpu.memory_space<hbm>> -> memref<63x80xi32, #tpu.memory_space<hbm>>
      %dma_wait3A_63 = arith.constant 0 : i32
      %dma_wait3A_64 = arith.constant 0 : i32
      %dma_wait3A_65 = tpu.memref_slice %arg2[%add3A, %run_scoped3A_28, %dma_wait3A_63, %dma_wait3A_64] : memref<32x2x63x80xi32, #tpu.memory_space<hbm>> -> memref<1x1x63x80xi32, #tpu.memory_space<hbm>>
      %dma_wait3A_66 = tpu.memref_squeeze %dma_wait3A_65 : memref<1x1x63x80xi32, #tpu.memory_space<hbm>> -> memref<63x80xi32, #tpu.memory_space<hbm>>
      tpu.wait_dma2 semaphore(%run_scoped3A_51 : memref<!tpu.dma_semaphore, #tpu.memory_space<semaphore_mem>>) src(%dma_wait3A_66 : memref<63x80xi32, #tpu.memory_space<hbm>>) dst(%arg6 : memref<63x80xi32, #tpu.memory_space<vmem>>)
      tpu.yield
    }) : () -> ()
    %run_scoped3A_29 = arith.constant 1 : i32
    "tpu.region"() ({
      %run_scoped3A_51 = tpu.sem_alloc : memref<!tpu.dma_semaphore, #tpu.memory_space<semaphore_mem>>
      %dma_start3A_52 = arith.constant 0 : i32
      %dma_start3A_53 = arith.constant 0 : i32
      %dma_start3A_54 = tpu.memref_slice %arg3[%add3A, %run_scoped3A_29, %dma_start3A_52, %dma_start3A_53] : memref<32x2x63x80xi32, #tpu.memory_space<hbm>> -> memref<1x1x63x80xi32, #tpu.memory_space<hbm>>
      %dma_start3A_55 = tpu.memref_squeeze %dma_start3A_54 : memref<1x1x63x80xi32, #tpu.memory_space<hbm>> -> memref<63x80xi32, #tpu.memory_space<hbm>>
      %dma_start3A_56 = arith.constant 0 : i32
      %dma_start3A_57 = arith.constant 0 : i32
      %dma_start3A_58 = tpu.memref_slice %arg3[%add3A, %run_scoped3A_29, %dma_start3A_56, %dma_start3A_57] : memref<32x2x63x80xi32, #tpu.memory_space<hbm>> -> memref<1x1x63x80xi32, #tpu.memory_space<hbm>>
      %dma_start3A_59 = tpu.memref_squeeze %dma_start3A_58 : memref<1x1x63x80xi32, #tpu.memory_space<hbm>> -> memref<63x80xi32, #tpu.memory_space<hbm>>
      tpu.enqueue_dma source(%dma_start3A_59 : memref<63x80xi32, #tpu.memory_space<hbm>>) target(%arg7 : memref<63x80xi32, #tpu.memory_space<vmem>>) target_semaphore(%run_scoped3A_51 : memref<!tpu.dma_semaphore, #tpu.memory_space<semaphore_mem>>)
      %dma_wait3A = arith.constant 0 : i32
      %dma_wait3A_60 = arith.constant 0 : i32
      %dma_wait3A_61 = tpu.memref_slice %arg3[%add3A, %run_scoped3A_29, %dma_wait3A, %dma_wait3A_60] : memref<32x2x63x80xi32, #tpu.memory_space<hbm>> -> memref<1x1x63x80xi32, #tpu.memory_space<hbm>>
      %dma_wait3A_62 = tpu.memref_squeeze %dma_wait3A_61 : memref<1x1x63x80xi32, #tpu.memory_space<hbm>> -> memref<63x80xi32, #tpu.memory_space<hbm>>
      %dma_wait3A_63 = arith.constant 0 : i32
      %dma_wait3A_64 = arith.constant 0 : i32
      %dma_wait3A_65 = tpu.memref_slice %arg3[%add3A, %run_scoped3A_29, %dma_wait3A_63, %dma_wait3A_64] : memref<32x2x63x80xi32, #tpu.memory_space<hbm>> -> memref<1x1x63x80xi32, #tpu.memory_space<hbm>>
      %dma_wait3A_66 = tpu.memref_squeeze %dma_wait3A_65 : memref<1x1x63x80xi32, #tpu.memory_space<hbm>> -> memref<63x80xi32, #tpu.memory_space<hbm>>
      tpu.wait_dma2 semaphore(%run_scoped3A_51 : memref<!tpu.dma_semaphore, #tpu.memory_space<semaphore_mem>>) src(%dma_wait3A_66 : memref<63x80xi32, #tpu.memory_space<hbm>>) dst(%arg7 : memref<63x80xi32, #tpu.memory_space<vmem>>)
      tpu.yield
    }) : () -> ()
    %dma_start3A_30 = arith.constant 0 : i32
    %dma_start3A_31 = arith.constant 0 : i32
    %dma_start3A_32 = tpu.memref_slice %arg6[%dma_start3A_30, %dma_start3A_31] : memref<63x80xi32, #tpu.memory_space<vmem>> -> memref<1x80xi32, #tpu.memory_space<vmem>>
    %dma_start3A_33 = tpu.memref_squeeze %dma_start3A_32 : memref<1x80xi32, #tpu.memory_space<vmem>> -> memref<80xi32, #tpu.memory_space<vmem>>
    %dma_start3A_34 = arith.constant 0 : i32
    %dma_start3A_35 = arith.constant 0 : i32
    %dma_start3A_36 = tpu.memref_slice %arg4[%dma_start3A_34, %dma_start3A_35] : memref<10240x128xf32, #tpu.memory_space<hbm>> -> memref<10240x128xf32, #tpu.memory_space<hbm>>
    tpu.enqueue_indirect_dma source(%dma_start3A_36 : memref<10240x128xf32, #tpu.memory_space<hbm>>) target(%arg8 : memref<80x128xf32, #tpu.memory_space<vmem>>) offsets(%dma_start3A_33 : memref<80xi32, #tpu.memory_space<vmem>>) semaphore(%arg12 : memref<!tpu.dma_semaphore, #tpu.memory_space<semaphore_mem>>)
    %dma_start3A_37 = arith.constant 1 : i32
    %dma_start3A_38 = arith.constant 0 : i32
    %dma_start3A_39 = tpu.memref_slice %arg6[%dma_start3A_37, %dma_start3A_38] : memref<63x80xi32, #tpu.memory_space<vmem>> -> memref<1x80xi32, #tpu.memory_space<vmem>>
    %dma_start3A_40 = tpu.memref_squeeze %dma_start3A_39 : memref<1x80xi32, #tpu.memory_space<vmem>> -> memref<80xi32, #tpu.memory_space<vmem>>
    %dma_start3A_41 = arith.constant 0 : i32
    %dma_start3A_42 = arith.constant 0 : i32
    %dma_start3A_43 = tpu.memref_slice %arg4[%dma_start3A_41, %dma_start3A_42] : memref<10240x128xf32, #tpu.memory_space<hbm>> -> memref<10240x128xf32, #tpu.memory_space<hbm>>
    tpu.enqueue_indirect_dma source(%dma_start3A_43 : memref<10240x128xf32, #tpu.memory_space<hbm>>) target(%arg9 : memref<80x128xf32, #tpu.memory_space<vmem>>) offsets(%dma_start3A_40 : memref<80xi32, #tpu.memory_space<vmem>>) semaphore(%arg13 : memref<!tpu.dma_semaphore, #tpu.memory_space<semaphore_mem>>)
    %scan3A_44 = arith.constant 0 : i32
    %scan3A_45 = arith.constant 0 : i32
    %scan3A_46 = arith.constant 21 : i32
    %scan3A_47 = arith.addi %scan3A_45, %scan3A_46 : i32
    %scan3A_48 = arith.constant 1 : i32
    scf.for %scan3A_51 = %scan3A_45 to %scan3A_47 step %scan3A_48  : i32 {
      %mul3A_52 = arith.constant 3 : i32
      %mul3A_53 = arith.muli %scan3A_51, %mul3A_52 : i32
      %add3A_54 = arith.constant 2 : i32
      %add3A_55 = arith.addi %mul3A_53, %add3A_54 : i32
      %dma_start3A_56 = arith.constant 0 : i32
      %dma_start3A_57 = tpu.memref_slice %arg6[%add3A_55, %dma_start3A_56] : memref<63x80xi32, #tpu.memory_space<vmem>> -> memref<1x80xi32, #tpu.memory_space<vmem>>
      %dma_start3A_58 = tpu.memref_squeeze %dma_start3A_57 : memref<1x80xi32, #tpu.memory_space<vmem>> -> memref<80xi32, #tpu.memory_space<vmem>>
      %dma_start3A_59 = arith.constant 0 : i32
      %dma_start3A_60 = arith.constant 0 : i32
      %dma_start3A_61 = tpu.memref_slice %arg4[%dma_start3A_59, %dma_start3A_60] : memref<10240x128xf32, #tpu.memory_space<hbm>> -> memref<10240x128xf32, #tpu.memory_space<hbm>>
      tpu.enqueue_indirect_dma source(%dma_start3A_61 : memref<10240x128xf32, #tpu.memory_space<hbm>>) target(%arg10 : memref<80x128xf32, #tpu.memory_space<vmem>>) offsets(%dma_start3A_58 : memref<80xi32, #tpu.memory_space<vmem>>) semaphore(%arg14 : memref<!tpu.dma_semaphore, #tpu.memory_space<semaphore_mem>>)
      %dma_wait3A = arith.constant 0 : i32
      %dma_wait3A_62 = tpu.memref_slice %arg6[%mul3A_53, %dma_wait3A] : memref<63x80xi32, #tpu.memory_space<vmem>> -> memref<1x80xi32, #tpu.memory_space<vmem>>
      %dma_wait3A_63 = tpu.memref_squeeze %dma_wait3A_62 : memref<1x80xi32, #tpu.memory_space<vmem>> -> memref<80xi32, #tpu.memory_space<vmem>>
      %dma_wait3A_64 = arith.constant 0 : i32
      %dma_wait3A_65 = arith.constant 0 : i32
      %dma_wait3A_66 = tpu.memref_slice %arg4[%dma_wait3A_64, %dma_wait3A_65] : memref<10240x128xf32, #tpu.memory_space<hbm>> -> memref<10240x128xf32, #tpu.memory_space<hbm>>
      tpu.wait_indirect_dma semaphore(%arg12 : memref<!tpu.dma_semaphore, #tpu.memory_space<semaphore_mem>>) src(%dma_wait3A_66 : memref<10240x128xf32, #tpu.memory_space<hbm>>) dst(%arg8 : memref<80x128xf32, #tpu.memory_space<vmem>>)
      "tpu.region"() ({
        %run_scoped3A_92 = tpu.sem_alloc : memref<!tpu.dma_semaphore, #tpu.memory_space<semaphore_mem>>
        %dma_start3A_93 = arith.constant 0 : i32
        %dma_start3A_94 = tpu.memref_slice %arg7[%mul3A_53, %dma_start3A_93] : memref<63x80xi32, #tpu.memory_space<vmem>> -> memref<1x80xi32, #tpu.memory_space<vmem>>
        %dma_start3A_95 = tpu.memref_squeeze %dma_start3A_94 : memref<1x80xi32, #tpu.memory_space<vmem>> -> memref<80xi32, #tpu.memory_space<vmem>>
        %dma_start3A_96 = arith.constant 0 : i32
        %dma_start3A_97 = arith.constant 0 : i32
        %dma_start3A_98 = tpu.memref_slice %arg11[%dma_start3A_96, %dma_start3A_97] : memref<10240x128xf32, #tpu.memory_space<vmem_shared>> -> memref<10240x128xf32, #tpu.memory_space<vmem_shared>>
        tpu.enqueue_indirect_dma source(%arg8 : memref<80x128xf32, #tpu.memory_space<vmem>>) target(%dma_start3A_98 : memref<10240x128xf32, #tpu.memory_space<vmem_shared>>) offsets(%dma_start3A_95 : memref<80xi32, #tpu.memory_space<vmem>>) semaphore(%run_scoped3A_92 : memref<!tpu.dma_semaphore, #tpu.memory_space<semaphore_mem>>) {add = true}
        %dma_wait3A_99 = arith.constant 0 : i32
        %dma_wait3A_100 = tpu.memref_slice %arg7[%mul3A_53, %dma_wait3A_99] : memref<63x80xi32, #tpu.memory_space<vmem>> -> memref<1x80xi32, #tpu.memory_space<vmem>>
        %dma_wait3A_101 = tpu.memref_squeeze %dma_wait3A_100 : memref<1x80xi32, #tpu.memory_space<vmem>> -> memref<80xi32, #tpu.memory_space<vmem>>
        %dma_wait3A_102 = arith.constant 0 : i32
        %dma_wait3A_103 = arith.constant 0 : i32
        %dma_wait3A_104 = tpu.memref_slice %arg11[%dma_wait3A_102, %dma_wait3A_103] : memref<10240x128xf32, #tpu.memory_space<vmem_shared>> -> memref<10240x128xf32, #tpu.memory_space<vmem_shared>>
        tpu.wait_indirect_dma semaphore(%run_scoped3A_92 : memref<!tpu.dma_semaphore, #tpu.memory_space<semaphore_mem>>) src(%arg8 : memref<80x128xf32, #tpu.memory_space<vmem>>) dst(%dma_wait3A_104 : memref<10240x128xf32, #tpu.memory_space<vmem_shared>>)
        tpu.yield
      }) : () -> ()
      %lt3A = arith.constant 20 : i32
      %lt3A_67 = arith.cmpi slt, %scan3A_51, %lt3A : i32
      %convert_element_type3A_68 = arith.extui %lt3A_67 : i1 to i32
      %cond3A_69 = arith.constant 0 : i32
      %cond3A_70 = arith.cmpi ne, %convert_element_type3A_68, %cond3A_69 : i32
      scf.if %cond3A_70 {
        %add3A_92 = arith.constant 3 : i32
        %add3A_93 = arith.addi %mul3A_53, %add3A_92 : i32
        %dma_start3A_94 = arith.constant 0 : i32
        %dma_start3A_95 = tpu.memref_slice %arg6[%add3A_93, %dma_start3A_94] : memref<63x80xi32, #tpu.memory_space<vmem>> -> memref<1x80xi32, #tpu.memory_space<vmem>>
        %dma_start3A_96 = tpu.memref_squeeze %dma_start3A_95 : memref<1x80xi32, #tpu.memory_space<vmem>> -> memref<80xi32, #tpu.memory_space<vmem>>
        %dma_start3A_97 = arith.constant 0 : i32
        %dma_start3A_98 = arith.constant 0 : i32
        %dma_start3A_99 = tpu.memref_slice %arg4[%dma_start3A_97, %dma_start3A_98] : memref<10240x128xf32, #tpu.memory_space<hbm>> -> memref<10240x128xf32, #tpu.memory_space<hbm>>
        tpu.enqueue_indirect_dma source(%dma_start3A_99 : memref<10240x128xf32, #tpu.memory_space<hbm>>) target(%arg8 : memref<80x128xf32, #tpu.memory_space<vmem>>) offsets(%dma_start3A_96 : memref<80xi32, #tpu.memory_space<vmem>>) semaphore(%arg12 : memref<!tpu.dma_semaphore, #tpu.memory_space<semaphore_mem>>)
      } else {
      }
      %add3A_71 = arith.constant 1 : i32
      %add3A_72 = arith.addi %mul3A_53, %add3A_71 : i32
      %dma_wait3A_73 = arith.constant 0 : i32
      %dma_wait3A_74 = tpu.memref_slice %arg6[%add3A_72, %dma_wait3A_73] : memref<63x80xi32, #tpu.memory_space<vmem>> -> memref<1x80xi32, #tpu.memory_space<vmem>>
      %dma_wait3A_75 = tpu.memref_squeeze %dma_wait3A_74 : memref<1x80xi32, #tpu.memory_space<vmem>> -> memref<80xi32, #tpu.memory_space<vmem>>
      %dma_wait3A_76 = arith.constant 0 : i32
      %dma_wait3A_77 = arith.constant 0 : i32
      %dma_wait3A_78 = tpu.memref_slice %arg4[%dma_wait3A_76, %dma_wait3A_77] : memref<10240x128xf32, #tpu.memory_space<hbm>> -> memref<10240x128xf32, #tpu.memory_space<hbm>>
      tpu.wait_indirect_dma semaphore(%arg13 : memref<!tpu.dma_semaphore, #tpu.memory_space<semaphore_mem>>) src(%dma_wait3A_78 : memref<10240x128xf32, #tpu.memory_space<hbm>>) dst(%arg9 : memref<80x128xf32, #tpu.memory_space<vmem>>)
      "tpu.region"() ({
        %run_scoped3A_92 = tpu.sem_alloc : memref<!tpu.dma_semaphore, #tpu.memory_space<semaphore_mem>>
        %dma_start3A_93 = arith.constant 0 : i32
        %dma_start3A_94 = tpu.memref_slice %arg7[%add3A_72, %dma_start3A_93] : memref<63x80xi32, #tpu.memory_space<vmem>> -> memref<1x80xi32, #tpu.memory_space<vmem>>
        %dma_start3A_95 = tpu.memref_squeeze %dma_start3A_94 : memref<1x80xi32, #tpu.memory_space<vmem>> -> memref<80xi32, #tpu.memory_space<vmem>>
        %dma_start3A_96 = arith.constant 0 : i32
        %dma_start3A_97 = arith.constant 0 : i32
        %dma_start3A_98 = tpu.memref_slice %arg11[%dma_start3A_96, %dma_start3A_97] : memref<10240x128xf32, #tpu.memory_space<vmem_shared>> -> memref<10240x128xf32, #tpu.memory_space<vmem_shared>>
        tpu.enqueue_indirect_dma source(%arg9 : memref<80x128xf32, #tpu.memory_space<vmem>>) target(%dma_start3A_98 : memref<10240x128xf32, #tpu.memory_space<vmem_shared>>) offsets(%dma_start3A_95 : memref<80xi32, #tpu.memory_space<vmem>>) semaphore(%run_scoped3A_92 : memref<!tpu.dma_semaphore, #tpu.memory_space<semaphore_mem>>) {add = true}
        %dma_wait3A_99 = arith.constant 0 : i32
        %dma_wait3A_100 = tpu.memref_slice %arg7[%add3A_72, %dma_wait3A_99] : memref<63x80xi32, #tpu.memory_space<vmem>> -> memref<1x80xi32, #tpu.memory_space<vmem>>
        %dma_wait3A_101 = tpu.memref_squeeze %dma_wait3A_100 : memref<1x80xi32, #tpu.memory_space<vmem>> -> memref<80xi32, #tpu.memory_space<vmem>>
        %dma_wait3A_102 = arith.constant 0 : i32
        %dma_wait3A_103 = arith.constant 0 : i32
        %dma_wait3A_104 = tpu.memref_slice %arg11[%dma_wait3A_102, %dma_wait3A_103] : memref<10240x128xf32, #tpu.memory_space<vmem_shared>> -> memref<10240x128xf32, #tpu.memory_space<vmem_shared>>
        tpu.wait_indirect_dma semaphore(%run_scoped3A_92 : memref<!tpu.dma_semaphore, #tpu.memory_space<semaphore_mem>>) src(%arg9 : memref<80x128xf32, #tpu.memory_space<vmem>>) dst(%dma_wait3A_104 : memref<10240x128xf32, #tpu.memory_space<vmem_shared>>)
        tpu.yield
      }) : () -> ()
      %lt3A_79 = arith.constant 20 : i32
      %lt3A_80 = arith.cmpi slt, %scan3A_51, %lt3A_79 : i32
      %convert_element_type3A_81 = arith.extui %lt3A_80 : i1 to i32
      %cond3A_82 = arith.constant 0 : i32
      %cond3A_83 = arith.cmpi ne, %convert_element_type3A_81, %cond3A_82 : i32
      scf.if %cond3A_83 {
        %add3A_92 = arith.constant 4 : i32
        %add3A_93 = arith.addi %mul3A_53, %add3A_92 : i32
        %dma_start3A_94 = arith.constant 0 : i32
        %dma_start3A_95 = tpu.memref_slice %arg6[%add3A_93, %dma_start3A_94] : memref<63x80xi32, #tpu.memory_space<vmem>> -> memref<1x80xi32, #tpu.memory_space<vmem>>
        %dma_start3A_96 = tpu.memref_squeeze %dma_start3A_95 : memref<1x80xi32, #tpu.memory_space<vmem>> -> memref<80xi32, #tpu.memory_space<vmem>>
        %dma_start3A_97 = arith.constant 0 : i32
        %dma_start3A_98 = arith.constant 0 : i32
        %dma_start3A_99 = tpu.memref_slice %arg4[%dma_start3A_97, %dma_start3A_98] : memref<10240x128xf32, #tpu.memory_space<hbm>> -> memref<10240x128xf32, #tpu.memory_space<hbm>>
        tpu.enqueue_indirect_dma source(%dma_start3A_99 : memref<10240x128xf32, #tpu.memory_space<hbm>>) target(%arg9 : memref<80x128xf32, #tpu.memory_space<vmem>>) offsets(%dma_start3A_96 : memref<80xi32, #tpu.memory_space<vmem>>) semaphore(%arg13 : memref<!tpu.dma_semaphore, #tpu.memory_space<semaphore_mem>>)
      } else {
      }
      %add3A_84 = arith.constant 2 : i32
      %add3A_85 = arith.addi %mul3A_53, %add3A_84 : i32
      %dma_wait3A_86 = arith.constant 0 : i32
      %dma_wait3A_87 = tpu.memref_slice %arg6[%add3A_85, %dma_wait3A_86] : memref<63x80xi32, #tpu.memory_space<vmem>> -> memref<1x80xi32, #tpu.memory_space<vmem>>
      %dma_wait3A_88 = tpu.memref_squeeze %dma_wait3A_87 : memref<1x80xi32, #tpu.memory_space<vmem>> -> memref<80xi32, #tpu.memory_space<vmem>>
      %dma_wait3A_89 = arith.constant 0 : i32
      %dma_wait3A_90 = arith.constant 0 : i32
      %dma_wait3A_91 = tpu.memref_slice %arg4[%dma_wait3A_89, %dma_wait3A_90] : memref<10240x128xf32, #tpu.memory_space<hbm>> -> memref<10240x128xf32, #tpu.memory_space<hbm>>
      tpu.wait_indirect_dma semaphore(%arg14 : memref<!tpu.dma_semaphore, #tpu.memory_space<semaphore_mem>>) src(%dma_wait3A_91 : memref<10240x128xf32, #tpu.memory_space<hbm>>) dst(%arg10 : memref<80x128xf32, #tpu.memory_space<vmem>>)
      "tpu.region"() ({
        %run_scoped3A_92 = tpu.sem_alloc : memref<!tpu.dma_semaphore, #tpu.memory_space<semaphore_mem>>
        %dma_start3A_93 = arith.constant 0 : i32
        %dma_start3A_94 = tpu.memref_slice %arg7[%add3A_85, %dma_start3A_93] : memref<63x80xi32, #tpu.memory_space<vmem>> -> memref<1x80xi32, #tpu.memory_space<vmem>>
        %dma_start3A_95 = tpu.memref_squeeze %dma_start3A_94 : memref<1x80xi32, #tpu.memory_space<vmem>> -> memref<80xi32, #tpu.memory_space<vmem>>
        %dma_start3A_96 = arith.constant 0 : i32
        %dma_start3A_97 = arith.constant 0 : i32
        %dma_start3A_98 = tpu.memref_slice %arg11[%dma_start3A_96, %dma_start3A_97] : memref<10240x128xf32, #tpu.memory_space<vmem_shared>> -> memref<10240x128xf32, #tpu.memory_space<vmem_shared>>
        tpu.enqueue_indirect_dma source(%arg10 : memref<80x128xf32, #tpu.memory_space<vmem>>) target(%dma_start3A_98 : memref<10240x128xf32, #tpu.memory_space<vmem_shared>>) offsets(%dma_start3A_95 : memref<80xi32, #tpu.memory_space<vmem>>) semaphore(%run_scoped3A_92 : memref<!tpu.dma_semaphore, #tpu.memory_space<semaphore_mem>>) {add = true}
        %dma_wait3A_99 = arith.constant 0 : i32
        %dma_wait3A_100 = tpu.memref_slice %arg7[%add3A_85, %dma_wait3A_99] : memref<63x80xi32, #tpu.memory_space<vmem>> -> memref<1x80xi32, #tpu.memory_space<vmem>>
        %dma_wait3A_101 = tpu.memref_squeeze %dma_wait3A_100 : memref<1x80xi32, #tpu.memory_space<vmem>> -> memref<80xi32, #tpu.memory_space<vmem>>
        %dma_wait3A_102 = arith.constant 0 : i32
        %dma_wait3A_103 = arith.constant 0 : i32
        %dma_wait3A_104 = tpu.memref_slice %arg11[%dma_wait3A_102, %dma_wait3A_103] : memref<10240x128xf32, #tpu.memory_space<vmem_shared>> -> memref<10240x128xf32, #tpu.memory_space<vmem_shared>>
        tpu.wait_indirect_dma semaphore(%run_scoped3A_92 : memref<!tpu.dma_semaphore, #tpu.memory_space<semaphore_mem>>) src(%arg10 : memref<80x128xf32, #tpu.memory_space<vmem>>) dst(%dma_wait3A_104 : memref<10240x128xf32, #tpu.memory_space<vmem_shared>>)
        tpu.yield
      }) : () -> ()
    }
    %scan3A_49 = arith.constant 21 : i32
    %barrier3A_50 = arith.constant 0 : index
    tpu.barrier barrier_id(%barrier3A_50)
    "tpu.region"() ({
      %run_scoped3A_51 = tpu.sem_alloc : memref<!tpu.dma_semaphore, #tpu.memory_space<semaphore_mem>>
      %dma_start3A_52 = arith.constant 0 : i32
      %dma_start3A_53 = tpu.memref_slice %arg5[%arg0, %mul3A_2, %dma_start3A_52] : memref<2x10240x128xf32, #tpu.memory_space<hbm>> -> memref<1x640x128xf32, #tpu.memory_space<hbm>>
      %dma_start3A_54 = tpu.memref_squeeze %dma_start3A_53 : memref<1x640x128xf32, #tpu.memory_space<hbm>> -> memref<640x128xf32, #tpu.memory_space<hbm>>
      %dma_start3A_55 = arith.constant 0 : i32
      %dma_start3A_56 = tpu.memref_slice %arg11[%mul3A_2, %dma_start3A_55] : memref<10240x128xf32, #tpu.memory_space<vmem_shared>> -> memref<640x128xf32, #tpu.memory_space<vmem_shared>>
      tpu.enqueue_dma source(%dma_start3A_56 : memref<640x128xf32, #tpu.memory_space<vmem_shared>>) target(%dma_start3A_54 : memref<640x128xf32, #tpu.memory_space<hbm>>) target_semaphore(%run_scoped3A_51 : memref<!tpu.dma_semaphore, #tpu.memory_space<semaphore_mem>>)
      %dma_wait3A = arith.constant 0 : i32
      %dma_wait3A_57 = tpu.memref_slice %arg5[%arg0, %mul3A_2, %dma_wait3A] : memref<2x10240x128xf32, #tpu.memory_space<hbm>> -> memref<1x640x128xf32, #tpu.memory_space<hbm>>
      %dma_wait3A_58 = tpu.memref_squeeze %dma_wait3A_57 : memref<1x640x128xf32, #tpu.memory_space<hbm>> -> memref<640x128xf32, #tpu.memory_space<hbm>>
      %dma_wait3A_59 = arith.constant 0 : i32
      %dma_wait3A_60 = tpu.memref_slice %arg11[%mul3A_2, %dma_wait3A_59] : memref<10240x128xf32, #tpu.memory_space<vmem_shared>> -> memref<640x128xf32, #tpu.memory_space<vmem_shared>>
      tpu.wait_dma2 semaphore(%run_scoped3A_51 : memref<!tpu.dma_semaphore, #tpu.memory_space<semaphore_mem>>) src(%dma_wait3A_60 : memref<640x128xf32, #tpu.memory_space<vmem_shared>>) dst(%dma_wait3A_58 : memref<640x128xf32, #tpu.memory_space<hbm>>)
      tpu.yield
    }) : () -> ()
    return
  }
}

#map = affine_map<(d0, d1) -> (0, 0)>
module attributes {stable_mosaic.version = 14 : i64} {
  func.func @_sc_degree(%arg0: i32, %arg1: i32, %arg2: memref<32x10080xi32, #tpu.memory_space<hbm>>, %arg3: memref<32x10240xf32, #tpu.memory_space<hbm>>, %arg4: memref<10080xi32, #tpu.memory_space<vmem>>, %arg5: memref<10240xf32, #tpu.memory_space<vmem>>) attributes {dimension_semantics = [#tpu.dimension_semantics<core_parallel>, #tpu.dimension_semantics<subcore_parallel>], iteration_bounds = array<i64: 2, 16>, scalar_prefetch = 0 : i64, scratch_operands = 2 : i64, tpu.core_type = #tpu.core_type<sc_vector_subcore>, window_params = [{transform_indices = #map}, {transform_indices = #map}]} {
    %mul3A = arith.constant 16 : i32
    %mul3A_0 = arith.muli %arg0, %mul3A : i32
    %add3A = arith.addi %mul3A_0, %arg1 : i32
    "tpu.region"() ({
      %run_scoped3A = tpu.sem_alloc : memref<!tpu.dma_semaphore, #tpu.memory_space<semaphore_mem>>
      %dma_start3A = arith.constant 0 : i32
      %dma_start3A_15 = tpu.memref_slice %arg2[%add3A, %dma_start3A] : memref<32x10080xi32, #tpu.memory_space<hbm>> -> memref<1x10080xi32, #tpu.memory_space<hbm>>
      %dma_start3A_16 = tpu.memref_squeeze %dma_start3A_15 : memref<1x10080xi32, #tpu.memory_space<hbm>> -> memref<10080xi32, #tpu.memory_space<hbm>>
      %dma_start3A_17 = arith.constant 0 : i32
      %dma_start3A_18 = tpu.memref_slice %arg2[%add3A, %dma_start3A_17] : memref<32x10080xi32, #tpu.memory_space<hbm>> -> memref<1x10080xi32, #tpu.memory_space<hbm>>
      %dma_start3A_19 = tpu.memref_squeeze %dma_start3A_18 : memref<1x10080xi32, #tpu.memory_space<hbm>> -> memref<10080xi32, #tpu.memory_space<hbm>>
      tpu.enqueue_dma source(%dma_start3A_19 : memref<10080xi32, #tpu.memory_space<hbm>>) target(%arg4 : memref<10080xi32, #tpu.memory_space<vmem>>) target_semaphore(%run_scoped3A : memref<!tpu.dma_semaphore, #tpu.memory_space<semaphore_mem>>)
      %dma_wait3A = arith.constant 0 : i32
      %dma_wait3A_20 = tpu.memref_slice %arg2[%add3A, %dma_wait3A] : memref<32x10080xi32, #tpu.memory_space<hbm>> -> memref<1x10080xi32, #tpu.memory_space<hbm>>
      %dma_wait3A_21 = tpu.memref_squeeze %dma_wait3A_20 : memref<1x10080xi32, #tpu.memory_space<hbm>> -> memref<10080xi32, #tpu.memory_space<hbm>>
      %dma_wait3A_22 = arith.constant 0 : i32
      %dma_wait3A_23 = tpu.memref_slice %arg2[%add3A, %dma_wait3A_22] : memref<32x10080xi32, #tpu.memory_space<hbm>> -> memref<1x10080xi32, #tpu.memory_space<hbm>>
      %dma_wait3A_24 = tpu.memref_squeeze %dma_wait3A_23 : memref<1x10080xi32, #tpu.memory_space<hbm>> -> memref<10080xi32, #tpu.memory_space<hbm>>
      tpu.wait_dma2 semaphore(%run_scoped3A : memref<!tpu.dma_semaphore, #tpu.memory_space<semaphore_mem>>) src(%dma_wait3A_24 : memref<10080xi32, #tpu.memory_space<hbm>>) dst(%arg4 : memref<10080xi32, #tpu.memory_space<vmem>>)
      tpu.yield
    }) : () -> ()
    %broadcast_in_dim3A = arith.constant 0.000000e+00 : f32
    %broadcast_in_dim3A_1 = vector.broadcast %broadcast_in_dim3A : f32 to vector<16xf32>
    %scan3A = arith.constant 0 : i32
    %scan3A_2 = arith.constant 0 : i32
    %scan3A_3 = arith.constant 640 : i32
    %scan3A_4 = arith.addi %scan3A_2, %scan3A_3 : i32
    %scan3A_5 = arith.constant 1 : i32
    scf.for %scan3A_15 = %scan3A_2 to %scan3A_4 step %scan3A_5  : i32 {
      %mul3A_16 = arith.constant 16 : i32
      %mul3A_17 = arith.muli %scan3A_15, %mul3A_16 : i32
      %swap3A = arith.index_cast %mul3A_17 : i32 to index
      %swap3A_18 = tpu.vector_load %arg5[%swap3A] {strides = array<i32>} : memref<10240xf32, #tpu.memory_space<vmem>>, vector<16xf32>,
      tpu.vector_store %arg5[%swap3A], %broadcast_in_dim3A_1 {strides = array<i32>} : memref<10240xf32, #tpu.memory_space<vmem>>, vector<16xf32>,
    }
    %scan3A_6 = arith.constant 640 : i32
    %broadcast_in_dim3A_7 = arith.constant 1.000000e+00 : f32
    %broadcast_in_dim3A_8 = vector.broadcast %broadcast_in_dim3A_7 : f32 to vector<16xf32>
    %scan3A_9 = arith.constant 0 : i32
    %scan3A_10 = arith.constant 0 : i32
    %scan3A_11 = arith.constant 630 : i32
    %scan3A_12 = arith.addi %scan3A_10, %scan3A_11 : i32
    %scan3A_13 = arith.constant 1 : i32
    scf.for %scan3A_15 = %scan3A_10 to %scan3A_12 step %scan3A_13  : i32 {
      %mul3A_16 = arith.constant 16 : i32
      %mul3A_17 = arith.muli %scan3A_15, %mul3A_16 : i32
      %get3A = arith.index_cast %mul3A_17 : i32 to index
      %get3A_18 = tpu.vector_load %arg4[%get3A] {strides = array<i32>} : memref<10080xi32, #tpu.memory_space<vmem>>, vector<16xi32>,
      tpu.vector_store_idx %arg5[%get3A_18], %broadcast_in_dim3A_8 {add = true} : memref<10240xf32, #tpu.memory_space<vmem>>[vector<16xi32>], vector<16xf32>,
    }
    %scan3A_14 = arith.constant 630 : i32
    "tpu.region"() ({
      %run_scoped3A = tpu.sem_alloc : memref<!tpu.dma_semaphore, #tpu.memory_space<semaphore_mem>>
      %dma_start3A = arith.constant 0 : i32
      %dma_start3A_15 = tpu.memref_slice %arg3[%add3A, %dma_start3A] : memref<32x10240xf32, #tpu.memory_space<hbm>> -> memref<1x10240xf32, #tpu.memory_space<hbm>>
      %dma_start3A_16 = tpu.memref_squeeze %dma_start3A_15 : memref<1x10240xf32, #tpu.memory_space<hbm>> -> memref<10240xf32, #tpu.memory_space<hbm>>
      %dma_start3A_17 = arith.constant 0 : i32
      %dma_start3A_18 = tpu.memref_slice %arg3[%add3A, %dma_start3A_17] : memref<32x10240xf32, #tpu.memory_space<hbm>> -> memref<1x10240xf32, #tpu.memory_space<hbm>>
      %dma_start3A_19 = tpu.memref_squeeze %dma_start3A_18 : memref<1x10240xf32, #tpu.memory_space<hbm>> -> memref<10240xf32, #tpu.memory_space<hbm>>
      tpu.enqueue_dma source(%arg5 : memref<10240xf32, #tpu.memory_space<vmem>>) target(%dma_start3A_19 : memref<10240xf32, #tpu.memory_space<hbm>>) target_semaphore(%run_scoped3A : memref<!tpu.dma_semaphore, #tpu.memory_space<semaphore_mem>>)
      %dma_wait3A = arith.constant 0 : i32
      %dma_wait3A_20 = tpu.memref_slice %arg3[%add3A, %dma_wait3A] : memref<32x10240xf32, #tpu.memory_space<hbm>> -> memref<1x10240xf32, #tpu.memory_space<hbm>>
      %dma_wait3A_21 = tpu.memref_squeeze %dma_wait3A_20 : memref<1x10240xf32, #tpu.memory_space<hbm>> -> memref<10240xf32, #tpu.memory_space<hbm>>
      %dma_wait3A_22 = arith.constant 0 : i32
      %dma_wait3A_23 = tpu.memref_slice %arg3[%add3A, %dma_wait3A_22] : memref<32x10240xf32, #tpu.memory_space<hbm>> -> memref<1x10240xf32, #tpu.memory_space<hbm>>
      %dma_wait3A_24 = tpu.memref_squeeze %dma_wait3A_23 : memref<1x10240xf32, #tpu.memory_space<hbm>> -> memref<10240xf32, #tpu.memory_space<hbm>>
      tpu.wait_dma2 semaphore(%run_scoped3A : memref<!tpu.dma_semaphore, #tpu.memory_space<semaphore_mem>>) src(%arg5 : memref<10240xf32, #tpu.memory_space<vmem>>) dst(%dma_wait3A_24 : memref<10240xf32, #tpu.memory_space<hbm>>)
      tpu.yield
    }) : () -> ()
    return
  }
}

#map = affine_map<(d0, d1) -> (0, 0, 0, 0)>
#map1 = affine_map<(d0, d1) -> (0, 0)>
#map2 = affine_map<(d0, d1) -> (0, 0, 0)>
module attributes {stable_mosaic.version = 14 : i64} {
  func.func @_sc_edge_pass(%arg0: i32, %arg1: i32, %arg2: memref<32x2x63x80xi32, #tpu.memory_space<hbm>>, %arg3: memref<32x2x63x80xi32, #tpu.memory_space<hbm>>, %arg4: memref<10240x128xf32, #tpu.memory_space<hbm>>, %arg5: memref<2x10240x128xf32, #tpu.memory_space<hbm>>, %arg6: memref<63x80xi32, #tpu.memory_space<vmem>>, %arg7: memref<63x80xi32, #tpu.memory_space<vmem>>, %arg8: memref<80x128xf32, #tpu.memory_space<vmem>>, %arg9: memref<80x128xf32, #tpu.memory_space<vmem>>, %arg10: memref<80x128xf32, #tpu.memory_space<vmem>>, %arg11: memref<10240x128xf32, #tpu.memory_space<vmem_shared>>, %arg12: memref<!tpu.dma_semaphore, #tpu.memory_space<semaphore_mem>>, %arg13: memref<!tpu.dma_semaphore, #tpu.memory_space<semaphore_mem>>, %arg14: memref<!tpu.dma_semaphore, #tpu.memory_space<semaphore_mem>>) attributes {dimension_semantics = [#tpu.dimension_semantics<core_parallel>, #tpu.dimension_semantics<subcore_parallel>], iteration_bounds = array<i64: 2, 16>, scalar_prefetch = 0 : i64, scratch_operands = 9 : i64, tpu.core_type = #tpu.core_type<sc_vector_subcore>, window_params = [{transform_indices = #map}, {transform_indices = #map}, {transform_indices = #map1}, {transform_indices = #map2}]} {
    %mul3A = arith.constant 16 : i32
    %mul3A_0 = arith.muli %arg0, %mul3A : i32
    %add3A = arith.addi %mul3A_0, %arg1 : i32
    %mul3A_1 = arith.constant 640 : i32
    %mul3A_2 = arith.muli %arg1, %mul3A_1 : i32
    %eq3A = arith.constant 0 : i32
    %eq3A_3 = arith.cmpi eq, %arg0, %eq3A : i32
    %convert_element_type3A = arith.extui %eq3A_3 : i1 to i32
    %cond3A = arith.constant 0 : i32
    %cond3A_4 = arith.cmpi ne, %convert_element_type3A, %cond3A : i32
    scf.if %cond3A_4 {
      "tpu.region"() ({
        %run_scoped3A_51 = tpu.sem_alloc : memref<!tpu.dma_semaphore, #tpu.memory_space<semaphore_mem>>
        %dma_start3A_52 = arith.constant 0 : i32
        %dma_start3A_53 = tpu.memref_slice %arg11[%mul3A_2, %dma_start3A_52] : memref<10240x128xf32, #tpu.memory_space<vmem_shared>> -> memref<640x128xf32, #tpu.memory_space<vmem_shared>>
        %dma_start3A_54 = arith.constant 0 : i32
        %dma_start3A_55 = tpu.memref_slice %arg4[%mul3A_2, %dma_start3A_54] : memref<10240x128xf32, #tpu.memory_space<hbm>> -> memref<640x128xf32, #tpu.memory_space<hbm>>
        tpu.enqueue_dma source(%dma_start3A_55 : memref<640x128xf32, #tpu.memory_space<hbm>>) target(%dma_start3A_53 : memref<640x128xf32, #tpu.memory_space<vmem_shared>>) target_semaphore(%run_scoped3A_51 : memref<!tpu.dma_semaphore, #tpu.memory_space<semaphore_mem>>)
        %dma_wait3A = arith.constant 0 : i32
        %dma_wait3A_56 = tpu.memref_slice %arg11[%mul3A_2, %dma_wait3A] : memref<10240x128xf32, #tpu.memory_space<vmem_shared>> -> memref<640x128xf32, #tpu.memory_space<vmem_shared>>
        %dma_wait3A_57 = arith.constant 0 : i32
        %dma_wait3A_58 = tpu.memref_slice %arg4[%mul3A_2, %dma_wait3A_57] : memref<10240x128xf32, #tpu.memory_space<hbm>> -> memref<640x128xf32, #tpu.memory_space<hbm>>
        tpu.wait_dma2 semaphore(%run_scoped3A_51 : memref<!tpu.dma_semaphore, #tpu.memory_space<semaphore_mem>>) src(%dma_wait3A_58 : memref<640x128xf32, #tpu.memory_space<hbm>>) dst(%dma_wait3A_56 : memref<640x128xf32, #tpu.memory_space<vmem_shared>>)
        tpu.yield
      }) : () -> ()
    } else {
    }
    %ne3A = arith.constant 0 : i32
    %ne3A_5 = arith.cmpi ne, %arg0, %ne3A : i32
    %convert_element_type3A_6 = arith.extui %ne3A_5 : i1 to i32
    %cond3A_7 = arith.constant 0 : i32
    %cond3A_8 = arith.cmpi ne, %convert_element_type3A_6, %cond3A_7 : i32
    scf.if %cond3A_8 {
      %add3A_51 = arith.constant 0 : i32
      %add3A_52 = arith.addi %mul3A_2, %add3A_51 : i32
      "tpu.region"() ({
        %run_scoped3A_61 = tpu.sem_alloc : memref<!tpu.dma_semaphore, #tpu.memory_space<semaphore_mem>>
        %dma_start3A_62 = arith.constant 0 : i32
        %dma_start3A_63 = tpu.memref_slice %arg11[%add3A_52, %dma_start3A_62] : memref<10240x128xf32, #tpu.memory_space<vmem_shared>> -> memref<128x128xf32, #tpu.memory_space<vmem_shared>>
        %dma_start3A_64 = arith.constant 10000 : i32
        %dma_start3A_65 = arith.constant 0 : i32
        %dma_start3A_66 = tpu.memref_slice %arg4[%dma_start3A_64, %dma_start3A_65] : memref<10240x128xf32, #tpu.memory_space<hbm>> -> memref<128x128xf32, #tpu.memory_space<hbm>>
        tpu.enqueue_dma source(%dma_start3A_66 : memref<128x128xf32, #tpu.memory_space<hbm>>) target(%dma_start3A_63 : memref<128x128xf32, #tpu.memory_space<vmem_shared>>) target_semaphore(%run_scoped3A_61 : memref<!tpu.dma_semaphore, #tpu.memory_space<semaphore_mem>>)
        %dma_wait3A = arith.constant 0 : i32
        %dma_wait3A_67 = tpu.memref_slice %arg11[%add3A_52, %dma_wait3A] : memref<10240x128xf32, #tpu.memory_space<vmem_shared>> -> memref<128x128xf32, #tpu.memory_space<vmem_shared>>
        %dma_wait3A_68 = arith.constant 10000 : i32
        %dma_wait3A_69 = arith.constant 0 : i32
        %dma_wait3A_70 = tpu.memref_slice %arg4[%dma_wait3A_68, %dma_wait3A_69] : memref<10240x128xf32, #tpu.memory_space<hbm>> -> memref<128x128xf32, #tpu.memory_space<hbm>>
        tpu.wait_dma2 semaphore(%run_scoped3A_61 : memref<!tpu.dma_semaphore, #tpu.memory_space<semaphore_mem>>) src(%dma_wait3A_70 : memref<128x128xf32, #tpu.memory_space<hbm>>) dst(%dma_wait3A_67 : memref<128x128xf32, #tpu.memory_space<vmem_shared>>)
        tpu.yield
      }) : () -> ()
      %add3A_53 = arith.constant 128 : i32
      %add3A_54 = arith.addi %mul3A_2, %add3A_53 : i32
      "tpu.region"() ({
        %run_scoped3A_61 = tpu.sem_alloc : memref<!tpu.dma_semaphore, #tpu.memory_space<semaphore_mem>>
        %dma_start3A_62 = arith.constant 0 : i32
        %dma_start3A_63 = tpu.memref_slice %arg11[%add3A_54, %dma_start3A_62] : memref<10240x128xf32, #tpu.memory_space<vmem_shared>> -> memref<128x128xf32, #tpu.memory_space<vmem_shared>>
        %dma_start3A_64 = arith.constant 10000 : i32
        %dma_start3A_65 = arith.constant 0 : i32
        %dma_start3A_66 = tpu.memref_slice %arg4[%dma_start3A_64, %dma_start3A_65] : memref<10240x128xf32, #tpu.memory_space<hbm>> -> memref<128x128xf32, #tpu.memory_space<hbm>>
        tpu.enqueue_dma source(%dma_start3A_66 : memref<128x128xf32, #tpu.memory_space<hbm>>) target(%dma_start3A_63 : memref<128x128xf32, #tpu.memory_space<vmem_shared>>) target_semaphore(%run_scoped3A_61 : memref<!tpu.dma_semaphore, #tpu.memory_space<semaphore_mem>>)
        %dma_wait3A = arith.constant 0 : i32
        %dma_wait3A_67 = tpu.memref_slice %arg11[%add3A_54, %dma_wait3A] : memref<10240x128xf32, #tpu.memory_space<vmem_shared>> -> memref<128x128xf32, #tpu.memory_space<vmem_shared>>
        %dma_wait3A_68 = arith.constant 10000 : i32
        %dma_wait3A_69 = arith.constant 0 : i32
        %dma_wait3A_70 = tpu.memref_slice %arg4[%dma_wait3A_68, %dma_wait3A_69] : memref<10240x128xf32, #tpu.memory_space<hbm>> -> memref<128x128xf32, #tpu.memory_space<hbm>>
        tpu.wait_dma2 semaphore(%run_scoped3A_61 : memref<!tpu.dma_semaphore, #tpu.memory_space<semaphore_mem>>) src(%dma_wait3A_70 : memref<128x128xf32, #tpu.memory_space<hbm>>) dst(%dma_wait3A_67 : memref<128x128xf32, #tpu.memory_space<vmem_shared>>)
        tpu.yield
      }) : () -> ()
      %add3A_55 = arith.constant 256 : i32
      %add3A_56 = arith.addi %mul3A_2, %add3A_55 : i32
      "tpu.region"() ({
        %run_scoped3A_61 = tpu.sem_alloc : memref<!tpu.dma_semaphore, #tpu.memory_space<semaphore_mem>>
        %dma_start3A_62 = arith.constant 0 : i32
        %dma_start3A_63 = tpu.memref_slice %arg11[%add3A_56, %dma_start3A_62] : memref<10240x128xf32, #tpu.memory_space<vmem_shared>> -> memref<128x128xf32, #tpu.memory_space<vmem_shared>>
        %dma_start3A_64 = arith.constant 10000 : i32
        %dma_start3A_65 = arith.constant 0 : i32
        %dma_start3A_66 = tpu.memref_slice %arg4[%dma_start3A_64, %dma_start3A_65] : memref<10240x128xf32, #tpu.memory_space<hbm>> -> memref<128x128xf32, #tpu.memory_space<hbm>>
        tpu.enqueue_dma source(%dma_start3A_66 : memref<128x128xf32, #tpu.memory_space<hbm>>) target(%dma_start3A_63 : memref<128x128xf32, #tpu.memory_space<vmem_shared>>) target_semaphore(%run_scoped3A_61 : memref<!tpu.dma_semaphore, #tpu.memory_space<semaphore_mem>>)
        %dma_wait3A = arith.constant 0 : i32
        %dma_wait3A_67 = tpu.memref_slice %arg11[%add3A_56, %dma_wait3A] : memref<10240x128xf32, #tpu.memory_space<vmem_shared>> -> memref<128x128xf32, #tpu.memory_space<vmem_shared>>
        %dma_wait3A_68 = arith.constant 10000 : i32
        %dma_wait3A_69 = arith.constant 0 : i32
        %dma_wait3A_70 = tpu.memref_slice %arg4[%dma_wait3A_68, %dma_wait3A_69] : memref<10240x128xf32, #tpu.memory_space<hbm>> -> memref<128x128xf32, #tpu.memory_space<hbm>>
        tpu.wait_dma2 semaphore(%run_scoped3A_61 : memref<!tpu.dma_semaphore, #tpu.memory_space<semaphore_mem>>) src(%dma_wait3A_70 : memref<128x128xf32, #tpu.memory_space<hbm>>) dst(%dma_wait3A_67 : memref<128x128xf32, #tpu.memory_space<vmem_shared>>)
        tpu.yield
      }) : () -> ()
      %add3A_57 = arith.constant 384 : i32
      %add3A_58 = arith.addi %mul3A_2, %add3A_57 : i32
      "tpu.region"() ({
        %run_scoped3A_61 = tpu.sem_alloc : memref<!tpu.dma_semaphore, #tpu.memory_space<semaphore_mem>>
        %dma_start3A_62 = arith.constant 0 : i32
        %dma_start3A_63 = tpu.memref_slice %arg11[%add3A_58, %dma_start3A_62] : memref<10240x128xf32, #tpu.memory_space<vmem_shared>> -> memref<128x128xf32, #tpu.memory_space<vmem_shared>>
        %dma_start3A_64 = arith.constant 10000 : i32
        %dma_start3A_65 = arith.constant 0 : i32
        %dma_start3A_66 = tpu.memref_slice %arg4[%dma_start3A_64, %dma_start3A_65] : memref<10240x128xf32, #tpu.memory_space<hbm>> -> memref<128x128xf32, #tpu.memory_space<hbm>>
        tpu.enqueue_dma source(%dma_start3A_66 : memref<128x128xf32, #tpu.memory_space<hbm>>) target(%dma_start3A_63 : memref<128x128xf32, #tpu.memory_space<vmem_shared>>) target_semaphore(%run_scoped3A_61 : memref<!tpu.dma_semaphore, #tpu.memory_space<semaphore_mem>>)
        %dma_wait3A = arith.constant 0 : i32
        %dma_wait3A_67 = tpu.memref_slice %arg11[%add3A_58, %dma_wait3A] : memref<10240x128xf32, #tpu.memory_space<vmem_shared>> -> memref<128x128xf32, #tpu.memory_space<vmem_shared>>
        %dma_wait3A_68 = arith.constant 10000 : i32
        %dma_wait3A_69 = arith.constant 0 : i32
        %dma_wait3A_70 = tpu.memref_slice %arg4[%dma_wait3A_68, %dma_wait3A_69] : memref<10240x128xf32, #tpu.memory_space<hbm>> -> memref<128x128xf32, #tpu.memory_space<hbm>>
        tpu.wait_dma2 semaphore(%run_scoped3A_61 : memref<!tpu.dma_semaphore, #tpu.memory_space<semaphore_mem>>) src(%dma_wait3A_70 : memref<128x128xf32, #tpu.memory_space<hbm>>) dst(%dma_wait3A_67 : memref<128x128xf32, #tpu.memory_space<vmem_shared>>)
        tpu.yield
      }) : () -> ()
      %add3A_59 = arith.constant 512 : i32
      %add3A_60 = arith.addi %mul3A_2, %add3A_59 : i32
      "tpu.region"() ({
        %run_scoped3A_61 = tpu.sem_alloc : memref<!tpu.dma_semaphore, #tpu.memory_space<semaphore_mem>>
        %dma_start3A_62 = arith.constant 0 : i32
        %dma_start3A_63 = tpu.memref_slice %arg11[%add3A_60, %dma_start3A_62] : memref<10240x128xf32, #tpu.memory_space<vmem_shared>> -> memref<128x128xf32, #tpu.memory_space<vmem_shared>>
        %dma_start3A_64 = arith.constant 10000 : i32
        %dma_start3A_65 = arith.constant 0 : i32
        %dma_start3A_66 = tpu.memref_slice %arg4[%dma_start3A_64, %dma_start3A_65] : memref<10240x128xf32, #tpu.memory_space<hbm>> -> memref<128x128xf32, #tpu.memory_space<hbm>>
        tpu.enqueue_dma source(%dma_start3A_66 : memref<128x128xf32, #tpu.memory_space<hbm>>) target(%dma_start3A_63 : memref<128x128xf32, #tpu.memory_space<vmem_shared>>) target_semaphore(%run_scoped3A_61 : memref<!tpu.dma_semaphore, #tpu.memory_space<semaphore_mem>>)
        %dma_wait3A = arith.constant 0 : i32
        %dma_wait3A_67 = tpu.memref_slice %arg11[%add3A_60, %dma_wait3A] : memref<10240x128xf32, #tpu.memory_space<vmem_shared>> -> memref<128x128xf32, #tpu.memory_space<vmem_shared>>
        %dma_wait3A_68 = arith.constant 10000 : i32
        %dma_wait3A_69 = arith.constant 0 : i32
        %dma_wait3A_70 = tpu.memref_slice %arg4[%dma_wait3A_68, %dma_wait3A_69] : memref<10240x128xf32, #tpu.memory_space<hbm>> -> memref<128x128xf32, #tpu.memory_space<hbm>>
        tpu.wait_dma2 semaphore(%run_scoped3A_61 : memref<!tpu.dma_semaphore, #tpu.memory_space<semaphore_mem>>) src(%dma_wait3A_70 : memref<128x128xf32, #tpu.memory_space<hbm>>) dst(%dma_wait3A_67 : memref<128x128xf32, #tpu.memory_space<vmem_shared>>)
        tpu.yield
      }) : () -> ()
    } else {
    }
    %barrier3A = arith.constant 0 : index
    tpu.barrier barrier_id(%barrier3A)
    %run_scoped3A = arith.constant 0 : i32
    "tpu.region"() ({
      %run_scoped3A_51 = tpu.sem_alloc : memref<!tpu.dma_semaphore, #tpu.memory_space<semaphore_mem>>
      %dma_start3A_52 = arith.constant 0 : i32
      %dma_start3A_53 = arith.constant 0 : i32
      %dma_start3A_54 = tpu.memref_slice %arg2[%add3A, %run_scoped3A, %dma_start3A_52, %dma_start3A_53] : memref<32x2x63x80xi32, #tpu.memory_space<hbm>> -> memref<1x1x63x80xi32, #tpu.memory_space<hbm>>
      %dma_start3A_55 = tpu.memref_squeeze %dma_start3A_54 : memref<1x1x63x80xi32, #tpu.memory_space<hbm>> -> memref<63x80xi32, #tpu.memory_space<hbm>>
      %dma_start3A_56 = arith.constant 0 : i32
      %dma_start3A_57 = arith.constant 0 : i32
      %dma_start3A_58 = tpu.memref_slice %arg2[%add3A, %run_scoped3A, %dma_start3A_56, %dma_start3A_57] : memref<32x2x63x80xi32, #tpu.memory_space<hbm>> -> memref<1x1x63x80xi32, #tpu.memory_space<hbm>>
      %dma_start3A_59 = tpu.memref_squeeze %dma_start3A_58 : memref<1x1x63x80xi32, #tpu.memory_space<hbm>> -> memref<63x80xi32, #tpu.memory_space<hbm>>
      tpu.enqueue_dma source(%dma_start3A_59 : memref<63x80xi32, #tpu.memory_space<hbm>>) target(%arg6 : memref<63x80xi32, #tpu.memory_space<vmem>>) target_semaphore(%run_scoped3A_51 : memref<!tpu.dma_semaphore, #tpu.memory_space<semaphore_mem>>)
      %dma_wait3A = arith.constant 0 : i32
      %dma_wait3A_60 = arith.constant 0 : i32
      %dma_wait3A_61 = tpu.memref_slice %arg2[%add3A, %run_scoped3A, %dma_wait3A, %dma_wait3A_60] : memref<32x2x63x80xi32, #tpu.memory_space<hbm>> -> memref<1x1x63x80xi32, #tpu.memory_space<hbm>>
      %dma_wait3A_62 = tpu.memref_squeeze %dma_wait3A_61 : memref<1x1x63x80xi32, #tpu.memory_space<hbm>> -> memref<63x80xi32, #tpu.memory_space<hbm>>
      %dma_wait3A_63 = arith.constant 0 : i32
      %dma_wait3A_64 = arith.constant 0 : i32
      %dma_wait3A_65 = tpu.memref_slice %arg2[%add3A, %run_scoped3A, %dma_wait3A_63, %dma_wait3A_64] : memref<32x2x63x80xi32, #tpu.memory_space<hbm>> -> memref<1x1x63x80xi32, #tpu.memory_space<hbm>>
      %dma_wait3A_66 = tpu.memref_squeeze %dma_wait3A_65 : memref<1x1x63x80xi32, #tpu.memory_space<hbm>> -> memref<63x80xi32, #tpu.memory_space<hbm>>
      tpu.wait_dma2 semaphore(%run_scoped3A_51 : memref<!tpu.dma_semaphore, #tpu.memory_space<semaphore_mem>>) src(%dma_wait3A_66 : memref<63x80xi32, #tpu.memory_space<hbm>>) dst(%arg6 : memref<63x80xi32, #tpu.memory_space<vmem>>)
      tpu.yield
    }) : () -> ()
    %run_scoped3A_9 = arith.constant 0 : i32
    "tpu.region"() ({
      %run_scoped3A_51 = tpu.sem_alloc : memref<!tpu.dma_semaphore, #tpu.memory_space<semaphore_mem>>
      %dma_start3A_52 = arith.constant 0 : i32
      %dma_start3A_53 = arith.constant 0 : i32
      %dma_start3A_54 = tpu.memref_slice %arg3[%add3A, %run_scoped3A_9, %dma_start3A_52, %dma_start3A_53] : memref<32x2x63x80xi32, #tpu.memory_space<hbm>> -> memref<1x1x63x80xi32, #tpu.memory_space<hbm>>
      %dma_start3A_55 = tpu.memref_squeeze %dma_start3A_54 : memref<1x1x63x80xi32, #tpu.memory_space<hbm>> -> memref<63x80xi32, #tpu.memory_space<hbm>>
      %dma_start3A_56 = arith.constant 0 : i32
      %dma_start3A_57 = arith.constant 0 : i32
      %dma_start3A_58 = tpu.memref_slice %arg3[%add3A, %run_scoped3A_9, %dma_start3A_56, %dma_start3A_57] : memref<32x2x63x80xi32, #tpu.memory_space<hbm>> -> memref<1x1x63x80xi32, #tpu.memory_space<hbm>>
      %dma_start3A_59 = tpu.memref_squeeze %dma_start3A_58 : memref<1x1x63x80xi32, #tpu.memory_space<hbm>> -> memref<63x80xi32, #tpu.memory_space<hbm>>
      tpu.enqueue_dma source(%dma_start3A_59 : memref<63x80xi32, #tpu.memory_space<hbm>>) target(%arg7 : memref<63x80xi32, #tpu.memory_space<vmem>>) target_semaphore(%run_scoped3A_51 : memref<!tpu.dma_semaphore, #tpu.memory_space<semaphore_mem>>)
      %dma_wait3A = arith.constant 0 : i32
      %dma_wait3A_60 = arith.constant 0 : i32
      %dma_wait3A_61 = tpu.memref_slice %arg3[%add3A, %run_scoped3A_9, %dma_wait3A, %dma_wait3A_60] : memref<32x2x63x80xi32, #tpu.memory_space<hbm>> -> memref<1x1x63x80xi32, #tpu.memory_space<hbm>>
      %dma_wait3A_62 = tpu.memref_squeeze %dma_wait3A_61 : memref<1x1x63x80xi32, #tpu.memory_space<hbm>> -> memref<63x80xi32, #tpu.memory_space<hbm>>
      %dma_wait3A_63 = arith.constant 0 : i32
      %dma_wait3A_64 = arith.constant 0 : i32
      %dma_wait3A_65 = tpu.memref_slice %arg3[%add3A, %run_scoped3A_9, %dma_wait3A_63, %dma_wait3A_64] : memref<32x2x63x80xi32, #tpu.memory_space<hbm>> -> memref<1x1x63x80xi32, #tpu.memory_space<hbm>>
      %dma_wait3A_66 = tpu.memref_squeeze %dma_wait3A_65 : memref<1x1x63x80xi32, #tpu.memory_space<hbm>> -> memref<63x80xi32, #tpu.memory_space<hbm>>
      tpu.wait_dma2 semaphore(%run_scoped3A_51 : memref<!tpu.dma_semaphore, #tpu.memory_space<semaphore_mem>>) src(%dma_wait3A_66 : memref<63x80xi32, #tpu.memory_space<hbm>>) dst(%arg7 : memref<63x80xi32, #tpu.memory_space<vmem>>)
      tpu.yield
    }) : () -> ()
    %dma_start3A = arith.constant 0 : i32
    %dma_start3A_10 = arith.constant 0 : i32
    %dma_start3A_11 = tpu.memref_slice %arg6[%dma_start3A, %dma_start3A_10] : memref<63x80xi32, #tpu.memory_space<vmem>> -> memref<1x80xi32, #tpu.memory_space<vmem>>
    %dma_start3A_12 = tpu.memref_squeeze %dma_start3A_11 : memref<1x80xi32, #tpu.memory_space<vmem>> -> memref<80xi32, #tpu.memory_space<vmem>>
    %dma_start3A_13 = arith.constant 0 : i32
    %dma_start3A_14 = arith.constant 0 : i32
    %dma_start3A_15 = tpu.memref_slice %arg4[%dma_start3A_13, %dma_start3A_14] : memref<10240x128xf32, #tpu.memory_space<hbm>> -> memref<10240x128xf32, #tpu.memory_space<hbm>>
    tpu.enqueue_indirect_dma source(%dma_start3A_15 : memref<10240x128xf32, #tpu.memory_space<hbm>>) target(%arg8 : memref<80x128xf32, #tpu.memory_space<vmem>>) offsets(%dma_start3A_12 : memref<80xi32, #tpu.memory_space<vmem>>) semaphore(%arg12 : memref<!tpu.dma_semaphore, #tpu.memory_space<semaphore_mem>>)
    %dma_start3A_16 = arith.constant 1 : i32
    %dma_start3A_17 = arith.constant 0 : i32
    %dma_start3A_18 = tpu.memref_slice %arg6[%dma_start3A_16, %dma_start3A_17] : memref<63x80xi32, #tpu.memory_space<vmem>> -> memref<1x80xi32, #tpu.memory_space<vmem>>
    %dma_start3A_19 = tpu.memref_squeeze %dma_start3A_18 : memref<1x80xi32, #tpu.memory_space<vmem>> -> memref<80xi32, #tpu.memory_space<vmem>>
    %dma_start3A_20 = arith.constant 0 : i32
    %dma_start3A_21 = arith.constant 0 : i32
    %dma_start3A_22 = tpu.memref_slice %arg4[%dma_start3A_20, %dma_start3A_21] : memref<10240x128xf32, #tpu.memory_space<hbm>> -> memref<10240x128xf32, #tpu.memory_space<hbm>>
    tpu.enqueue_indirect_dma source(%dma_start3A_22 : memref<10240x128xf32, #tpu.memory_space<hbm>>) target(%arg9 : memref<80x128xf32, #tpu.memory_space<vmem>>) offsets(%dma_start3A_19 : memref<80xi32, #tpu.memory_space<vmem>>) semaphore(%arg13 : memref<!tpu.dma_semaphore, #tpu.memory_space<semaphore_mem>>)
    %scan3A = arith.constant 0 : i32
    %scan3A_23 = arith.constant 0 : i32
    %scan3A_24 = arith.constant 21 : i32
    %scan3A_25 = arith.addi %scan3A_23, %scan3A_24 : i32
    %scan3A_26 = arith.constant 1 : i32
    scf.for %scan3A_51 = %scan3A_23 to %scan3A_25 step %scan3A_26  : i32 {
      %mul3A_52 = arith.constant 3 : i32
      %mul3A_53 = arith.muli %scan3A_51, %mul3A_52 : i32
      %add3A_54 = arith.constant 2 : i32
      %add3A_55 = arith.addi %mul3A_53, %add3A_54 : i32
      %dma_start3A_56 = arith.constant 0 : i32
      %dma_start3A_57 = tpu.memref_slice %arg6[%add3A_55, %dma_start3A_56] : memref<63x80xi32, #tpu.memory_space<vmem>> -> memref<1x80xi32, #tpu.memory_space<vmem>>
      %dma_start3A_58 = tpu.memref_squeeze %dma_start3A_57 : memref<1x80xi32, #tpu.memory_space<vmem>> -> memref<80xi32, #tpu.memory_space<vmem>>
      %dma_start3A_59 = arith.constant 0 : i32
      %dma_start3A_60 = arith.constant 0 : i32
      %dma_start3A_61 = tpu.memref_slice %arg4[%dma_start3A_59, %dma_start3A_60] : memref<10240x128xf32, #tpu.memory_space<hbm>> -> memref<10240x128xf32, #tpu.memory_space<hbm>>
      tpu.enqueue_indirect_dma source(%dma_start3A_61 : memref<10240x128xf32, #tpu.memory_space<hbm>>) target(%arg10 : memref<80x128xf32, #tpu.memory_space<vmem>>) offsets(%dma_start3A_58 : memref<80xi32, #tpu.memory_space<vmem>>) semaphore(%arg14 : memref<!tpu.dma_semaphore, #tpu.memory_space<semaphore_mem>>)
      %dma_wait3A = arith.constant 0 : i32
      %dma_wait3A_62 = tpu.memref_slice %arg6[%mul3A_53, %dma_wait3A] : memref<63x80xi32, #tpu.memory_space<vmem>> -> memref<1x80xi32, #tpu.memory_space<vmem>>
      %dma_wait3A_63 = tpu.memref_squeeze %dma_wait3A_62 : memref<1x80xi32, #tpu.memory_space<vmem>> -> memref<80xi32, #tpu.memory_space<vmem>>
      %dma_wait3A_64 = arith.constant 0 : i32
      %dma_wait3A_65 = arith.constant 0 : i32
      %dma_wait3A_66 = tpu.memref_slice %arg4[%dma_wait3A_64, %dma_wait3A_65] : memref<10240x128xf32, #tpu.memory_space<hbm>> -> memref<10240x128xf32, #tpu.memory_space<hbm>>
      tpu.wait_indirect_dma semaphore(%arg12 : memref<!tpu.dma_semaphore, #tpu.memory_space<semaphore_mem>>) src(%dma_wait3A_66 : memref<10240x128xf32, #tpu.memory_space<hbm>>) dst(%arg8 : memref<80x128xf32, #tpu.memory_space<vmem>>)
      "tpu.region"() ({
        %run_scoped3A_92 = tpu.sem_alloc : memref<!tpu.dma_semaphore, #tpu.memory_space<semaphore_mem>>
        %dma_start3A_93 = arith.constant 0 : i32
        %dma_start3A_94 = tpu.memref_slice %arg7[%mul3A_53, %dma_start3A_93] : memref<63x80xi32, #tpu.memory_space<vmem>> -> memref<1x80xi32, #tpu.memory_space<vmem>>
        %dma_start3A_95 = tpu.memref_squeeze %dma_start3A_94 : memref<1x80xi32, #tpu.memory_space<vmem>> -> memref<80xi32, #tpu.memory_space<vmem>>
        %dma_start3A_96 = arith.constant 0 : i32
        %dma_start3A_97 = arith.constant 0 : i32
        %dma_start3A_98 = tpu.memref_slice %arg11[%dma_start3A_96, %dma_start3A_97] : memref<10240x128xf32, #tpu.memory_space<vmem_shared>> -> memref<10240x128xf32, #tpu.memory_space<vmem_shared>>
        tpu.enqueue_indirect_dma source(%arg8 : memref<80x128xf32, #tpu.memory_space<vmem>>) target(%dma_start3A_98 : memref<10240x128xf32, #tpu.memory_space<vmem_shared>>) offsets(%dma_start3A_95 : memref<80xi32, #tpu.memory_space<vmem>>) semaphore(%run_scoped3A_92 : memref<!tpu.dma_semaphore, #tpu.memory_space<semaphore_mem>>) {add = true}
        %dma_wait3A_99 = arith.constant 0 : i32
        %dma_wait3A_100 = tpu.memref_slice %arg7[%mul3A_53, %dma_wait3A_99] : memref<63x80xi32, #tpu.memory_space<vmem>> -> memref<1x80xi32, #tpu.memory_space<vmem>>
        %dma_wait3A_101 = tpu.memref_squeeze %dma_wait3A_100 : memref<1x80xi32, #tpu.memory_space<vmem>> -> memref<80xi32, #tpu.memory_space<vmem>>
        %dma_wait3A_102 = arith.constant 0 : i32
        %dma_wait3A_103 = arith.constant 0 : i32
        %dma_wait3A_104 = tpu.memref_slice %arg11[%dma_wait3A_102, %dma_wait3A_103] : memref<10240x128xf32, #tpu.memory_space<vmem_shared>> -> memref<10240x128xf32, #tpu.memory_space<vmem_shared>>
        tpu.wait_indirect_dma semaphore(%run_scoped3A_92 : memref<!tpu.dma_semaphore, #tpu.memory_space<semaphore_mem>>) src(%arg8 : memref<80x128xf32, #tpu.memory_space<vmem>>) dst(%dma_wait3A_104 : memref<10240x128xf32, #tpu.memory_space<vmem_shared>>)
        tpu.yield
      }) : () -> ()
      %lt3A = arith.constant 20 : i32
      %lt3A_67 = arith.cmpi slt, %scan3A_51, %lt3A : i32
      %convert_element_type3A_68 = arith.extui %lt3A_67 : i1 to i32
      %cond3A_69 = arith.constant 0 : i32
      %cond3A_70 = arith.cmpi ne, %convert_element_type3A_68, %cond3A_69 : i32
      scf.if %cond3A_70 {
        %add3A_92 = arith.constant 3 : i32
        %add3A_93 = arith.addi %mul3A_53, %add3A_92 : i32
        %dma_start3A_94 = arith.constant 0 : i32
        %dma_start3A_95 = tpu.memref_slice %arg6[%add3A_93, %dma_start3A_94] : memref<63x80xi32, #tpu.memory_space<vmem>> -> memref<1x80xi32, #tpu.memory_space<vmem>>
        %dma_start3A_96 = tpu.memref_squeeze %dma_start3A_95 : memref<1x80xi32, #tpu.memory_space<vmem>> -> memref<80xi32, #tpu.memory_space<vmem>>
        %dma_start3A_97 = arith.constant 0 : i32
        %dma_start3A_98 = arith.constant 0 : i32
        %dma_start3A_99 = tpu.memref_slice %arg4[%dma_start3A_97, %dma_start3A_98] : memref<10240x128xf32, #tpu.memory_space<hbm>> -> memref<10240x128xf32, #tpu.memory_space<hbm>>
        tpu.enqueue_indirect_dma source(%dma_start3A_99 : memref<10240x128xf32, #tpu.memory_space<hbm>>) target(%arg8 : memref<80x128xf32, #tpu.memory_space<vmem>>) offsets(%dma_start3A_96 : memref<80xi32, #tpu.memory_space<vmem>>) semaphore(%arg12 : memref<!tpu.dma_semaphore, #tpu.memory_space<semaphore_mem>>)
      } else {
      }
      %add3A_71 = arith.constant 1 : i32
      %add3A_72 = arith.addi %mul3A_53, %add3A_71 : i32
      %dma_wait3A_73 = arith.constant 0 : i32
      %dma_wait3A_74 = tpu.memref_slice %arg6[%add3A_72, %dma_wait3A_73] : memref<63x80xi32, #tpu.memory_space<vmem>> -> memref<1x80xi32, #tpu.memory_space<vmem>>
      %dma_wait3A_75 = tpu.memref_squeeze %dma_wait3A_74 : memref<1x80xi32, #tpu.memory_space<vmem>> -> memref<80xi32, #tpu.memory_space<vmem>>
      %dma_wait3A_76 = arith.constant 0 : i32
      %dma_wait3A_77 = arith.constant 0 : i32
      %dma_wait3A_78 = tpu.memref_slice %arg4[%dma_wait3A_76, %dma_wait3A_77] : memref<10240x128xf32, #tpu.memory_space<hbm>> -> memref<10240x128xf32, #tpu.memory_space<hbm>>
      tpu.wait_indirect_dma semaphore(%arg13 : memref<!tpu.dma_semaphore, #tpu.memory_space<semaphore_mem>>) src(%dma_wait3A_78 : memref<10240x128xf32, #tpu.memory_space<hbm>>) dst(%arg9 : memref<80x128xf32, #tpu.memory_space<vmem>>)
      "tpu.region"() ({
        %run_scoped3A_92 = tpu.sem_alloc : memref<!tpu.dma_semaphore, #tpu.memory_space<semaphore_mem>>
        %dma_start3A_93 = arith.constant 0 : i32
        %dma_start3A_94 = tpu.memref_slice %arg7[%add3A_72, %dma_start3A_93] : memref<63x80xi32, #tpu.memory_space<vmem>> -> memref<1x80xi32, #tpu.memory_space<vmem>>
        %dma_start3A_95 = tpu.memref_squeeze %dma_start3A_94 : memref<1x80xi32, #tpu.memory_space<vmem>> -> memref<80xi32, #tpu.memory_space<vmem>>
        %dma_start3A_96 = arith.constant 0 : i32
        %dma_start3A_97 = arith.constant 0 : i32
        %dma_start3A_98 = tpu.memref_slice %arg11[%dma_start3A_96, %dma_start3A_97] : memref<10240x128xf32, #tpu.memory_space<vmem_shared>> -> memref<10240x128xf32, #tpu.memory_space<vmem_shared>>
        tpu.enqueue_indirect_dma source(%arg9 : memref<80x128xf32, #tpu.memory_space<vmem>>) target(%dma_start3A_98 : memref<10240x128xf32, #tpu.memory_space<vmem_shared>>) offsets(%dma_start3A_95 : memref<80xi32, #tpu.memory_space<vmem>>) semaphore(%run_scoped3A_92 : memref<!tpu.dma_semaphore, #tpu.memory_space<semaphore_mem>>) {add = true}
        %dma_wait3A_99 = arith.constant 0 : i32
        %dma_wait3A_100 = tpu.memref_slice %arg7[%add3A_72, %dma_wait3A_99] : memref<63x80xi32, #tpu.memory_space<vmem>> -> memref<1x80xi32, #tpu.memory_space<vmem>>
        %dma_wait3A_101 = tpu.memref_squeeze %dma_wait3A_100 : memref<1x80xi32, #tpu.memory_space<vmem>> -> memref<80xi32, #tpu.memory_space<vmem>>
        %dma_wait3A_102 = arith.constant 0 : i32
        %dma_wait3A_103 = arith.constant 0 : i32
        %dma_wait3A_104 = tpu.memref_slice %arg11[%dma_wait3A_102, %dma_wait3A_103] : memref<10240x128xf32, #tpu.memory_space<vmem_shared>> -> memref<10240x128xf32, #tpu.memory_space<vmem_shared>>
        tpu.wait_indirect_dma semaphore(%run_scoped3A_92 : memref<!tpu.dma_semaphore, #tpu.memory_space<semaphore_mem>>) src(%arg9 : memref<80x128xf32, #tpu.memory_space<vmem>>) dst(%dma_wait3A_104 : memref<10240x128xf32, #tpu.memory_space<vmem_shared>>)
        tpu.yield
      }) : () -> ()
      %lt3A_79 = arith.constant 20 : i32
      %lt3A_80 = arith.cmpi slt, %scan3A_51, %lt3A_79 : i32
      %convert_element_type3A_81 = arith.extui %lt3A_80 : i1 to i32
      %cond3A_82 = arith.constant 0 : i32
      %cond3A_83 = arith.cmpi ne, %convert_element_type3A_81, %cond3A_82 : i32
      scf.if %cond3A_83 {
        %add3A_92 = arith.constant 4 : i32
        %add3A_93 = arith.addi %mul3A_53, %add3A_92 : i32
        %dma_start3A_94 = arith.constant 0 : i32
        %dma_start3A_95 = tpu.memref_slice %arg6[%add3A_93, %dma_start3A_94] : memref<63x80xi32, #tpu.memory_space<vmem>> -> memref<1x80xi32, #tpu.memory_space<vmem>>
        %dma_start3A_96 = tpu.memref_squeeze %dma_start3A_95 : memref<1x80xi32, #tpu.memory_space<vmem>> -> memref<80xi32, #tpu.memory_space<vmem>>
        %dma_start3A_97 = arith.constant 0 : i32
        %dma_start3A_98 = arith.constant 0 : i32
        %dma_start3A_99 = tpu.memref_slice %arg4[%dma_start3A_97, %dma_start3A_98] : memref<10240x128xf32, #tpu.memory_space<hbm>> -> memref<10240x128xf32, #tpu.memory_space<hbm>>
        tpu.enqueue_indirect_dma source(%dma_start3A_99 : memref<10240x128xf32, #tpu.memory_space<hbm>>) target(%arg9 : memref<80x128xf32, #tpu.memory_space<vmem>>) offsets(%dma_start3A_96 : memref<80xi32, #tpu.memory_space<vmem>>) semaphore(%arg13 : memref<!tpu.dma_semaphore, #tpu.memory_space<semaphore_mem>>)
      } else {
      }
      %add3A_84 = arith.constant 2 : i32
      %add3A_85 = arith.addi %mul3A_53, %add3A_84 : i32
      %dma_wait3A_86 = arith.constant 0 : i32
      %dma_wait3A_87 = tpu.memref_slice %arg6[%add3A_85, %dma_wait3A_86] : memref<63x80xi32, #tpu.memory_space<vmem>> -> memref<1x80xi32, #tpu.memory_space<vmem>>
      %dma_wait3A_88 = tpu.memref_squeeze %dma_wait3A_87 : memref<1x80xi32, #tpu.memory_space<vmem>> -> memref<80xi32, #tpu.memory_space<vmem>>
      %dma_wait3A_89 = arith.constant 0 : i32
      %dma_wait3A_90 = arith.constant 0 : i32
      %dma_wait3A_91 = tpu.memref_slice %arg4[%dma_wait3A_89, %dma_wait3A_90] : memref<10240x128xf32, #tpu.memory_space<hbm>> -> memref<10240x128xf32, #tpu.memory_space<hbm>>
      tpu.wait_indirect_dma semaphore(%arg14 : memref<!tpu.dma_semaphore, #tpu.memory_space<semaphore_mem>>) src(%dma_wait3A_91 : memref<10240x128xf32, #tpu.memory_space<hbm>>) dst(%arg10 : memref<80x128xf32, #tpu.memory_space<vmem>>)
      "tpu.region"() ({
        %run_scoped3A_92 = tpu.sem_alloc : memref<!tpu.dma_semaphore, #tpu.memory_space<semaphore_mem>>
        %dma_start3A_93 = arith.constant 0 : i32
        %dma_start3A_94 = tpu.memref_slice %arg7[%add3A_85, %dma_start3A_93] : memref<63x80xi32, #tpu.memory_space<vmem>> -> memref<1x80xi32, #tpu.memory_space<vmem>>
        %dma_start3A_95 = tpu.memref_squeeze %dma_start3A_94 : memref<1x80xi32, #tpu.memory_space<vmem>> -> memref<80xi32, #tpu.memory_space<vmem>>
        %dma_start3A_96 = arith.constant 0 : i32
        %dma_start3A_97 = arith.constant 0 : i32
        %dma_start3A_98 = tpu.memref_slice %arg11[%dma_start3A_96, %dma_start3A_97] : memref<10240x128xf32, #tpu.memory_space<vmem_shared>> -> memref<10240x128xf32, #tpu.memory_space<vmem_shared>>
        tpu.enqueue_indirect_dma source(%arg10 : memref<80x128xf32, #tpu.memory_space<vmem>>) target(%dma_start3A_98 : memref<10240x128xf32, #tpu.memory_space<vmem_shared>>) offsets(%dma_start3A_95 : memref<80xi32, #tpu.memory_space<vmem>>) semaphore(%run_scoped3A_92 : memref<!tpu.dma_semaphore, #tpu.memory_space<semaphore_mem>>) {add = true}
        %dma_wait3A_99 = arith.constant 0 : i32
        %dma_wait3A_100 = tpu.memref_slice %arg7[%add3A_85, %dma_wait3A_99] : memref<63x80xi32, #tpu.memory_space<vmem>> -> memref<1x80xi32, #tpu.memory_space<vmem>>
        %dma_wait3A_101 = tpu.memref_squeeze %dma_wait3A_100 : memref<1x80xi32, #tpu.memory_space<vmem>> -> memref<80xi32, #tpu.memory_space<vmem>>
        %dma_wait3A_102 = arith.constant 0 : i32
        %dma_wait3A_103 = arith.constant 0 : i32
        %dma_wait3A_104 = tpu.memref_slice %arg11[%dma_wait3A_102, %dma_wait3A_103] : memref<10240x128xf32, #tpu.memory_space<vmem_shared>> -> memref<10240x128xf32, #tpu.memory_space<vmem_shared>>
        tpu.wait_indirect_dma semaphore(%run_scoped3A_92 : memref<!tpu.dma_semaphore, #tpu.memory_space<semaphore_mem>>) src(%arg10 : memref<80x128xf32, #tpu.memory_space<vmem>>) dst(%dma_wait3A_104 : memref<10240x128xf32, #tpu.memory_space<vmem_shared>>)
        tpu.yield
      }) : () -> ()
    }
    %scan3A_27 = arith.constant 21 : i32
    %run_scoped3A_28 = arith.constant 1 : i32
    "tpu.region"() ({
      %run_scoped3A_51 = tpu.sem_alloc : memref<!tpu.dma_semaphore, #tpu.memory_space<semaphore_mem>>
      %dma_start3A_52 = arith.constant 0 : i32
      %dma_start3A_53 = arith.constant 0 : i32
      %dma_start3A_54 = tpu.memref_slice %arg2[%add3A, %run_scoped3A_28, %dma_start3A_52, %dma_start3A_53] : memref<32x2x63x80xi32, #tpu.memory_space<hbm>> -> memref<1x1x63x80xi32, #tpu.memory_space<hbm>>
      %dma_start3A_55 = tpu.memref_squeeze %dma_start3A_54 : memref<1x1x63x80xi32, #tpu.memory_space<hbm>> -> memref<63x80xi32, #tpu.memory_space<hbm>>
      %dma_start3A_56 = arith.constant 0 : i32
      %dma_start3A_57 = arith.constant 0 : i32
      %dma_start3A_58 = tpu.memref_slice %arg2[%add3A, %run_scoped3A_28, %dma_start3A_56, %dma_start3A_57] : memref<32x2x63x80xi32, #tpu.memory_space<hbm>> -> memref<1x1x63x80xi32, #tpu.memory_space<hbm>>
      %dma_start3A_59 = tpu.memref_squeeze %dma_start3A_58 : memref<1x1x63x80xi32, #tpu.memory_space<hbm>> -> memref<63x80xi32, #tpu.memory_space<hbm>>
      tpu.enqueue_dma source(%dma_start3A_59 : memref<63x80xi32, #tpu.memory_space<hbm>>) target(%arg6 : memref<63x80xi32, #tpu.memory_space<vmem>>) target_semaphore(%run_scoped3A_51 : memref<!tpu.dma_semaphore, #tpu.memory_space<semaphore_mem>>)
      %dma_wait3A = arith.constant 0 : i32
      %dma_wait3A_60 = arith.constant 0 : i32
      %dma_wait3A_61 = tpu.memref_slice %arg2[%add3A, %run_scoped3A_28, %dma_wait3A, %dma_wait3A_60] : memref<32x2x63x80xi32, #tpu.memory_space<hbm>> -> memref<1x1x63x80xi32, #tpu.memory_space<hbm>>
      %dma_wait3A_62 = tpu.memref_squeeze %dma_wait3A_61 : memref<1x1x63x80xi32, #tpu.memory_space<hbm>> -> memref<63x80xi32, #tpu.memory_space<hbm>>
      %dma_wait3A_63 = arith.constant 0 : i32
      %dma_wait3A_64 = arith.constant 0 : i32
      %dma_wait3A_65 = tpu.memref_slice %arg2[%add3A, %run_scoped3A_28, %dma_wait3A_63, %dma_wait3A_64] : memref<32x2x63x80xi32, #tpu.memory_space<hbm>> -> memref<1x1x63x80xi32, #tpu.memory_space<hbm>>
      %dma_wait3A_66 = tpu.memref_squeeze %dma_wait3A_65 : memref<1x1x63x80xi32, #tpu.memory_space<hbm>> -> memref<63x80xi32, #tpu.memory_space<hbm>>
      tpu.wait_dma2 semaphore(%run_scoped3A_51 : memref<!tpu.dma_semaphore, #tpu.memory_space<semaphore_mem>>) src(%dma_wait3A_66 : memref<63x80xi32, #tpu.memory_space<hbm>>) dst(%arg6 : memref<63x80xi32, #tpu.memory_space<vmem>>)
      tpu.yield
    }) : () -> ()
    %run_scoped3A_29 = arith.constant 1 : i32
    "tpu.region"() ({
      %run_scoped3A_51 = tpu.sem_alloc : memref<!tpu.dma_semaphore, #tpu.memory_space<semaphore_mem>>
      %dma_start3A_52 = arith.constant 0 : i32
      %dma_start3A_53 = arith.constant 0 : i32
      %dma_start3A_54 = tpu.memref_slice %arg3[%add3A, %run_scoped3A_29, %dma_start3A_52, %dma_start3A_53] : memref<32x2x63x80xi32, #tpu.memory_space<hbm>> -> memref<1x1x63x80xi32, #tpu.memory_space<hbm>>
      %dma_start3A_55 = tpu.memref_squeeze %dma_start3A_54 : memref<1x1x63x80xi32, #tpu.memory_space<hbm>> -> memref<63x80xi32, #tpu.memory_space<hbm>>
      %dma_start3A_56 = arith.constant 0 : i32
      %dma_start3A_57 = arith.constant 0 : i32
      %dma_start3A_58 = tpu.memref_slice %arg3[%add3A, %run_scoped3A_29, %dma_start3A_56, %dma_start3A_57] : memref<32x2x63x80xi32, #tpu.memory_space<hbm>> -> memref<1x1x63x80xi32, #tpu.memory_space<hbm>>
      %dma_start3A_59 = tpu.memref_squeeze %dma_start3A_58 : memref<1x1x63x80xi32, #tpu.memory_space<hbm>> -> memref<63x80xi32, #tpu.memory_space<hbm>>
      tpu.enqueue_dma source(%dma_start3A_59 : memref<63x80xi32, #tpu.memory_space<hbm>>) target(%arg7 : memref<63x80xi32, #tpu.memory_space<vmem>>) target_semaphore(%run_scoped3A_51 : memref<!tpu.dma_semaphore, #tpu.memory_space<semaphore_mem>>)
      %dma_wait3A = arith.constant 0 : i32
      %dma_wait3A_60 = arith.constant 0 : i32
      %dma_wait3A_61 = tpu.memref_slice %arg3[%add3A, %run_scoped3A_29, %dma_wait3A, %dma_wait3A_60] : memref<32x2x63x80xi32, #tpu.memory_space<hbm>> -> memref<1x1x63x80xi32, #tpu.memory_space<hbm>>
      %dma_wait3A_62 = tpu.memref_squeeze %dma_wait3A_61 : memref<1x1x63x80xi32, #tpu.memory_space<hbm>> -> memref<63x80xi32, #tpu.memory_space<hbm>>
      %dma_wait3A_63 = arith.constant 0 : i32
      %dma_wait3A_64 = arith.constant 0 : i32
      %dma_wait3A_65 = tpu.memref_slice %arg3[%add3A, %run_scoped3A_29, %dma_wait3A_63, %dma_wait3A_64] : memref<32x2x63x80xi32, #tpu.memory_space<hbm>> -> memref<1x1x63x80xi32, #tpu.memory_space<hbm>>
      %dma_wait3A_66 = tpu.memref_squeeze %dma_wait3A_65 : memref<1x1x63x80xi32, #tpu.memory_space<hbm>> -> memref<63x80xi32, #tpu.memory_space<hbm>>
      tpu.wait_dma2 semaphore(%run_scoped3A_51 : memref<!tpu.dma_semaphore, #tpu.memory_space<semaphore_mem>>) src(%dma_wait3A_66 : memref<63x80xi32, #tpu.memory_space<hbm>>) dst(%arg7 : memref<63x80xi32, #tpu.memory_space<vmem>>)
      tpu.yield
    }) : () -> ()
    %dma_start3A_30 = arith.constant 0 : i32
    %dma_start3A_31 = arith.constant 0 : i32
    %dma_start3A_32 = tpu.memref_slice %arg6[%dma_start3A_30, %dma_start3A_31] : memref<63x80xi32, #tpu.memory_space<vmem>> -> memref<1x80xi32, #tpu.memory_space<vmem>>
    %dma_start3A_33 = tpu.memref_squeeze %dma_start3A_32 : memref<1x80xi32, #tpu.memory_space<vmem>> -> memref<80xi32, #tpu.memory_space<vmem>>
    %dma_start3A_34 = arith.constant 0 : i32
    %dma_start3A_35 = arith.constant 0 : i32
    %dma_start3A_36 = tpu.memref_slice %arg4[%dma_start3A_34, %dma_start3A_35] : memref<10240x128xf32, #tpu.memory_space<hbm>> -> memref<10240x128xf32, #tpu.memory_space<hbm>>
    tpu.enqueue_indirect_dma source(%dma_start3A_36 : memref<10240x128xf32, #tpu.memory_space<hbm>>) target(%arg8 : memref<80x128xf32, #tpu.memory_space<vmem>>) offsets(%dma_start3A_33 : memref<80xi32, #tpu.memory_space<vmem>>) semaphore(%arg12 : memref<!tpu.dma_semaphore, #tpu.memory_space<semaphore_mem>>)
    %dma_start3A_37 = arith.constant 1 : i32
    %dma_start3A_38 = arith.constant 0 : i32
    %dma_start3A_39 = tpu.memref_slice %arg6[%dma_start3A_37, %dma_start3A_38] : memref<63x80xi32, #tpu.memory_space<vmem>> -> memref<1x80xi32, #tpu.memory_space<vmem>>
    %dma_start3A_40 = tpu.memref_squeeze %dma_start3A_39 : memref<1x80xi32, #tpu.memory_space<vmem>> -> memref<80xi32, #tpu.memory_space<vmem>>
    %dma_start3A_41 = arith.constant 0 : i32
    %dma_start3A_42 = arith.constant 0 : i32
    %dma_start3A_43 = tpu.memref_slice %arg4[%dma_start3A_41, %dma_start3A_42] : memref<10240x128xf32, #tpu.memory_space<hbm>> -> memref<10240x128xf32, #tpu.memory_space<hbm>>
    tpu.enqueue_indirect_dma source(%dma_start3A_43 : memref<10240x128xf32, #tpu.memory_space<hbm>>) target(%arg9 : memref<80x128xf32, #tpu.memory_space<vmem>>) offsets(%dma_start3A_40 : memref<80xi32, #tpu.memory_space<vmem>>) semaphore(%arg13 : memref<!tpu.dma_semaphore, #tpu.memory_space<semaphore_mem>>)
    %scan3A_44 = arith.constant 0 : i32
    %scan3A_45 = arith.constant 0 : i32
    %scan3A_46 = arith.constant 21 : i32
    %scan3A_47 = arith.addi %scan3A_45, %scan3A_46 : i32
    %scan3A_48 = arith.constant 1 : i32
    scf.for %scan3A_51 = %scan3A_45 to %scan3A_47 step %scan3A_48  : i32 {
      %mul3A_52 = arith.constant 3 : i32
      %mul3A_53 = arith.muli %scan3A_51, %mul3A_52 : i32
      %add3A_54 = arith.constant 2 : i32
      %add3A_55 = arith.addi %mul3A_53, %add3A_54 : i32
      %dma_start3A_56 = arith.constant 0 : i32
      %dma_start3A_57 = tpu.memref_slice %arg6[%add3A_55, %dma_start3A_56] : memref<63x80xi32, #tpu.memory_space<vmem>> -> memref<1x80xi32, #tpu.memory_space<vmem>>
      %dma_start3A_58 = tpu.memref_squeeze %dma_start3A_57 : memref<1x80xi32, #tpu.memory_space<vmem>> -> memref<80xi32, #tpu.memory_space<vmem>>
      %dma_start3A_59 = arith.constant 0 : i32
      %dma_start3A_60 = arith.constant 0 : i32
      %dma_start3A_61 = tpu.memref_slice %arg4[%dma_start3A_59, %dma_start3A_60] : memref<10240x128xf32, #tpu.memory_space<hbm>> -> memref<10240x128xf32, #tpu.memory_space<hbm>>
      tpu.enqueue_indirect_dma source(%dma_start3A_61 : memref<10240x128xf32, #tpu.memory_space<hbm>>) target(%arg10 : memref<80x128xf32, #tpu.memory_space<vmem>>) offsets(%dma_start3A_58 : memref<80xi32, #tpu.memory_space<vmem>>) semaphore(%arg14 : memref<!tpu.dma_semaphore, #tpu.memory_space<semaphore_mem>>)
      %dma_wait3A = arith.constant 0 : i32
      %dma_wait3A_62 = tpu.memref_slice %arg6[%mul3A_53, %dma_wait3A] : memref<63x80xi32, #tpu.memory_space<vmem>> -> memref<1x80xi32, #tpu.memory_space<vmem>>
      %dma_wait3A_63 = tpu.memref_squeeze %dma_wait3A_62 : memref<1x80xi32, #tpu.memory_space<vmem>> -> memref<80xi32, #tpu.memory_space<vmem>>
      %dma_wait3A_64 = arith.constant 0 : i32
      %dma_wait3A_65 = arith.constant 0 : i32
      %dma_wait3A_66 = tpu.memref_slice %arg4[%dma_wait3A_64, %dma_wait3A_65] : memref<10240x128xf32, #tpu.memory_space<hbm>> -> memref<10240x128xf32, #tpu.memory_space<hbm>>
      tpu.wait_indirect_dma semaphore(%arg12 : memref<!tpu.dma_semaphore, #tpu.memory_space<semaphore_mem>>) src(%dma_wait3A_66 : memref<10240x128xf32, #tpu.memory_space<hbm>>) dst(%arg8 : memref<80x128xf32, #tpu.memory_space<vmem>>)
      "tpu.region"() ({
        %run_scoped3A_92 = tpu.sem_alloc : memref<!tpu.dma_semaphore, #tpu.memory_space<semaphore_mem>>
        %dma_start3A_93 = arith.constant 0 : i32
        %dma_start3A_94 = tpu.memref_slice %arg7[%mul3A_53, %dma_start3A_93] : memref<63x80xi32, #tpu.memory_space<vmem>> -> memref<1x80xi32, #tpu.memory_space<vmem>>
        %dma_start3A_95 = tpu.memref_squeeze %dma_start3A_94 : memref<1x80xi32, #tpu.memory_space<vmem>> -> memref<80xi32, #tpu.memory_space<vmem>>
        %dma_start3A_96 = arith.constant 0 : i32
        %dma_start3A_97 = arith.constant 0 : i32
        %dma_start3A_98 = tpu.memref_slice %arg11[%dma_start3A_96, %dma_start3A_97] : memref<10240x128xf32, #tpu.memory_space<vmem_shared>> -> memref<10240x128xf32, #tpu.memory_space<vmem_shared>>
        tpu.enqueue_indirect_dma source(%arg8 : memref<80x128xf32, #tpu.memory_space<vmem>>) target(%dma_start3A_98 : memref<10240x128xf32, #tpu.memory_space<vmem_shared>>) offsets(%dma_start3A_95 : memref<80xi32, #tpu.memory_space<vmem>>) semaphore(%run_scoped3A_92 : memref<!tpu.dma_semaphore, #tpu.memory_space<semaphore_mem>>) {add = true}
        %dma_wait3A_99 = arith.constant 0 : i32
        %dma_wait3A_100 = tpu.memref_slice %arg7[%mul3A_53, %dma_wait3A_99] : memref<63x80xi32, #tpu.memory_space<vmem>> -> memref<1x80xi32, #tpu.memory_space<vmem>>
        %dma_wait3A_101 = tpu.memref_squeeze %dma_wait3A_100 : memref<1x80xi32, #tpu.memory_space<vmem>> -> memref<80xi32, #tpu.memory_space<vmem>>
        %dma_wait3A_102 = arith.constant 0 : i32
        %dma_wait3A_103 = arith.constant 0 : i32
        %dma_wait3A_104 = tpu.memref_slice %arg11[%dma_wait3A_102, %dma_wait3A_103] : memref<10240x128xf32, #tpu.memory_space<vmem_shared>> -> memref<10240x128xf32, #tpu.memory_space<vmem_shared>>
        tpu.wait_indirect_dma semaphore(%run_scoped3A_92 : memref<!tpu.dma_semaphore, #tpu.memory_space<semaphore_mem>>) src(%arg8 : memref<80x128xf32, #tpu.memory_space<vmem>>) dst(%dma_wait3A_104 : memref<10240x128xf32, #tpu.memory_space<vmem_shared>>)
        tpu.yield
      }) : () -> ()
      %lt3A = arith.constant 20 : i32
      %lt3A_67 = arith.cmpi slt, %scan3A_51, %lt3A : i32
      %convert_element_type3A_68 = arith.extui %lt3A_67 : i1 to i32
      %cond3A_69 = arith.constant 0 : i32
      %cond3A_70 = arith.cmpi ne, %convert_element_type3A_68, %cond3A_69 : i32
      scf.if %cond3A_70 {
        %add3A_92 = arith.constant 3 : i32
        %add3A_93 = arith.addi %mul3A_53, %add3A_92 : i32
        %dma_start3A_94 = arith.constant 0 : i32
        %dma_start3A_95 = tpu.memref_slice %arg6[%add3A_93, %dma_start3A_94] : memref<63x80xi32, #tpu.memory_space<vmem>> -> memref<1x80xi32, #tpu.memory_space<vmem>>
        %dma_start3A_96 = tpu.memref_squeeze %dma_start3A_95 : memref<1x80xi32, #tpu.memory_space<vmem>> -> memref<80xi32, #tpu.memory_space<vmem>>
        %dma_start3A_97 = arith.constant 0 : i32
        %dma_start3A_98 = arith.constant 0 : i32
        %dma_start3A_99 = tpu.memref_slice %arg4[%dma_start3A_97, %dma_start3A_98] : memref<10240x128xf32, #tpu.memory_space<hbm>> -> memref<10240x128xf32, #tpu.memory_space<hbm>>
        tpu.enqueue_indirect_dma source(%dma_start3A_99 : memref<10240x128xf32, #tpu.memory_space<hbm>>) target(%arg8 : memref<80x128xf32, #tpu.memory_space<vmem>>) offsets(%dma_start3A_96 : memref<80xi32, #tpu.memory_space<vmem>>) semaphore(%arg12 : memref<!tpu.dma_semaphore, #tpu.memory_space<semaphore_mem>>)
      } else {
      }
      %add3A_71 = arith.constant 1 : i32
      %add3A_72 = arith.addi %mul3A_53, %add3A_71 : i32
      %dma_wait3A_73 = arith.constant 0 : i32
      %dma_wait3A_74 = tpu.memref_slice %arg6[%add3A_72, %dma_wait3A_73] : memref<63x80xi32, #tpu.memory_space<vmem>> -> memref<1x80xi32, #tpu.memory_space<vmem>>
      %dma_wait3A_75 = tpu.memref_squeeze %dma_wait3A_74 : memref<1x80xi32, #tpu.memory_space<vmem>> -> memref<80xi32, #tpu.memory_space<vmem>>
      %dma_wait3A_76 = arith.constant 0 : i32
      %dma_wait3A_77 = arith.constant 0 : i32
      %dma_wait3A_78 = tpu.memref_slice %arg4[%dma_wait3A_76, %dma_wait3A_77] : memref<10240x128xf32, #tpu.memory_space<hbm>> -> memref<10240x128xf32, #tpu.memory_space<hbm>>
      tpu.wait_indirect_dma semaphore(%arg13 : memref<!tpu.dma_semaphore, #tpu.memory_space<semaphore_mem>>) src(%dma_wait3A_78 : memref<10240x128xf32, #tpu.memory_space<hbm>>) dst(%arg9 : memref<80x128xf32, #tpu.memory_space<vmem>>)
      "tpu.region"() ({
        %run_scoped3A_92 = tpu.sem_alloc : memref<!tpu.dma_semaphore, #tpu.memory_space<semaphore_mem>>
        %dma_start3A_93 = arith.constant 0 : i32
        %dma_start3A_94 = tpu.memref_slice %arg7[%add3A_72, %dma_start3A_93] : memref<63x80xi32, #tpu.memory_space<vmem>> -> memref<1x80xi32, #tpu.memory_space<vmem>>
        %dma_start3A_95 = tpu.memref_squeeze %dma_start3A_94 : memref<1x80xi32, #tpu.memory_space<vmem>> -> memref<80xi32, #tpu.memory_space<vmem>>
        %dma_start3A_96 = arith.constant 0 : i32
        %dma_start3A_97 = arith.constant 0 : i32
        %dma_start3A_98 = tpu.memref_slice %arg11[%dma_start3A_96, %dma_start3A_97] : memref<10240x128xf32, #tpu.memory_space<vmem_shared>> -> memref<10240x128xf32, #tpu.memory_space<vmem_shared>>
        tpu.enqueue_indirect_dma source(%arg9 : memref<80x128xf32, #tpu.memory_space<vmem>>) target(%dma_start3A_98 : memref<10240x128xf32, #tpu.memory_space<vmem_shared>>) offsets(%dma_start3A_95 : memref<80xi32, #tpu.memory_space<vmem>>) semaphore(%run_scoped3A_92 : memref<!tpu.dma_semaphore, #tpu.memory_space<semaphore_mem>>) {add = true}
        %dma_wait3A_99 = arith.constant 0 : i32
        %dma_wait3A_100 = tpu.memref_slice %arg7[%add3A_72, %dma_wait3A_99] : memref<63x80xi32, #tpu.memory_space<vmem>> -> memref<1x80xi32, #tpu.memory_space<vmem>>
        %dma_wait3A_101 = tpu.memref_squeeze %dma_wait3A_100 : memref<1x80xi32, #tpu.memory_space<vmem>> -> memref<80xi32, #tpu.memory_space<vmem>>
        %dma_wait3A_102 = arith.constant 0 : i32
        %dma_wait3A_103 = arith.constant 0 : i32
        %dma_wait3A_104 = tpu.memref_slice %arg11[%dma_wait3A_102, %dma_wait3A_103] : memref<10240x128xf32, #tpu.memory_space<vmem_shared>> -> memref<10240x128xf32, #tpu.memory_space<vmem_shared>>
        tpu.wait_indirect_dma semaphore(%run_scoped3A_92 : memref<!tpu.dma_semaphore, #tpu.memory_space<semaphore_mem>>) src(%arg9 : memref<80x128xf32, #tpu.memory_space<vmem>>) dst(%dma_wait3A_104 : memref<10240x128xf32, #tpu.memory_space<vmem_shared>>)
        tpu.yield
      }) : () -> ()
      %lt3A_79 = arith.constant 20 : i32
      %lt3A_80 = arith.cmpi slt, %scan3A_51, %lt3A_79 : i32
      %convert_element_type3A_81 = arith.extui %lt3A_80 : i1 to i32
      %cond3A_82 = arith.constant 0 : i32
      %cond3A_83 = arith.cmpi ne, %convert_element_type3A_81, %cond3A_82 : i32
      scf.if %cond3A_83 {
        %add3A_92 = arith.constant 4 : i32
        %add3A_93 = arith.addi %mul3A_53, %add3A_92 : i32
        %dma_start3A_94 = arith.constant 0 : i32
        %dma_start3A_95 = tpu.memref_slice %arg6[%add3A_93, %dma_start3A_94] : memref<63x80xi32, #tpu.memory_space<vmem>> -> memref<1x80xi32, #tpu.memory_space<vmem>>
        %dma_start3A_96 = tpu.memref_squeeze %dma_start3A_95 : memref<1x80xi32, #tpu.memory_space<vmem>> -> memref<80xi32, #tpu.memory_space<vmem>>
        %dma_start3A_97 = arith.constant 0 : i32
        %dma_start3A_98 = arith.constant 0 : i32
        %dma_start3A_99 = tpu.memref_slice %arg4[%dma_start3A_97, %dma_start3A_98] : memref<10240x128xf32, #tpu.memory_space<hbm>> -> memref<10240x128xf32, #tpu.memory_space<hbm>>
        tpu.enqueue_indirect_dma source(%dma_start3A_99 : memref<10240x128xf32, #tpu.memory_space<hbm>>) target(%arg9 : memref<80x128xf32, #tpu.memory_space<vmem>>) offsets(%dma_start3A_96 : memref<80xi32, #tpu.memory_space<vmem>>) semaphore(%arg13 : memref<!tpu.dma_semaphore, #tpu.memory_space<semaphore_mem>>)
      } else {
      }
      %add3A_84 = arith.constant 2 : i32
      %add3A_85 = arith.addi %mul3A_53, %add3A_84 : i32
      %dma_wait3A_86 = arith.constant 0 : i32
      %dma_wait3A_87 = tpu.memref_slice %arg6[%add3A_85, %dma_wait3A_86] : memref<63x80xi32, #tpu.memory_space<vmem>> -> memref<1x80xi32, #tpu.memory_space<vmem>>
      %dma_wait3A_88 = tpu.memref_squeeze %dma_wait3A_87 : memref<1x80xi32, #tpu.memory_space<vmem>> -> memref<80xi32, #tpu.memory_space<vmem>>
      %dma_wait3A_89 = arith.constant 0 : i32
      %dma_wait3A_90 = arith.constant 0 : i32
      %dma_wait3A_91 = tpu.memref_slice %arg4[%dma_wait3A_89, %dma_wait3A_90] : memref<10240x128xf32, #tpu.memory_space<hbm>> -> memref<10240x128xf32, #tpu.memory_space<hbm>>
      tpu.wait_indirect_dma semaphore(%arg14 : memref<!tpu.dma_semaphore, #tpu.memory_space<semaphore_mem>>) src(%dma_wait3A_91 : memref<10240x128xf32, #tpu.memory_space<hbm>>) dst(%arg10 : memref<80x128xf32, #tpu.memory_space<vmem>>)
      "tpu.region"() ({
        %run_scoped3A_92 = tpu.sem_alloc : memref<!tpu.dma_semaphore, #tpu.memory_space<semaphore_mem>>
        %dma_start3A_93 = arith.constant 0 : i32
        %dma_start3A_94 = tpu.memref_slice %arg7[%add3A_85, %dma_start3A_93] : memref<63x80xi32, #tpu.memory_space<vmem>> -> memref<1x80xi32, #tpu.memory_space<vmem>>
        %dma_start3A_95 = tpu.memref_squeeze %dma_start3A_94 : memref<1x80xi32, #tpu.memory_space<vmem>> -> memref<80xi32, #tpu.memory_space<vmem>>
        %dma_start3A_96 = arith.constant 0 : i32
        %dma_start3A_97 = arith.constant 0 : i32
        %dma_start3A_98 = tpu.memref_slice %arg11[%dma_start3A_96, %dma_start3A_97] : memref<10240x128xf32, #tpu.memory_space<vmem_shared>> -> memref<10240x128xf32, #tpu.memory_space<vmem_shared>>
        tpu.enqueue_indirect_dma source(%arg10 : memref<80x128xf32, #tpu.memory_space<vmem>>) target(%dma_start3A_98 : memref<10240x128xf32, #tpu.memory_space<vmem_shared>>) offsets(%dma_start3A_95 : memref<80xi32, #tpu.memory_space<vmem>>) semaphore(%run_scoped3A_92 : memref<!tpu.dma_semaphore, #tpu.memory_space<semaphore_mem>>) {add = true}
        %dma_wait3A_99 = arith.constant 0 : i32
        %dma_wait3A_100 = tpu.memref_slice %arg7[%add3A_85, %dma_wait3A_99] : memref<63x80xi32, #tpu.memory_space<vmem>> -> memref<1x80xi32, #tpu.memory_space<vmem>>
        %dma_wait3A_101 = tpu.memref_squeeze %dma_wait3A_100 : memref<1x80xi32, #tpu.memory_space<vmem>> -> memref<80xi32, #tpu.memory_space<vmem>>
        %dma_wait3A_102 = arith.constant 0 : i32
        %dma_wait3A_103 = arith.constant 0 : i32
        %dma_wait3A_104 = tpu.memref_slice %arg11[%dma_wait3A_102, %dma_wait3A_103] : memref<10240x128xf32, #tpu.memory_space<vmem_shared>> -> memref<10240x128xf32, #tpu.memory_space<vmem_shared>>
        tpu.wait_indirect_dma semaphore(%run_scoped3A_92 : memref<!tpu.dma_semaphore, #tpu.memory_space<semaphore_mem>>) src(%arg10 : memref<80x128xf32, #tpu.memory_space<vmem>>) dst(%dma_wait3A_104 : memref<10240x128xf32, #tpu.memory_space<vmem_shared>>)
        tpu.yield
      }) : () -> ()
    }
    %scan3A_49 = arith.constant 21 : i32
    %barrier3A_50 = arith.constant 0 : index
    tpu.barrier barrier_id(%barrier3A_50)
    "tpu.region"() ({
      %run_scoped3A_51 = tpu.sem_alloc : memref<!tpu.dma_semaphore, #tpu.memory_space<semaphore_mem>>
      %dma_start3A_52 = arith.constant 0 : i32
      %dma_start3A_53 = tpu.memref_slice %arg5[%arg0, %mul3A_2, %dma_start3A_52] : memref<2x10240x128xf32, #tpu.memory_space<hbm>> -> memref<1x640x128xf32, #tpu.memory_space<hbm>>
      %dma_start3A_54 = tpu.memref_squeeze %dma_start3A_53 : memref<1x640x128xf32, #tpu.memory_space<hbm>> -> memref<640x128xf32, #tpu.memory_space<hbm>>
      %dma_start3A_55 = arith.constant 0 : i32
      %dma_start3A_56 = tpu.memref_slice %arg11[%mul3A_2, %dma_start3A_55] : memref<10240x128xf32, #tpu.memory_space<vmem_shared>> -> memref<640x128xf32, #tpu.memory_space<vmem_shared>>
      tpu.enqueue_dma source(%dma_start3A_56 : memref<640x128xf32, #tpu.memory_space<vmem_shared>>) target(%dma_start3A_54 : memref<640x128xf32, #tpu.memory_space<hbm>>) target_semaphore(%run_scoped3A_51 : memref<!tpu.dma_semaphore, #tpu.memory_space<semaphore_mem>>)
      %dma_wait3A = arith.constant 0 : i32
      %dma_wait3A_57 = tpu.memref_slice %arg5[%arg0, %mul3A_2, %dma_wait3A] : memref<2x10240x128xf32, #tpu.memory_space<hbm>> -> memref<1x640x128xf32, #tpu.memory_space<hbm>>
      %dma_wait3A_58 = tpu.memref_squeeze %dma_wait3A_57 : memref<1x640x128xf32, #tpu.memory_space<hbm>> -> memref<640x128xf32, #tpu.memory_space<hbm>>
      %dma_wait3A_59 = arith.constant 0 : i32
      %dma_wait3A_60 = tpu.memref_slice %arg11[%mul3A_2, %dma_wait3A_59] : memref<10240x128xf32, #tpu.memory_space<vmem_shared>> -> memref<640x128xf32, #tpu.memory_space<vmem_shared>>
      tpu.wait_dma2 semaphore(%run_scoped3A_51 : memref<!tpu.dma_semaphore, #tpu.memory_space<semaphore_mem>>) src(%dma_wait3A_60 : memref<640x128xf32, #tpu.memory_space<vmem_shared>>) dst(%dma_wait3A_58 : memref<640x128xf32, #tpu.memory_space<hbm>>)
      tpu.yield
    }) : () -> ()
    return
  }
}

module attributes {stable_mosaic.version = 14 : i64} {
  func.func @_tc_pre_body(%arg0: i32, %arg1: memref<1024x32xf32, #tpu.memory_space<vmem>>, %arg2: memref<1024x128xf32, #tpu.memory_space<vmem>>, %arg3: memref<128x128xf32, #tpu.memory_space<vmem>>, %arg4: memref<1024x128xf32, #tpu.memory_space<vmem>>, %arg5: memref<1024x1xf32, #tpu.memory_space<vmem>>) attributes {dimension_semantics = [#tpu.dimension_semantics<arbitrary>], iteration_bounds = array<i64: 10>, scalar_prefetch = 0 : i64, scratch_operands = 0 : i64, tpu.core_type = #tpu.core_type<tc>, window_params = [{transform_indices = @transform_0, window_bounds = array<i64: 1024, 32>}, {transform_indices = @transform_1, window_bounds = array<i64: 1024, 128>}, {pipeline_mode = #tpu.pipeline_mode<synchronous>, transform_indices = @transform_2, window_bounds = array<i64: 128, 128>}, {transform_indices = @transform_3, window_bounds = array<i64: 1024, 128>}, {transform_indices = @transform_4, window_bounds = array<i64: 1024, 1>}]} {
    %get3A = arith.constant 0 : index
    %get3A_0 = arith.constant 0 : index
    %get3A_1 = vector.load %arg1[%get3A, %get3A_0] : memref<1024x32xf32, #tpu.memory_space<vmem>>, vector<1024x32xf32>
    %reduce_sum3A = arith.constant dense<0.000000e+00> : vector<1024xf32>
    %reduce_sum3A_2 = vector.multi_reduction <add>, %get3A_1, %reduce_sum3A [1] : vector<1024x32xf32> to vector<1024xf32>
    %broadcast_in_dim3A = vector.shape_cast %reduce_sum3A_2 : vector<1024xf32> to vector<1024x1xf32>
    %add3A = arith.constant 1.000000e+00 : f32
    %add3A_3 = vector.broadcast %add3A : f32 to vector<1024x1xf32>
    %add3A_4 = arith.addf %broadcast_in_dim3A, %add3A_3 : vector<1024x1xf32>
    %iota3A = tpu.iota {dimensions = array<i32: 0>} : vector<1024x1xi32>
    %mul3A = arith.constant 1024 : i32
    %mul3A_5 = arith.muli %arg0, %mul3A : i32
    %add3A_6 = vector.broadcast %mul3A_5 : i32 to vector<1024x1xi32>
    %add3A_7 = arith.addi %iota3A, %add3A_6 : vector<1024x1xi32>
    %lt3A = arith.constant 10000 : i32
    %lt3A_8 = vector.broadcast %lt3A : i32 to vector<1024x1xi32>
    %lt3A_9 = arith.cmpi slt, %add3A_7, %lt3A_8 : vector<1024x1xi32>
    %rsqrt3A = math.rsqrt %add3A_4 : vector<1024x1xf32>
    %jit3A = arith.constant 0.000000e+00 : f32
    %broadcast_in_dim3A_10 = vector.broadcast %jit3A : f32 to vector<1024x1xf32>
    %select_n3A = arith.select %lt3A_9, %rsqrt3A, %broadcast_in_dim3A_10 : vector<1024x1xi1>, vector<1024x1xf32>
    %get3A_11 = arith.constant 0 : index
    %get3A_12 = arith.constant 0 : index
    %get3A_13 = vector.load %arg2[%get3A_11, %get3A_12] : memref<1024x128xf32, #tpu.memory_space<vmem>>, vector<1024x128xf32>
    %get3A_14 = arith.constant 0 : index
    %get3A_15 = arith.constant 0 : index
    %get3A_16 = vector.load %arg3[%get3A_14, %get3A_15] : memref<128x128xf32, #tpu.memory_space<vmem>>, vector<128x128xf32>
    %dot_general3A = arith.constant dense<0.000000e+00> : vector<1024x128xf32>
    %dot_general3A_17 = tpu.matmul %get3A_13, %get3A_16, %dot_general3A {dimension_numbers = #tpu.dot_dimension_numbers<[1], [0], [0], [1], [0, 0, 1, 1], [], []>, transpose_lhs_hint = false} : vector<1024x128xf32>, vector<128x128xf32>, vector<1024x128xf32> -> vector<1024x128xf32>
    %mul3A_18 = vector.broadcast %select_n3A : vector<1024x1xf32> to vector<1024x128xf32>
    %mul3A_19 = arith.mulf %dot_general3A_17, %mul3A_18 : vector<1024x128xf32>
    %swap3A = arith.constant 0 : index
    %swap3A_20 = arith.constant 0 : index
    %swap3A_21 = vector.load %arg4[%swap3A, %swap3A_20] : memref<1024x128xf32, #tpu.memory_space<vmem>>, vector<1024x128xf32>
    tpu.vector_store %arg4[%swap3A, %swap3A_20], %mul3A_19 {strides = array<i32>} : memref<1024x128xf32, #tpu.memory_space<vmem>>, vector<1024x128xf32>,
    %swap3A_22 = arith.constant 0 : index
    %swap3A_23 = arith.constant 0 : index
    %swap3A_24 = vector.load %arg5[%swap3A_22, %swap3A_23] : memref<1024x1xf32, #tpu.memory_space<vmem>>, vector<1024x1xf32>
    tpu.vector_store %arg5[%swap3A_22, %swap3A_23], %select_n3A {strides = array<i32>} : memref<1024x1xf32, #tpu.memory_space<vmem>>, vector<1024x1xf32>,
    return
  }
  func.func @transform_0(%arg0: i32) -> (i32, i32) {
    %c0_i32 = arith.constant 0 : i32
    %c0_i32_0 = arith.constant 0 : i32
    return %arg0, %c0_i32 : i32, i32
  }
  func.func @transform_1(%arg0: i32) -> (i32, i32) {
    %c0_i32 = arith.constant 0 : i32
    %c0_i32_0 = arith.constant 0 : i32
    return %arg0, %c0_i32 : i32, i32
  }
  func.func @transform_2(%arg0: i32) -> (i32, i32) {
    %c0_i32 = arith.constant 0 : i32
    %c0_i32_0 = arith.constant 0 : i32
    %c0_i32_1 = arith.constant 0 : i32
    return %c0_i32, %c0_i32_0 : i32, i32
  }
  func.func @transform_3(%arg0: i32) -> (i32, i32) {
    %c0_i32 = arith.constant 0 : i32
    %c0_i32_0 = arith.constant 0 : i32
    return %arg0, %c0_i32 : i32, i32
  }
  func.func @transform_4(%arg0: i32) -> (i32, i32) {
    %c0_i32 = arith.constant 0 : i32
    %c0_i32_0 = arith.constant 0 : i32
    return %arg0, %c0_i32 : i32, i32
  }
}

module attributes {stable_mosaic.version = 14 : i64} {
  func.func @_tc_mid_body(%arg0: i32, %arg1: memref<1x1024x128xf32, #tpu.memory_space<vmem>>, %arg2: memref<1x1024x128xf32, #tpu.memory_space<vmem>>, %arg3: memref<1024x1xf32, #tpu.memory_space<vmem>>, %arg4: memref<1x128xf32, #tpu.memory_space<vmem>>, %arg5: memref<128x128xf32, #tpu.memory_space<vmem>>, %arg6: memref<1024x128xf32, #tpu.memory_space<vmem>>) attributes {dimension_semantics = [#tpu.dimension_semantics<arbitrary>], iteration_bounds = array<i64: 10>, scalar_prefetch = 0 : i64, scratch_operands = 0 : i64, tpu.core_type = #tpu.core_type<tc>, window_params = [{transform_indices = @transform_0, window_bounds = array<i64: 1, 1024, 128>}, {transform_indices = @transform_1, window_bounds = array<i64: 1, 1024, 128>}, {transform_indices = @transform_2, window_bounds = array<i64: 1024, 1>}, {pipeline_mode = #tpu.pipeline_mode<synchronous>, transform_indices = @transform_3, window_bounds = array<i64: 1, 128>}, {pipeline_mode = #tpu.pipeline_mode<synchronous>, transform_indices = @transform_4, window_bounds = array<i64: 128, 128>}, {transform_indices = @transform_5, window_bounds = array<i64: 1024, 128>}]} {
    %get3A = arith.constant 0 : index
    %get3A_0 = arith.constant 0 : index
    %get3A_1 = vector.load %arg3[%get3A, %get3A_0] : memref<1024x1xf32, #tpu.memory_space<vmem>>, vector<1024x1xf32>
    %get3A_2 = arith.constant 0 : index
    %get3A_3 = arith.constant 0 : index
    %get3A_4 = arith.constant 0 : index
    %get3A_5 = vector.load %arg1[%get3A_2, %get3A_3, %get3A_4] : memref<1x1024x128xf32, #tpu.memory_space<vmem>>, vector<1x1024x128xf32>
    %get3A_6 = vector.shape_cast %get3A_5 : vector<1x1024x128xf32> to vector<1024x128xf32>
    %get3A_7 = arith.constant 0 : index
    %get3A_8 = arith.constant 0 : index
    %get3A_9 = arith.constant 0 : index
    %get3A_10 = vector.load %arg2[%get3A_7, %get3A_8, %get3A_9] : memref<1x1024x128xf32, #tpu.memory_space<vmem>>, vector<1x1024x128xf32>
    %get3A_11 = vector.shape_cast %get3A_10 : vector<1x1024x128xf32> to vector<1024x128xf32>
    %add3A = arith.addf %get3A_6, %get3A_11 : vector<1024x128xf32>
    %mul3A = vector.broadcast %get3A_1 : vector<1024x1xf32> to vector<1024x128xf32>
    %mul3A_12 = arith.mulf %add3A, %mul3A : vector<1024x128xf32>
    %get3A_13 = arith.constant 0 : index
    %get3A_14 = arith.constant 0 : index
    %get3A_15 = vector.load %arg4[%get3A_13, %get3A_14] : memref<1x128xf32, #tpu.memory_space<vmem>>, vector<1x128xf32>
    %add3A_16 = vector.broadcast %get3A_15 : vector<1x128xf32> to vector<1024x128xf32>
    %add3A_17 = arith.addf %mul3A_12, %add3A_16 : vector<1024x128xf32>
    %max3A = arith.constant 0.000000e+00 : f32
    %max3A_18 = vector.broadcast %max3A : f32 to vector<1024x128xf32>
    %max3A_19 = arith.maximumf %add3A_17, %max3A_18 : vector<1024x128xf32>
    %get3A_20 = arith.constant 0 : index
    %get3A_21 = arith.constant 0 : index
    %get3A_22 = vector.load %arg5[%get3A_20, %get3A_21] : memref<128x128xf32, #tpu.memory_space<vmem>>, vector<128x128xf32>
    %dot_general3A = arith.constant dense<0.000000e+00> : vector<1024x128xf32>
    %dot_general3A_23 = tpu.matmul %max3A_19, %get3A_22, %dot_general3A {dimension_numbers = #tpu.dot_dimension_numbers<[1], [0], [0], [1], [0, 0, 1, 1], [], []>, transpose_lhs_hint = false} : vector<1024x128xf32>, vector<128x128xf32>, vector<1024x128xf32> -> vector<1024x128xf32>
    %mul3A_24 = vector.broadcast %get3A_1 : vector<1024x1xf32> to vector<1024x128xf32>
    %mul3A_25 = arith.mulf %dot_general3A_23, %mul3A_24 : vector<1024x128xf32>
    %swap3A = arith.constant 0 : index
    %swap3A_26 = arith.constant 0 : index
    %swap3A_27 = vector.load %arg6[%swap3A, %swap3A_26] : memref<1024x128xf32, #tpu.memory_space<vmem>>, vector<1024x128xf32>
    tpu.vector_store %arg6[%swap3A, %swap3A_26], %mul3A_25 {strides = array<i32>} : memref<1024x128xf32, #tpu.memory_space<vmem>>, vector<1024x128xf32>,
    return
  }
  func.func @transform_0(%arg0: i32) -> (i32, i32, i32) {
    %c0_i32 = arith.constant 0 : i32
    %c0_i32_0 = arith.constant 0 : i32
    %c0_i32_1 = arith.constant 0 : i32
    return %c0_i32, %arg0, %c0_i32_0 : i32, i32, i32
  }
  func.func @transform_1(%arg0: i32) -> (i32, i32, i32) {
    %c1_i32 = arith.constant 1 : i32
    %c0_i32 = arith.constant 0 : i32
    %c0_i32_0 = arith.constant 0 : i32
    return %c1_i32, %arg0, %c0_i32 : i32, i32, i32
  }
  func.func @transform_2(%arg0: i32) -> (i32, i32) {
    %c0_i32 = arith.constant 0 : i32
    %c0_i32_0 = arith.constant 0 : i32
    return %arg0, %c0_i32 : i32, i32
  }
  func.func @transform_3(%arg0: i32) -> (i32, i32) {
    %c0_i32 = arith.constant 0 : i32
    %c0_i32_0 = arith.constant 0 : i32
    %c0_i32_1 = arith.constant 0 : i32
    return %c0_i32, %c0_i32_0 : i32, i32
  }
  func.func @transform_4(%arg0: i32) -> (i32, i32) {
    %c0_i32 = arith.constant 0 : i32
    %c0_i32_0 = arith.constant 0 : i32
    %c0_i32_1 = arith.constant 0 : i32
    return %c0_i32, %c0_i32_0 : i32, i32
  }
  func.func @transform_5(%arg0: i32) -> (i32, i32) {
    %c0_i32 = arith.constant 0 : i32
    %c0_i32_0 = arith.constant 0 : i32
    return %arg0, %c0_i32 : i32, i32
  }
}

module attributes {stable_mosaic.version = 14 : i64} {
  func.func @_tc_post_body(%arg0: i32, %arg1: memref<1x1024x128xf32, #tpu.memory_space<vmem>>, %arg2: memref<1x1024x128xf32, #tpu.memory_space<vmem>>, %arg3: memref<1024x1xf32, #tpu.memory_space<vmem>>, %arg4: memref<1x128xf32, #tpu.memory_space<vmem>>, %arg5: memref<1024x128xf32, #tpu.memory_space<vmem>>) attributes {dimension_semantics = [#tpu.dimension_semantics<arbitrary>], iteration_bounds = array<i64: 10>, scalar_prefetch = 0 : i64, scratch_operands = 0 : i64, tpu.core_type = #tpu.core_type<tc>, window_params = [{transform_indices = @transform_0, window_bounds = array<i64: 1, 1024, 128>}, {transform_indices = @transform_1, window_bounds = array<i64: 1, 1024, 128>}, {transform_indices = @transform_2, window_bounds = array<i64: 1024, 1>}, {pipeline_mode = #tpu.pipeline_mode<synchronous>, transform_indices = @transform_3, window_bounds = array<i64: 1, 128>}, {transform_indices = @transform_4, window_bounds = array<i64: 1024, 128>}]} {
    %get3A = arith.constant 0 : index
    %get3A_0 = arith.constant 0 : index
    %get3A_1 = arith.constant 0 : index
    %get3A_2 = vector.load %arg1[%get3A, %get3A_0, %get3A_1] : memref<1x1024x128xf32, #tpu.memory_space<vmem>>, vector<1x1024x128xf32>
    %get3A_3 = vector.shape_cast %get3A_2 : vector<1x1024x128xf32> to vector<1024x128xf32>
    %get3A_4 = arith.constant 0 : index
    %get3A_5 = arith.constant 0 : index
    %get3A_6 = arith.constant 0 : index
    %get3A_7 = vector.load %arg2[%get3A_4, %get3A_5, %get3A_6] : memref<1x1024x128xf32, #tpu.memory_space<vmem>>, vector<1x1024x128xf32>
    %get3A_8 = vector.shape_cast %get3A_7 : vector<1x1024x128xf32> to vector<1024x128xf32>
    %add3A = arith.addf %get3A_3, %get3A_8 : vector<1024x128xf32>
    %get3A_9 = arith.constant 0 : index
    %get3A_10 = arith.constant 0 : index
    %get3A_11 = vector.load %arg3[%get3A_9, %get3A_10] : memref<1024x1xf32, #tpu.memory_space<vmem>>, vector<1024x1xf32>
    %mul3A = vector.broadcast %get3A_11 : vector<1024x1xf32> to vector<1024x128xf32>
    %mul3A_12 = arith.mulf %add3A, %mul3A : vector<1024x128xf32>
    %get3A_13 = arith.constant 0 : index
    %get3A_14 = arith.constant 0 : index
    %get3A_15 = vector.load %arg4[%get3A_13, %get3A_14] : memref<1x128xf32, #tpu.memory_space<vmem>>, vector<1x128xf32>
    %add3A_16 = vector.broadcast %get3A_15 : vector<1x128xf32> to vector<1024x128xf32>
    %add3A_17 = arith.addf %mul3A_12, %add3A_16 : vector<1024x128xf32>
    %swap3A = arith.constant 0 : index
    %swap3A_18 = arith.constant 0 : index
    %swap3A_19 = vector.load %arg5[%swap3A, %swap3A_18] : memref<1024x128xf32, #tpu.memory_space<vmem>>, vector<1024x128xf32>
    tpu.vector_store %arg5[%swap3A, %swap3A_18], %add3A_17 {strides = array<i32>} : memref<1024x128xf32, #tpu.memory_space<vmem>>, vector<1024x128xf32>,
    return
  }
  func.func @transform_0(%arg0: i32) -> (i32, i32, i32) {
    %c0_i32 = arith.constant 0 : i32
    %c0_i32_0 = arith.constant 0 : i32
    %c0_i32_1 = arith.constant 0 : i32
    return %c0_i32, %arg0, %c0_i32_0 : i32, i32, i32
  }
  func.func @transform_1(%arg0: i32) -> (i32, i32, i32) {
    %c1_i32 = arith.constant 1 : i32
    %c0_i32 = arith.constant 0 : i32
    %c0_i32_0 = arith.constant 0 : i32
    return %c1_i32, %arg0, %c0_i32 : i32, i32, i32
  }
  func.func @transform_2(%arg0: i32) -> (i32, i32) {
    %c0_i32 = arith.constant 0 : i32
    %c0_i32_0 = arith.constant 0 : i32
    return %arg0, %c0_i32 : i32, i32
  }
  func.func @transform_3(%arg0: i32) -> (i32, i32) {
    %c0_i32 = arith.constant 0 : i32
    %c0_i32_0 = arith.constant 0 : i32
    %c0_i32_1 = arith.constant 0 : i32
    return %c0_i32, %c0_i32_0 : i32, i32
  }
  func.func @transform_4(%arg0: i32) -> (i32, i32) {
    %c0_i32 = arith.constant 0 : i32
    %c0_i32_0 = arith.constant 0 : i32
    return %arg0, %c0_i32 : i32, i32
  }
}

</mosaic_0001>

<sc_bundles>
// kernel: kernel.11.cloned.1.call-start
scs
__scs_entry_jumppad:
0x0: {  	(pc) =	sbr.rel $0x88, $3  }
0x1: {  	(tag) =	ssettag $0x0;
	lr =	simm.s32 $0x1  }
0x2: {  	[smem:$0x3F9B] =	sst lr;
	_ =	strace $0xD0000000  }
0x3: {  	_ = 	snop  }
0x4: {  	_ = 	snop  }
0x5: {  	_ = 	snop  }
0x6: {  	_ = 	snop  }
0x7: {  	_ = 	snop  }
__scs_overlays_trampoline_lowered:
0x8: {  	[smem:$0x3FAA] =	sst s0  }
0x9: {  	[smem:$0x3FAB] =	sst s1  }
0xa: {  	[smem:$0x3FAC] =	sst s2  }
0xb: {  	[smem:$0x3FAD] =	sst s3  }
0xc: {  	[smem:$0x3FAE] =	sst s4  }
0xd: {  	[smem:$0x3FAF] =	sst s5  }
0xe: {  	[smem:$0x3FB0] =	sst s6  }
0xf: {  	[smem:$0x3FB1] =	sst s7  }
0x10: {  	[smem:$0x3FB2] =	sst s8  }
0x11: {  	[smem:$0x3FB3] =	sst s9;
	s0 =	simm.s32 @!p0 $0x0  }
0x12: {  	s1 =	sld [smem:$0x3F99];
	s0 =	simm.s32 @p0 $0x1  }
0x13: {  	[smem:$0x3FB4] =	sst s0;
	s0 =	simm.s32 @!p1 $0x0  }
0x14: {  	s2 =	sld [smem:$0x3F98];
	s0 =	simm.s32 @p1 $0x1  }
0x15: {  	[smem:$0x3FB5] =	sst s0;
	s0 =	simm.s32 @!p2 $0x0  }
0x16: {  	s3 =	sld [smem:$0x3FDB];
	s0 =	simm.s32 @p2 $0x1  }
0x17: {  	s4 =	simm.s32 $0x1BF5;
	[smem:$0x3FB7] =	sst s0  }
0x18: {  	s0 =	sld [smem:$0x3F9A];
	_ =	swait.ge [sflag:s4], $0x0  }
0x19: {  	s7 =	sld [smem:$0x3F9B]  }
0x1a: {  	s8 =	sadd.s32 $0xFFFFE003, lr  }
0x1b: {  	s9 =	sadd.s32 $0xFFFFFEF7, lr;
	s5 =	simm.s32 $0xFFFFFFFF;
	p2 =	slt.u32 s8, $0xFFFFF086  }
0x1c: {  	p1 =	slt.u32 s9, $0xF7A;
	s5 =	simm.s32 @!p2 $0x0  }
0x1d: {  	s5 =	simm.s32 @p1 $0x1;
	p0 =	seq.s32 s7, s2  }
0x1e: {  	s7 =	smul.u32 @!p0 $0xF7A, s2;
	p2 =	seq.s32 @!p0 s5, $0x0  }
0x1f: {  	s9 =	smul.u32 $0xF7A, s1;
	s8 =	simm.s32 @!p0 $0x1BF5;
	p2 =	por !p2, p0  }
0x20: {  	[sflag:s8] =	ssyncset.s32 @!p0 $0xFFFFF086;
	s6 =	sadd.s32 @!p0 s3, s7;
	s7 =	simm.s32 @!p0 $0x108  }
0x21: {  	s3 =	sadd.s32 s3, s9;
	s6 =	sadd.s32 @!p0 $0x88, s6;
	s7 =	simm.s32 @p2 $0x1082  }
0x22: {  	[simem:s7], [sflag:s8] =	dma.local @!p0 [hbm:s6], $0xF7A  }
0x23: {  	s9 =	sor.u32 $0xD0000000, s2;
	s6 =	simm.s32 $0x108;
	_ =	swait.ge @!p0 [sflag:s8], $0x0  }
0x24: {  	s3 =	sadd.s32 $0x88, s3;
	s6 =	simm.s32 @!p1 $0x1082;
	[sflag:s4] =	ssyncset.s32 $0xFFFFF086  }
0x25: {  	[simem:s6], [sflag:s4] =	dma.local [hbm:s3], $0xF7A  }
0x26: {  	[smem:$0x3F9B] =	sst s1;
	(tag) =	ssettag s2;
	_ =	strace s9  }
0x27: {  	s1 =	sld [smem:$0x3FAB]  }
0x28: {  	s2 =	sld [smem:$0x3FAC]  }
0x29: {  	s4 =	sld [smem:$0x3FAE]  }
0x2a: {  	p0 =	seq.s32 s5, $0x0;
	s5 =	sld [smem:$0x3FAF]  }
0x2b: {  	s6 =	sld [smem:$0x3FB0]  }
0x2c: {  	s7 =	sld [smem:$0x3FB1]  }
0x2d: {  	s3 =	simm.s32 $0x108;
	s8 =	sld [smem:$0x3FB2]  }
0x2e: {  	s3 =	simm.s32 @!p0 $0x1082;
	s9 =	sld [smem:$0x3FB3]  }
0x2f: {  	lr =	sadd.s32 s0, s3;
	s0 =	sld [smem:$0x3FAA]  }
0x30: {  	s3 =	sld [smem:$0x3FAD]  }
0x31: {  	[smem:$0x3FB6] =	sst s10  }
0x32: {  	s10 =	sld [smem:$0x3FB4];
	_ =	sdelay $0x3  }
0x33: {  	p0 =	seq.s32 s10, $0x1;
	s10 =	sld [smem:$0x3FB6];
	_ =	sdelay $0x3  }
0x34: {  	[smem:$0x3FB6] =	sst s10  }
0x35: {  	s10 =	sld [smem:$0x3FB5];
	_ =	sdelay $0x3  }
0x36: {  	p1 =	seq.s32 s10, $0x1;
	s10 =	sld [smem:$0x3FB6];
	_ =	sdelay $0x3  }
0x37: {  	[smem:$0x3FB6] =	sst s10  }
0x38: {  	s10 =	sld [smem:$0x3FB7]  }
0x39: {  	_ = 	snop;
	(pc) =	sbr.ind lr, $3  }
0x3a: {  	_ = 	snop  }
0x3b: {  	_ = 	snop  }
0x3c: {  	p2 =	seq.s32 s10, $0x1;
	s10 =	sld [smem:$0x3FB6]  }
0x3d: {  	_ =	shalt  }
0x3e: {  	_ =	shalt  }
0x3f: {  	_ =	shalt  }
0x40: {  	_ =	shalt  }
0x41: {  	_ =	shalt  }
0x42: {  	_ =	shalt  }
0x43: {  	_ =	shalt  }
0x44: {  	_ =	shalt  }
0x45: {  	_ =	shalt  }
0x46: {  	_ =	shalt  }
0x47: {  	_ =	shalt  }
0x48: {  	_ =	shalt  }
0x49: {  	_ =	shalt  }
0x4a: {  	_ =	shalt  }
0x4b: {  	_ =	shalt  }
0x4c: {  	_ =	shalt  }
0x4d: {  	_ =	shalt  }
0x4e: {  	_ =	shalt  }
0x4f: {  	_ =	shalt  }
0x50: {  	_ =	shalt  }
0x51: {  	_ =	shalt  }
0x52: {  	_ =	shalt  }
0x53: {  	_ =	shalt  }
0x54: {  	_ =	shalt  }
0x55: {  	_ =	shalt  }
0x56: {  	_ =	shalt  }
0x57: {  	_ =	shalt  }
0x58: {  	_ =	shalt  }
0x59: {  	_ =	shalt  }
0x5a: {  	_ =	shalt  }
0x5b: {  	_ =	shalt  }
0x5c: {  	_ =	shalt  }
0x5d: {  	_ =	shalt  }
0x5e: {  	_ =	shalt  }
0x5f: {  	_ =	shalt  }
0x60: {  	_ =	shalt  }
0x61: {  	_ =	shalt  }
0x62: {  	_ =	shalt  }
0x63: {  	_ =	shalt  }
0x64: {  	_ =	shalt  }
0x65: {  	_ =	shalt  }
0x66: {  	_ =	shalt  }
0x67: {  	_ =	shalt  }
0x68: {  	_ =	shalt  }
0x69: {  	_ =	shalt  }
0x6a: {  	_ =	shalt  }
0x6b: {  	_ =	shalt  }
0x6c: {  	_ =	shalt  }
0x6d: {  	_ =	shalt  }
0x6e: {  	_ =	shalt  }
0x6f: {  	_ =	shalt  }
0x70: {  	_ =	shalt  }
0x71: {  	_ =	shalt  }
0x72: {  	_ =	shalt  }
0x73: {  	_ =	shalt  }
0x74: {  	_ =	shalt  }
0x75: {  	_ =	shalt  }
0x76: {  	_ =	shalt  }
0x77: {  	_ =	shalt  }
0x78: {  	_ =	shalt  }
0x79: {  	_ =	shalt  }
0x7a: {  	_ =	shalt  }
0x7b: {  	_ =	shalt  }
0x7c: {  	_ =	shalt  }
0x7d: {  	_ =	shalt  }
0x7e: {  	_ =	shalt  }
0x7f: {  	_ =	shalt  }
0x80: {  	_ =	shalt  }
0x81: {  	_ =	shalt  }
0x82: {  	_ =	shalt  }
0x83: {  	_ =	shalt  }
0x84: {  	_ =	shalt  }
0x85: {  	_ =	shalt  }
0x86: {  	_ =	shalt  }
0x87: {  	_ =	shalt  }
.Lfunc_end0:
.L_simem_size_0:
called_computation.1_lowered:
.L_overlay_start_0:
0x88: {  	s2 =	sld [smem:$0x3FD9]  }
0x89: {  	s3 =	sld [smem:$0x3FFE];
	_ =	sdelay $0x1  }
0x8a: {  	s1 =	srdreg.scid  }
0x8b: {  	s0 =	sand.u32 $0x1, s1  }
0x8c: {  	s17 =	sshll.u32 s0, $0xA;
	s2 =	sadd.s32 s3, s2  }
0x8d: {  	s2 =	sadd.s32 s2, s17  }
0x8e: {  	[smem:$0x3FC2] =	sst s2  }
0x8f: {  	_ = 	snop  }
0x90: {  	s2 =	sld [smem:$0x3FD0];
	(tm) =	ssettm $0x1  }
0x91: {  	s18 =	sld [smem:$0x3FFB];
	_ =	sdelay $0x3  }
0x92: {  	_ =	strace s18  }
0x93: {  	s3 =	sld [smem:$0x3FFC];
	_ =	sdelay $0x3  }
0x94: {  	_ =	strace s3  }
0x95: {  	s3 =	sld [smem:$0x3FFD];
	_ =	sdelay $0x3  }
0x96: {  	_ =	strace s3  }
0x97: {  	_ =	strace $0x8FFFFFFF  }
0x98: {  	s19 =	sld [smem:$0x3FDB];
	_ =	sdelay $0x1  }
0x99: {  	s4 =	simm.s32 $_scs_section_size  }
0x9a: {  	s5 =	simm.s32 $_size__tile_overlayer_lowered;
	s6 =	simm.s32 $_tile_overlayer_lowered  }
0x9b: {  	s22 =	simm.s32 $0x1BFF;
	s21 =	sshll.u32 s6, $0x1;
	s3 =	sadd.s32 s4, s19  }
0x9c: {  	s7 =	simm.s32 $0x0;
	s20 =	sshll.u32 s5, $0x1;
	s5 =	sadd.s32 s21, s3  }
0x9d: {  	[timem:s7], [sflag:s22] =	dma.local [hbm:s5], s20  }
0x9e: {  	_ =	swait.ge [sflag:s22], s20  }
0x9f: {  	s4 =	ssub.s32 $0x0, s20;
	[sflag:s22] =	ssyncset.done $0x0  }
0xa0: {  	[sflag:s22] =	ssyncadd.s32 s4;
	_ =	sdelay $0x1  }
0xa1: {  	s23 =	simm.s32 $0x1B8B  }
0xa2: {  	_ =	swait.ge [sflag:s23], $0x1  }
0xa3: {  	[sflag:s23] =	ssyncset.done $0x0  }
0xa4: {  	s25 =	simm.s32 $0x1B8E;
	s24 =	sld [smem:$0x3FFE];
	[sflag:s23] =	ssyncadd.s32 $0xFFFFFFFF  }
0xa5: {  	s26 =	simm.s32 $execute0_lowered;
	[smem:$0x3FD2] =	sst s25  }
0xa6: {  	s5 =	sshll.u32 s26, $0x1;
	_ =	strace $0x80000049;
	[dreg:$0x1] =	wrdreg $0xFFFFFFFF  }
0xa7: {  	s28 =	simm.s32 $_size_execute0_lowered;
	s3 =	sadd.s32 s3, s5;
	[dreg:$0x0] =	wrdreg $0x0  }
0xa8: {  	s5 =	sshll.u32 s28, $0x1;
	[dreg:$0x2] =	wrdreg s3  }
0xa9: {  	[dreg:$0x3] =	wrdreg s5  }
0xaa: {  	[dreg:$0x4] =	wrdreg $0xC0  }
0xab: {  	_ =	task [dreg:s7], $0x5FFFF  }
0xac: {  	[dreg:$0x1] =	wrdreg $0xFFFFFFFF  }
0xad: {  	[dreg:$0x0] =	wrdreg $0x60  }
0xae: {  	[dreg:$0x2] =	wrdreg s2  }
0xaf: {  	[dreg:$0x3] =	wrdreg s24  }
0xb0: {  	[dreg:$0x4] =	wrdreg $0xB8000  }
0xb1: {  	[dreg:$0x5] =	wrdreg $0x9  }
0xb2: {  	_ =	task.clear_ibuf [dreg:s7], $0x6FFFF;
	_ =	strace $0x90000049  }
0xb3: {  	s29 =	simm.s32 $0x9;
	_ =	strace $0x8000004B  }
0xb4: {  	_ =	swait.ge [sflag:s29], $0x1  }
0xb5: {  	[sflag:s29] =	ssyncadd.s32 $0xFFFFFFFF  }
0xb6: {  	_ =	strace $0x9000004B  }
0xb7: {  	_ =	sfence  }
0xb8: {  	s30 =	sld [smem:$0x0];
	_ =	sdelay $0x2  }
0xb9: {  	s31 =	sshll.u32 s1, $0xD;
	s1 =	sshrl.u32 s1, $0x2  }
0xba: {  	s3 =	sand.u32 $0x4000, s31;
	s1 =	sadd.s32 s1, s30  }
0xbb: {  	s0 =	sor.u32 s3, s0;
	s1 =	sshll.u32 s1, $0x11  }
0xbc: {  	s0 =	sor.u32 s1, s0  }
0xbd: {  	s0 =	sadd.s32 $0x8F2B, s0  }
0xbe: {  	[sflag:s0] =	ssyncadd.remote.s32 $0x1  }
0xbf: {  	_ =	sfence.sel $0xFFFF  }
0xc0: {  	[dreg:$0x0] =	wrdreg $0xFFFFFFFF;
	(pc) =	sbr.abs _section_cstart, $3  }
0xc1: {  	[dreg:$0x1] =	wrdreg $0xFFFFFFFF  }
0xc2: {  	_ =	task.clear_ibuf [dreg:s7], $0x2FFFF;
	_ =	strace $0x9FFFFFFF  }
0xc3: {  	(tm) =	ssettm $0x7FFFFFFF  }
tec
execute0_lowered:
.L_overlay_start_1:
0x0: {  	(tag) =	ssettag $0x1  }
0x1: {  	s0 =	rddreg [dreg:$0x0]  }
0x2: {  	s2 =	rddreg [dreg:$0x1]  }
0x3: {  	s1 =	rddreg [dreg:$0x2]  }
0x4: {  	s3 =	srdreg.scid;
	s15 =	stileid.u32  }
0x5: {  	s28 =	simm.s32 $0x6800;
	s29 =	simm.s32 $0x9000;
	s5 =	smul.u32 $0x14000, s15  }
0x6: {  	s30 =	simm.s32 $0x1;
	s31 =	simm.s32 $0x2;
	s6 =	smul.u32 $0x50000, s15  }
0x7: {  	s7 =	sand.u32 $0x1, s3;
	s3 =	simm.s32 $0x0;
	s12 =	smul.u32 $0x2800, s15  }
0x8: {  	s8 =	sadd.s32 $0x15E00, s2;
	s14 =	sshll.u32 s15, $0xB;
	s4 =	smul.u32 $0x140000, s7  }
0x9: {  	[smem:$0x7FF] =	sst s3;
	s9 =	ssub.s32 $0x2, s7;
	s13 =	sshll.u32 s7, $0xF  }
0xa: {  	p0 =	sne.s32 s7, $0x0;
	s7 =	simm.s32 $0x3E00;
	_ =	strace $0x8000004A  }
0xb: {  	s21 =	sshrl.u32 s9, $0x1;
	s6 =	sshrl.u32 s6, $0x2;
	s22 =	sor.u32 s14, s13  }
0xc: {  	s5 =	sadd.s32 s5, s4;
	s4 =	sadd.s32 $0x25E00, s2;
	s13 =	sadd.s32 s0, s22  }
0xd: {  	s9 =	ssub.s32 s9, s21;
	s23 =	sadd.s32 s8, s22;
	[dreg:$0x5] =	wrdreg s13  }
0xe: {  	s5 =	sshrl.u32 s5, $0x3;
	s12 =	sadd.s32 s4, s12;
	[dreg:$0x6] =	wrdreg s23  }
0xf: {  	s26 =	smax.u32 s9, $0x1;
	s23 =	simm.s32 $0x2000;
	s9 =	simm.s32 $0x3F00  }
0x10: {  	s10 =	sadd.s32 s5, s2;
	s5 =	sadd.s32 s6, s1;
	[dreg:$0x4] =	wrdreg s12  }
0x11: {  	s6 =	sadd.s32 $0x4CF00, s2;
	s12 =	sor.u32 $0x400, s22;
	[dreg:$0xa] =	wrdreg s26  }
0x12: {  	s22 =	simm.s32 $0x4;
	s26 =	simm.s32 $0x80;
	s2 =	sadd.s32 $0x4000, s5  }
0x13: {  	s11 =	sadd.s32 $0x8000, s5;
	s18 =	sadd.s32 $0xC000, s5;
	s0 =	sadd.s32 s0, s12  }
0x14: {  	s19 =	sadd.s32 $0x10000, s5;
	s24 =	sadd.s32 s8, s12;
	[dreg:$0x7] =	wrdreg s0  }
0x15: {  	s25 =	sadd.s32 $0x4DE00, s10;
	s21 =	sshrl.u32 @!p0 s5, $0x3;
	[dreg:$0x8] =	wrdreg s24  }
0x16: {  	s8 =	simm.s32 $0x3E80;
	s10 =	simm.s32 $0x0;
	[dreg:$0x9] =	wrdreg s25  }
0x17: {  	s0 =	sshll.u32 @p0 s15, $0x6;
	s17 =	sshrl.u32 @p0 s11, $0x3;
	s18 =	sshrl.u32 @p0 s18, $0x3  }
0x18: {  	s19 =	sshrl.u32 @p0 s19, $0x3;
	s14 =	sor.u32 @p0 $0x1C04, s0;
	s0 =	sshrl.u32 @p0 s5, $0x3  }
0x19: {  	s24 =	simm.s32 $0x50;
	[dreg:$0xb] =	wrdreg s0;
	s0 =	sshrl.u32 @p0 s2, $0x3  }
0x1a: {  	s25 =	simm.s32 $0x4000;
	[dreg:$0xc] =	wrdreg s0;
	s0 =	sshll.u32 @!p0 s15, $0x6  }
0x1b: {  	s2 =	simm.s32 $0x1F00;
	s20 =	sor.u32 @!p0 $0x1C04, s0;
	s0 =	simm.s32 $0x3  }
.LBB2_1:
0x1c: {  	s11 =	rddreg [dreg:$0xb]  }
0x1d: {  	[spmem:s11], [sflag:s14] =	dma.local @p0 [hbm:s6], $0x800  }
0x1e: {  	s11 =	simm.s32 @p0 $0x4  }
0x1f: {  	_ =	swait.ge @p0 [sflag:s11], $0x800  }
0x20: {  	[sflag:s11] =	ssyncset.done @p0 $0x0  }
0x21: {  	s12 =	rddreg [dreg:$0xc];
	[sflag:s11] =	ssyncadd.s32 @p0 $0xFFFFF800  }
0x22: {  	[spmem:s12], [sflag:s14] =	dma.local @p0 [hbm:s6], $0x800  }
0x23: {  	_ =	swait.ge @p0 [sflag:s11], $0x800  }
0x24: {  	[sflag:s11] =	ssyncset.done @p0 $0x0  }
0x25: {  	[sflag:s11] =	ssyncadd.s32 @p0 $0xFFFFF800  }
0x26: {  	[spmem:s17], [sflag:s14] =	dma.local @p0 [hbm:s6], $0x800  }
0x27: {  	_ =	swait.ge @p0 [sflag:s11], $0x800  }
0x28: {  	[sflag:s11] =	ssyncset.done @p0 $0x0  }
0x29: {  	[sflag:s11] =	ssyncadd.s32 @p0 $0xFFFFF800  }
0x2a: {  	[spmem:s18], [sflag:s14] =	dma.local @p0 [hbm:s6], $0x800  }
0x2b: {  	_ =	swait.ge @p0 [sflag:s11], $0x800  }
0x2c: {  	[sflag:s11] =	ssyncset.done @p0 $0x0  }
0x2d: {  	[sflag:s11] =	ssyncadd.s32 @p0 $0xFFFFF800  }
0x2e: {  	[spmem:s19], [sflag:s14] =	dma.local @p0 [hbm:s6], $0x800  }
0x2f: {  	_ =	swait.ge @p0 [sflag:s11], $0x800  }
0x30: {  	[sflag:s11] =	ssyncset.done @p0 $0x0  }
0x31: {  	[sflag:s11] =	ssyncadd.s32 @p0 $0xFFFFF800;
	s11 =	rddreg [dreg:$0x4]  }
0x32: {  	[spmem:s21], [sflag:s20] =	dma.local @!p0 [hbm:s11], $0x2800  }
0x33: {  	s11 =	simm.s32 @!p0 $0x4  }
0x34: {  	_ =	swait.ge @!p0 [sflag:s11], $0x2800  }
0x35: {  	[sflag:s11] =	ssyncset.done @!p0 $0x0  }
0x36: {  	[sflag:s11] =	ssyncadd.s32 @!p0 $0xFFFFD800  }
0x37: {  	[bflag:$0x0] =	sbarrier.arrive $0xFFFF  }
0x38: {  	s12 =	rddreg [dreg:$0x5]  }
0x39: {  	[tilespmem:s3], [sflag:$0x4] =	stream.linear.gather [hbm4b:s12+s3], $0x1F80, $0x38;
	[tilespmem:$0x1F800] =	vst v63  }
0x3a: {  	_ =	swait.ge [sflag:s22], $0x1F80  }
0x3b: {  	[sflag:s22] =	ssyncset.done $0x0  }
0x3c: {  	s13 =	rddreg [dreg:$0x6];
	[sflag:s22] =	ssyncadd.s32 $0xFFFFE080  }
0x3d: {  	[tilespmem:s23], [sflag:$0x4] =	stream.linear.gather [hbm4b:s13+s3], $0x1F80, $0x38;
	[tilespmem:$0x1F800] =	vst v63  }
0x3e: {  	_ =	swait.ge [sflag:s22], $0x1F80  }
0x3f: {  	[sflag:s22] =	ssyncset.done $0x0  }
0x40: {  	[sflag:s22] =	ssyncadd.s32 $0xFFFFE080  }
0x41: {  	[tilespmem:s25], [sflag:$0x1] =	stream.indirect.gather [hbm4b:s4+s24], $0x80, s3, s24, $0xb8;
	[tilespmem:$0x1F800] =	vst v63  }
0x42: {  	_ = 	snop  }
0x43: {  	[tilespmem:s28], [sflag:$0x2] =	stream.indirect.gather [hbm4b:s4+s24], $0x80, s26, s24, $0xb8;
	[tilespmem:$0x1F800] =	vst v63  }
0x44: {  	s15 =	simm.s32 $0x100  }
0x45: {  	[tilespmem:s29], [sflag:$0x3] =	stream.indirect.gather [hbm4b:s4+s24], $0x80, s15, s24, $0xb8;
	[tilespmem:$0x1F800] =	vst v63  }
0x46: {  	_ =	swait.ge [sflag:s30], $0x2800  }
0x47: {  	[sflag:s30] =	ssyncset.done $0x0  }
0x48: {  	s16 =	simm.s32 $0x2000;
	[sflag:s30] =	ssyncadd.s32 $0xFFFFD800  }
0x49: {  	[spmem:s1] =	stream.indirect.scatter.add.f32 [tilespmem:s25], [sflag:$0x4], $0x80, s16, s24, $0xb8;
	[tilespmem:$0x1F800] =	vst v63  }
0x4a: {  	_ =	swait.ge [sflag:s22], $0x2800  }
0x4b: {  	[sflag:s22] =	ssyncset.done $0x0  }
0x4c: {  	s12 =	simm.s32 $0x180;
	[sflag:s22] =	ssyncadd.s32 $0xFFFFD800  }
0x4d: {  	[tilespmem:s25], [sflag:$0x1] =	stream.indirect.gather [hbm4b:s4+s24], $0x80, s12, s24, $0xb8;
	[tilespmem:$0x1F800] =	vst v63  }
0x4e: {  	_ =	swait.ge [sflag:s31], $0x2800  }
0x4f: {  	[sflag:s31] =	ssyncset.done $0x0  }
0x50: {  	s13 =	simm.s32 $0x2080;
	[sflag:s31] =	ssyncadd.s32 $0xFFFFD800  }
0x51: {  	[spmem:s1] =	stream.indirect.scatter.add.f32 [tilespmem:s28], [sflag:$0x4], $0x80, s13, s24, $0xb8;
	[tilespmem:$0x1F800] =	vst v63  }
0x52: {  	_ =	swait.ge [sflag:s22], $0x2800  }
0x53: {  	[sflag:s22] =	ssyncset.done $0x0  }
0x54: {  	s15 =	simm.s32 $0x200;
	[sflag:s22] =	ssyncadd.s32 $0xFFFFD800  }
0x55: {  	[tilespmem:s28], [sflag:$0x2] =	stream.indirect.gather [hbm4b:s4+s24], $0x80, s15, s24, $0xb8;
	[tilespmem:$0x1F800] =	vst v63  }
0x56: {  	_ =	swait.ge [sflag:s0], $0x2800  }
0x57: {  	[sflag:s0] =	ssyncset.done $0x0  }
0x58: {  	s16 =	simm.s32 $0x2100;
	[sflag:s0] =	ssyncadd.s32 $0xFFFFD800  }
0x59: {  	[spmem:s1] =	stream.indirect.scatter.add.f32 [tilespmem:s29], [sflag:$0x4], $0x80, s16, s24, $0xb8;
	[tilespmem:$0x1F800] =	vst v63  }
0x5a: {  	_ =	swait.ge [sflag:s22], $0x2800  }
0x5b: {  	s11 =	simm.s32 $0x180;
	s12 =	simm.s32 $0xC00;
	[sflag:s22] =	ssyncset.done $0x0  }
.LBB2_2:
0x5c: {  	s13 =	sadd.s32 $0x100, s11  }
0x5d: {  	[sflag:s22] =	ssyncadd.s32 $0xFFFFD800;
	s15 =	smov.u32 s12;
	s16 =	sadd.s32 $0x600, s12  }
0x5e: {  	[tilespmem:s29], [sflag:$0x3] =	stream.indirect.gather [hbm4b:s4+s24], $0x80, s13, s24, $0xb8;
	[tilespmem:$0x1F800] =	vst v63  }
0x5f: {  	p1 =	sne.s32 s12, $0x7200;
	_ =	swait.ge [sflag:s30], $0x2800  }
0x60: {  	[sflag:s30] =	ssyncset.done $0x0  }
0x61: {  	s12 =	sadd.s32 $0x2000, s11;
	[sflag:s30] =	ssyncadd.s32 $0xFFFFD800  }
0x62: {  	[spmem:s1] =	stream.indirect.scatter.add.f32 [tilespmem:s25], [sflag:$0x4], $0x80, s12, s24, $0xb8;
	[tilespmem:$0x1F800] =	vst v63  }
0x63: {  	_ =	swait.ge [sflag:s22], $0x2800  }
0x64: {  	[sflag:s22] =	ssyncset.done $0x0  }
0x65: {  	s12 =	sadd.s32 $0x180, s11;
	[sflag:s22] =	ssyncadd.s32 $0xFFFFD800  }
0x66: {  	[tilespmem:s25], [sflag:$0x1] =	stream.indirect.gather [hbm4b:s4+s24], $0x80, s12, s24, $0xb8;
	[tilespmem:$0x1F800] =	vst v63  }
0x67: {  	_ =	swait.ge [sflag:s31], $0x2800  }
0x68: {  	[sflag:s31] =	ssyncset.done $0x0  }
0x69: {  	s12 =	sadd.s32 $0x2080, s11;
	[sflag:s31] =	ssyncadd.s32 $0xFFFFD800  }
0x6a: {  	[spmem:s1] =	stream.indirect.scatter.add.f32 [tilespmem:s28], [sflag:$0x4], $0x80, s12, s24, $0xb8;
	[tilespmem:$0x1F800] =	vst v63  }
0x6b: {  	_ =	swait.ge [sflag:s22], $0x2800  }
0x6c: {  	[sflag:s22] =	ssyncset.done $0x0  }
0x6d: {  	s12 =	sadd.s32 $0x200, s11;
	[sflag:s22] =	ssyncadd.s32 $0xFFFFD800  }
0x6e: {  	[tilespmem:s28], [sflag:$0x2] =	stream.indirect.gather [hbm4b:s4+s24], $0x80, s12, s24, $0xb8;
	[tilespmem:$0x1F800] =	vst v63  }
0x6f: {  	_ =	swait.ge [sflag:s0], $0x2800  }
.Ltmp0:
0x70: {  	[sflag:s0] =	ssyncset.done $0x0;
	(pc) =	sbr.rel @p1 .LBB2_2-.Ltmp0, $4  }
0x71: {  	s11 =	sadd.s32 $0x2100, s11;
	[sflag:s0] =	ssyncadd.s32 $0xFFFFD800  }
0x72: {  	[spmem:s1] =	stream.indirect.scatter.add.f32 [tilespmem:s29], [sflag:$0x4], $0x80, s11, s24, $0xb8;
	[tilespmem:$0x1F800] =	vst v63  }
0x73: {  	_ =	swait.ge [sflag:s22], $0x2800  }
0x74: {  	s12 =	smov.u32 s16;
	s11 =	sshra.s32 s15, $0x2;
	[sflag:s22] =	ssyncset.done $0x0  }
0x75: {  	s12 =	sadd.s32 $0x100, s11;
	[sflag:s22] =	ssyncadd.s32 $0xFFFFD800  }
0x76: {  	[tilespmem:s29], [sflag:$0x3] =	stream.indirect.gather [hbm4b:s4+s24], $0x80, s12, s24, $0xb8;
	[tilespmem:$0x1F800] =	vst v63  }
0x77: {  	_ =	swait.ge [sflag:s30], $0x2800  }
0x78: {  	[sflag:s30] =	ssyncset.done $0x0  }
0x79: {  	s16 =	sadd.s32 $0x2000, s11;
	[sflag:s30] =	ssyncadd.s32 $0xFFFFD800  }
0x7a: {  	[spmem:s1] =	stream.indirect.scatter.add.f32 [tilespmem:s25], [sflag:$0x4], $0x80, s16, s24, $0xb8;
	[tilespmem:$0x1F800] =	vst v63  }
0x7b: {  	_ =	swait.ge [sflag:s22], $0x2800  }
0x7c: {  	[sflag:s22] =	ssyncset.done $0x0  }
0x7d: {  	s13 =	sadd.s32 $0x180, s11;
	[sflag:s22] =	ssyncadd.s32 $0xFFFFD800  }
0x7e: {  	[tilespmem:s25], [sflag:$0x1] =	stream.indirect.gather [hbm4b:s4+s24], $0x80, s13, s24, $0xb8;
	[tilespmem:$0x1F800] =	vst v63  }
0x7f: {  	_ =	swait.ge [sflag:s31], $0x2800  }
0x80: {  	[sflag:s31] =	ssyncset.done $0x0  }
0x81: {  	s15 =	sadd.s32 $0x2080, s11;
	[sflag:s31] =	ssyncadd.s32 $0xFFFFD800  }
0x82: {  	[spmem:s1] =	stream.indirect.scatter.add.f32 [tilespmem:s28], [sflag:$0x4], $0x80, s15, s24, $0xb8;
	[tilespmem:$0x1F800] =	vst v63  }
0x83: {  	_ =	swait.ge [sflag:s22], $0x2800  }
0x84: {  	[sflag:s22] =	ssyncset.done $0x0  }
0x85: {  	s16 =	sadd.s32 $0x200, s11;
	[sflag:s22] =	ssyncadd.s32 $0xFFFFD800  }
0x86: {  	[tilespmem:s28], [sflag:$0x2] =	stream.indirect.gather [hbm4b:s4+s24], $0x80, s16, s24, $0xb8;
	[tilespmem:$0x1F800] =	vst v63  }
0x87: {  	_ =	swait.ge [sflag:s0], $0x2800  }
0x88: {  	[sflag:s0] =	ssyncset.done $0x0  }
0x89: {  	s13 =	sadd.s32 $0x2100, s11;
	[sflag:s0] =	ssyncadd.s32 $0xFFFFD800  }
0x8a: {  	[spmem:s1] =	stream.indirect.scatter.add.f32 [tilespmem:s29], [sflag:$0x4], $0x80, s13, s24, $0xb8;
	[tilespmem:$0x1F800] =	vst v63  }
0x8b: {  	_ =	swait.ge [sflag:s22], $0x2800  }
0x8c: {  	[sflag:s22] =	ssyncset.done $0x0  }
0x8d: {  	[sflag:s22] =	ssyncadd.s32 $0xFFFFD800  }
0x8e: {  	[tilespmem:s29], [sflag:$0x3] =	stream.indirect.gather [hbm4b:s4+s24], $0x80, s2, s24, $0xb8;
	[tilespmem:$0x1F800] =	vst v63  }
0x8f: {  	_ =	swait.ge [sflag:s30], $0x2800  }
0x90: {  	[sflag:s30] =	ssyncset.done $0x0  }
0x91: {  	[sflag:s30] =	ssyncadd.s32 $0xFFFFD800  }
0x92: {  	[spmem:s1] =	stream.indirect.scatter.add.f32 [tilespmem:s25], [sflag:$0x4], $0x80, s7, s24, $0xb8;
	[tilespmem:$0x1F800] =	vst v63  }
0x93: {  	_ =	swait.ge [sflag:s22], $0x2800  }
0x94: {  	[sflag:s22] =	ssyncset.done $0x0  }
0x95: {  	[sflag:s22] =	ssyncadd.s32 $0xFFFFD800  }
0x96: {  	_ =	swait.ge [sflag:s31], $0x2800  }
0x97: {  	[sflag:s31] =	ssyncset.done $0x0  }
0x98: {  	[sflag:s31] =	ssyncadd.s32 $0xFFFFD800  }
0x99: {  	[spmem:s1] =	stream.indirect.scatter.add.f32 [tilespmem:s28], [sflag:$0x4], $0x80, s8, s24, $0xb8;
	[tilespmem:$0x1F800] =	vst v63  }
0x9a: {  	_ =	swait.ge [sflag:s22], $0x2800  }
0x9b: {  	[sflag:s22] =	ssyncset.done $0x0  }
0x9c: {  	[sflag:s22] =	ssyncadd.s32 $0xFFFFD800  }
0x9d: {  	_ =	swait.ge [sflag:s0], $0x2800  }
0x9e: {  	[sflag:s0] =	ssyncset.done $0x0  }
0x9f: {  	[sflag:s0] =	ssyncadd.s32 $0xFFFFD800  }
0xa0: {  	[spmem:s1] =	stream.indirect.scatter.add.f32 [tilespmem:s29], [sflag:$0x4], $0x80, s9, s24, $0xb8;
	[tilespmem:$0x1F800] =	vst v63  }
0xa1: {  	_ =	swait.ge [sflag:s22], $0x2800  }
0xa2: {  	[sflag:s22] =	ssyncset.done $0x0  }
0xa3: {  	s15 =	simm.s32 $0x0;
	s16 =	rddreg [dreg:$0x7];
	[sflag:s22] =	ssyncadd.s32 $0xFFFFD800  }
0xa4: {  	[tilespmem:s15], [sflag:$0x4] =	stream.linear.gather [hbm4b:s16+s15], $0x1F80, $0x38;
	[tilespmem:$0x1F800] =	vst v63  }
0xa5: {  	_ =	swait.ge [sflag:s22], $0x1F80  }
0xa6: {  	[sflag:s22] =	ssyncset.done $0x0  }
0xa7: {  	s13 =	rddreg [dreg:$0x8];
	[sflag:s22] =	ssyncadd.s32 $0xFFFFE080  }
0xa8: {  	[tilespmem:s23], [sflag:$0x4] =	stream.linear.gather [hbm4b:s13+s15], $0x1F80, $0x38;
	[tilespmem:$0x1F800] =	vst v63  }
0xa9: {  	_ =	swait.ge [sflag:s22], $0x1F80  }
0xaa: {  	[sflag:s22] =	ssyncset.done $0x0  }
0xab: {  	[sflag:s22] =	ssyncadd.s32 $0xFFFFE080  }
0xac: {  	[tilespmem:s25], [sflag:$0x1] =	stream.indirect.gather [hbm4b:s4+s24], $0x80, s15, s24, $0xb8;
	[tilespmem:$0x1F800] =	vst v63  }
0xad: {  	_ = 	snop  }
0xae: {  	[tilespmem:s28], [sflag:$0x2] =	stream.indirect.gather [hbm4b:s4+s24], $0x80, s26, s24, $0xb8;
	[tilespmem:$0x1F800] =	vst v63  }
0xaf: {  	s15 =	simm.s32 $0x100  }
0xb0: {  	[tilespmem:s29], [sflag:$0x3] =	stream.indirect.gather [hbm4b:s4+s24], $0x80, s15, s24, $0xb8;
	[tilespmem:$0x1F800] =	vst v63  }
0xb1: {  	_ =	swait.ge [sflag:s30], $0x2800  }
0xb2: {  	[sflag:s30] =	ssyncset.done $0x0  }
0xb3: {  	s16 =	simm.s32 $0x2000;
	[sflag:s30] =	ssyncadd.s32 $0xFFFFD800  }
0xb4: {  	[spmem:s1] =	stream.indirect.scatter.add.f32 [tilespmem:s25], [sflag:$0x4], $0x80, s16, s24, $0xb8;
	[tilespmem:$0x1F800] =	vst v63  }
0xb5: {  	_ =	swait.ge [sflag:s22], $0x2800  }
0xb6: {  	[sflag:s22] =	ssyncset.done $0x0  }
0xb7: {  	s12 =	simm.s32 $0x180;
	[sflag:s22] =	ssyncadd.s32 $0xFFFFD800  }
0xb8: {  	[tilespmem:s25], [sflag:$0x1] =	stream.indirect.gather [hbm4b:s4+s24], $0x80, s12, s24, $0xb8;
	[tilespmem:$0x1F800] =	vst v63  }
0xb9: {  	_ =	swait.ge [sflag:s31], $0x2800  }
0xba: {  	[sflag:s31] =	ssyncset.done $0x0  }
0xbb: {  	s13 =	simm.s32 $0x2080;
	[sflag:s31] =	ssyncadd.s32 $0xFFFFD800  }
0xbc: {  	[spmem:s1] =	stream.indirect.scatter.add.f32 [tilespmem:s28], [sflag:$0x4], $0x80, s13, s24, $0xb8;
	[tilespmem:$0x1F800] =	vst v63  }
0xbd: {  	_ =	swait.ge [sflag:s22], $0x2800  }
0xbe: {  	[sflag:s22] =	ssyncset.done $0x0  }
0xbf: {  	s15 =	simm.s32 $0x200;
	[sflag:s22] =	ssyncadd.s32 $0xFFFFD800  }
0xc0: {  	[tilespmem:s28], [sflag:$0x2] =	stream.indirect.gather [hbm4b:s4+s24], $0x80, s15, s24, $0xb8;
	[tilespmem:$0x1F800] =	vst v63  }
0xc1: {  	_ =	swait.ge [sflag:s0], $0x2800  }
0xc2: {  	[sflag:s0] =	ssyncset.done $0x0  }
0xc3: {  	s16 =	simm.s32 $0x2100;
	[sflag:s0] =	ssyncadd.s32 $0xFFFFD800  }
0xc4: {  	[spmem:s1] =	stream.indirect.scatter.add.f32 [tilespmem:s29], [sflag:$0x4], $0x80, s16, s24, $0xb8;
	[tilespmem:$0x1F800] =	vst v63  }
0xc5: {  	_ =	swait.ge [sflag:s22], $0x2800  }
0xc6: {  	s11 =	simm.s32 $0x180;
	s12 =	simm.s32 $0xC00;
	[sflag:s22] =	ssyncset.done $0x0  }
.LBB2_4:
0xc7: {  	s13 =	sadd.s32 $0x100, s11  }
0xc8: {  	[sflag:s22] =	ssyncadd.s32 $0xFFFFD800;
	s15 =	smov.u32 s12;
	s16 =	sadd.s32 $0x600, s12  }
0xc9: {  	[tilespmem:s29], [sflag:$0x3] =	stream.indirect.gather [hbm4b:s4+s24], $0x80, s13, s24, $0xb8;
	[tilespmem:$0x1F800] =	vst v63  }
0xca: {  	p1 =	sne.s32 s12, $0x7200;
	_ =	swait.ge [sflag:s30], $0x2800  }
0xcb: {  	[sflag:s30] =	ssyncset.done $0x0  }
0xcc: {  	s12 =	sadd.s32 $0x2000, s11;
	[sflag:s30] =	ssyncadd.s32 $0xFFFFD800  }
0xcd: {  	[spmem:s1] =	stream.indirect.scatter.add.f32 [tilespmem:s25], [sflag:$0x4], $0x80, s12, s24, $0xb8;
	[tilespmem:$0x1F800] =	vst v63  }
0xce: {  	_ =	swait.ge [sflag:s22], $0x2800  }
0xcf: {  	[sflag:s22] =	ssyncset.done $0x0  }
0xd0: {  	s12 =	sadd.s32 $0x180, s11;
	[sflag:s22] =	ssyncadd.s32 $0xFFFFD800  }
0xd1: {  	[tilespmem:s25], [sflag:$0x1] =	stream.indirect.gather [hbm4b:s4+s24], $0x80, s12, s24, $0xb8;
	[tilespmem:$0x1F800] =	vst v63  }
0xd2: {  	_ =	swait.ge [sflag:s31], $0x2800  }
0xd3: {  	[sflag:s31] =	ssyncset.done $0x0  }
0xd4: {  	s12 =	sadd.s32 $0x2080, s11;
	[sflag:s31] =	ssyncadd.s32 $0xFFFFD800  }
0xd5: {  	[spmem:s1] =	stream.indirect.scatter.add.f32 [tilespmem:s28], [sflag:$0x4], $0x80, s12, s24, $0xb8;
	[tilespmem:$0x1F800] =	vst v63  }
0xd6: {  	_ =	swait.ge [sflag:s22], $0x2800  }
0xd7: {  	[sflag:s22] =	ssyncset.done $0x0  }
0xd8: {  	s12 =	sadd.s32 $0x200, s11;
	[sflag:s22] =	ssyncadd.s32 $0xFFFFD800  }
0xd9: {  	[tilespmem:s28], [sflag:$0x2] =	stream.indirect.gather [hbm4b:s4+s24], $0x80, s12, s24, $0xb8;
	[tilespmem:$0x1F800] =	vst v63  }
0xda: {  	_ =	swait.ge [sflag:s0], $0x2800  }
.Ltmp1:
0xdb: {  	[sflag:s0] =	ssyncset.done $0x0;
	(pc) =	sbr.rel @p1 .LBB2_4-.Ltmp1, $4  }
0xdc: {  	s11 =	sadd.s32 $0x2100, s11;
	[sflag:s0] =	ssyncadd.s32 $0xFFFFD800  }
0xdd: {  	[spmem:s1] =	stream.indirect.scatter.add.f32 [tilespmem:s29], [sflag:$0x4], $0x80, s11, s24, $0xb8;
	[tilespmem:$0x1F800] =	vst v63  }
0xde: {  	_ =	swait.ge [sflag:s22], $0x2800  }
0xdf: {  	s12 =	smov.u32 s16;
	s11 =	sshra.s32 s15, $0x2;
	[sflag:s22] =	ssyncset.done $0x0  }
0xe0: {  	s12 =	sadd.s32 $0x100, s11;
	[sflag:s22] =	ssyncadd.s32 $0xFFFFD800  }
0xe1: {  	[tilespmem:s29], [sflag:$0x3] =	stream.indirect.gather [hbm4b:s4+s24], $0x80, s12, s24, $0xb8;
	[tilespmem:$0x1F800] =	vst v63  }
0xe2: {  	_ =	swait.ge [sflag:s30], $0x2800  }
0xe3: {  	[sflag:s30] =	ssyncset.done $0x0  }
0xe4: {  	s16 =	sadd.s32 $0x2000, s11;
	[sflag:s30] =	ssyncadd.s32 $0xFFFFD800  }
0xe5: {  	[spmem:s1] =	stream.indirect.scatter.add.f32 [tilespmem:s25], [sflag:$0x4], $0x80, s16, s24, $0xb8;
	[tilespmem:$0x1F800] =	vst v63  }
0xe6: {  	_ =	swait.ge [sflag:s22], $0x2800  }
0xe7: {  	[sflag:s22] =	ssyncset.done $0x0  }
0xe8: {  	s13 =	sadd.s32 $0x180, s11;
	[sflag:s22] =	ssyncadd.s32 $0xFFFFD800  }
0xe9: {  	[tilespmem:s25], [sflag:$0x1] =	stream.indirect.gather [hbm4b:s4+s24], $0x80, s13, s24, $0xb8;
	[tilespmem:$0x1F800] =	vst v63  }
0xea: {  	_ =	swait.ge [sflag:s31], $0x2800  }
0xeb: {  	[sflag:s31] =	ssyncset.done $0x0  }
0xec: {  	s15 =	sadd.s32 $0x2080, s11;
	[sflag:s31] =	ssyncadd.s32 $0xFFFFD800  }
0xed: {  	[spmem:s1] =	stream.indirect.scatter.add.f32 [tilespmem:s28], [sflag:$0x4], $0x80, s15, s24, $0xb8;
	[tilespmem:$0x1F800] =	vst v63  }
0xee: {  	_ =	swait.ge [sflag:s22], $0x2800  }
0xef: {  	[sflag:s22] =	ssyncset.done $0x0  }
0xf0: {  	s16 =	sadd.s32 $0x200, s11;
	[sflag:s22] =	ssyncadd.s32 $0xFFFFD800  }
0xf1: {  	[tilespmem:s28], [sflag:$0x2] =	stream.indirect.gather [hbm4b:s4+s24], $0x80, s16, s24, $0xb8;
	[tilespmem:$0x1F800] =	vst v63  }
0xf2: {  	_ =	swait.ge [sflag:s0], $0x2800  }
0xf3: {  	[sflag:s0] =	ssyncset.done $0x0  }
0xf4: {  	s12 =	sadd.s32 $0x2100, s11;
	[sflag:s0] =	ssyncadd.s32 $0xFFFFD800  }
0xf5: {  	[spmem:s1] =	stream.indirect.scatter.add.f32 [tilespmem:s29], [sflag:$0x4], $0x80, s12, s24, $0xb8;
	[tilespmem:$0x1F800] =	vst v63  }
0xf6: {  	_ =	swait.ge [sflag:s22], $0x2800  }
0xf7: {  	[sflag:s22] =	ssyncset.done $0x0  }
0xf8: {  	[sflag:s22] =	ssyncadd.s32 $0xFFFFD800  }
0xf9: {  	[tilespmem:s29], [sflag:$0x3] =	stream.indirect.gather [hbm4b:s4+s24], $0x80, s2, s24, $0xb8;
	[tilespmem:$0x1F800] =	vst v63  }
0xfa: {  	_ =	swait.ge [sflag:s30], $0x2800  }
0xfb: {  	[sflag:s30] =	ssyncset.done $0x0  }
0xfc: {  	[sflag:s30] =	ssyncadd.s32 $0xFFFFD800  }
0xfd: {  	[spmem:s1] =	stream.indirect.scatter.add.f32 [tilespmem:s25], [sflag:$0x4], $0x80, s7, s24, $0xb8;
	[tilespmem:$0x1F800] =	vst v63  }
0xfe: {  	_ =	swait.ge [sflag:s22], $0x2800  }
0xff: {  	[sflag:s22] =	ssyncset.done $0x0  }
0x100: {  	[sflag:s22] =	ssyncadd.s32 $0xFFFFD800  }
0x101: {  	_ =	swait.ge [sflag:s31], $0x2800  }
0x102: {  	[sflag:s31] =	ssyncset.done $0x0  }
0x103: {  	[sflag:s31] =	ssyncadd.s32 $0xFFFFD800  }
0x104: {  	[spmem:s1] =	stream.indirect.scatter.add.f32 [tilespmem:s28], [sflag:$0x4], $0x80, s8, s24, $0xb8;
	[tilespmem:$0x1F800] =	vst v63  }
0x105: {  	_ =	swait.ge [sflag:s22], $0x2800  }
0x106: {  	[sflag:s22] =	ssyncset.done $0x0  }
0x107: {  	[sflag:s22] =	ssyncadd.s32 $0xFFFFD800  }
0x108: {  	_ =	swait.ge [sflag:s0], $0x2800  }
0x109: {  	[sflag:s0] =	ssyncset.done $0x0  }
0x10a: {  	[sflag:s0] =	ssyncadd.s32 $0xFFFFD800  }
0x10b: {  	[spmem:s1] =	stream.indirect.scatter.add.f32 [tilespmem:s29], [sflag:$0x4], $0x80, s9, s24, $0xb8;
	[tilespmem:$0x1F800] =	vst v63  }
0x10c: {  	_ =	swait.ge [sflag:s22], $0x2800  }
0x10d: {  	[sflag:s22] =	ssyncset.done $0x0  }
0x10e: {  	s13 =	stileid.u32;
	[sflag:s22] =	ssyncadd.s32 $0xFFFFD800  }
0x10f: {  	s11 =	sshll.u32 s13, $0x6;
	[bflag:$0x0] =	sbarrier.arrive $0xFFFF  }
0x110: {  	s11 =	sor.u32 $0x1C04, s11;
	s15 =	sshrl.u32 s5, $0x3;
	s13 =	rddreg [dreg:$0x9]  }
0x111: {  	[hbm:s13], [sflag:s11] =	dma.local [spmem:s15], $0x2800  }
0x112: {  	_ =	swait.ge [sflag:s22], $0x2800  }
0x113: {  	s10 =	sadd.s32 $0x1, s10;
	s16 =	rddreg [dreg:$0xa]  }
0x114: {  	p1 =	sne.s32 s10, s16  }
.Ltmp2:
0x115: {  	_ = 	snop;
	(pc) =	sbr.rel @p1 .LBB2_1-.Ltmp2, $3  }
0x116: {  	_ =	sdelay $0x1  }
0x117: {  	[sflag:s22] =	ssyncset.done $0x0  }
0x118: {  	[sflag:s22] =	ssyncadd.s32 $0xFFFFD800  }
0x119: {  	_ =	sfence.sel $0x180000  }
0x11a: {  	[bflag:$0x0] =	sbarrier.arrive $0xFFFF  }
0x11b: {  	_ =	strace $0x9000004A  }
0x11c: {  	s0 =	stileid.u32;
	[bflag:$0x2] =	sbarrier.arrive $0xFFFF  }
0x11d: {  	p0 =	sne.s32 s0, $0x0;
	s0 =	rddreg [dreg:$0x3]  }
0x11e: {  	s0 =	sadd.s32 @!p0 $0x100000, s0  }
0x11f: {  	[sflag:s0] =	ssyncadd.tile.s32 @!p0 $0x1;
	_ =	shalt  }
.Lfunc_end2:
_tile_overlayer_lowered:
.L_overlay_start_2:
0x120: {  	(tag) =	ssettag $0x2  }
0x121: {  	s0 =	rddreg [dreg:$0x0];
	s2 =	stileid.u32  }
0x122: {  	s1 =	rddreg [dreg:$0x1];
	p0 =	sne.s32 s2, $0x0  }
0x123: {  	s3 =	rddreg [dreg:$0x2];
	[bflag:$0x3] =	sbarrier.arrive $0xFFFF;
	s2 =	simm.s32 @!p0 $0x1C04  }
0x124: {  	[timem:s3], [sflag:s2] =	dma.local @!p0 [hbm:s0], s1  }
0x125: {  	s0 =	simm.s32 @!p0 $0x4  }
0x126: {  	_ =	swait.ge @!p0 [sflag:s0], s1  }
0x127: {  	s1 =	ssub.s32 @!p0 $0x0, s1;
	[sflag:s0] =	ssyncset.done @!p0 $0x0  }
0x128: {  	[sflag:s0] =	ssyncadd.s32 @!p0 s1  }
0x129: {  	[bflag:$0x3] =	sbarrier.arrive $0xFFFF  }
0x12a: {  	_ =	shalt  }

// kernel: kernel.14.cloned.1.call-start
scs
__scs_entry_jumppad:
0x0: {  	(pc) =	sbr.rel $0x88, $3  }
0x1: {  	(tag) =	ssettag $0x0;
	lr =	simm.s32 $0x1  }
0x2: {  	[smem:$0x3F9B] =	sst lr;
	_ =	strace $0xD0000000  }
0x3: {  	_ = 	snop  }
0x4: {  	_ = 	snop  }
0x5: {  	_ = 	snop  }
0x6: {  	_ = 	snop  }
0x7: {  	_ = 	snop  }
__scs_overlays_trampoline_lowered:
0x8: {  	[smem:$0x3FAA] =	sst s0  }
0x9: {  	[smem:$0x3FAB] =	sst s1  }
0xa: {  	[smem:$0x3FAC] =	sst s2  }
0xb: {  	[smem:$0x3FAD] =	sst s3  }
0xc: {  	[smem:$0x3FAE] =	sst s4  }
0xd: {  	[smem:$0x3FAF] =	sst s5  }
0xe: {  	[smem:$0x3FB0] =	sst s6  }
0xf: {  	[smem:$0x3FB1] =	sst s7  }
0x10: {  	[smem:$0x3FB2] =	sst s8  }
0x11: {  	[smem:$0x3FB3] =	sst s9;
	s0 =	simm.s32 @!p0 $0x0  }
0x12: {  	s1 =	sld [smem:$0x3F99];
	s0 =	simm.s32 @p0 $0x1  }
0x13: {  	[smem:$0x3FB4] =	sst s0;
	s0 =	simm.s32 @!p1 $0x0  }
0x14: {  	s2 =	sld [smem:$0x3F98];
	s0 =	simm.s32 @p1 $0x1  }
0x15: {  	[smem:$0x3FB5] =	sst s0;
	s0 =	simm.s32 @!p2 $0x0  }
0x16: {  	s3 =	sld [smem:$0x3FDB];
	s0 =	simm.s32 @p2 $0x1  }
0x17: {  	s4 =	simm.s32 $0x1BF5;
	[smem:$0x3FB7] =	sst s0  }
0x18: {  	s0 =	sld [smem:$0x3F9A];
	_ =	swait.ge [sflag:s4], $0x0  }
0x19: {  	s7 =	sld [smem:$0x3F9B]  }
0x1a: {  	s8 =	sadd.s32 $0xFFFFE003, lr  }
0x1b: {  	s9 =	sadd.s32 $0xFFFFFEF7, lr;
	s5 =	simm.s32 $0xFFFFFFFF;
	p2 =	slt.u32 s8, $0xFFFFF086  }
0x1c: {  	p1 =	slt.u32 s9, $0xF7A;
	s5 =	simm.s32 @!p2 $0x0  }
0x1d: {  	s5 =	simm.s32 @p1 $0x1;
	p0 =	seq.s32 s7, s2  }
0x1e: {  	s7 =	smul.u32 @!p0 $0xF7A, s2;
	p2 =	seq.s32 @!p0 s5, $0x0  }
0x1f: {  	s9 =	smul.u32 $0xF7A, s1;
	s8 =	simm.s32 @!p0 $0x1BF5;
	p2 =	por !p2, p0  }
0x20: {  	[sflag:s8] =	ssyncset.s32 @!p0 $0xFFFFF086;
	s6 =	sadd.s32 @!p0 s3, s7;
	s7 =	simm.s32 @!p0 $0x108  }
0x21: {  	s3 =	sadd.s32 s3, s9;
	s6 =	sadd.s32 @!p0 $0x88, s6;
	s7 =	simm.s32 @p2 $0x1082  }
0x22: {  	[simem:s7], [sflag:s8] =	dma.local @!p0 [hbm:s6], $0xF7A  }
0x23: {  	s9 =	sor.u32 $0xD0000000, s2;
	s6 =	simm.s32 $0x108;
	_ =	swait.ge @!p0 [sflag:s8], $0x0  }
0x24: {  	s3 =	sadd.s32 $0x88, s3;
	s6 =	simm.s32 @!p1 $0x1082;
	[sflag:s4] =	ssyncset.s32 $0xFFFFF086  }
0x25: {  	[simem:s6], [sflag:s4] =	dma.local [hbm:s3], $0xF7A  }
0x26: {  	[smem:$0x3F9B] =	sst s1;
	(tag) =	ssettag s2;
	_ =	strace s9  }
0x27: {  	s1 =	sld [smem:$0x3FAB]  }
0x28: {  	s2 =	sld [smem:$0x3FAC]  }
0x29: {  	s4 =	sld [smem:$0x3FAE]  }
0x2a: {  	p0 =	seq.s32 s5, $0x0;
	s5 =	sld [smem:$0x3FAF]  }
0x2b: {  	s6 =	sld [smem:$0x3FB0]  }
0x2c: {  	s7 =	sld [smem:$0x3FB1]  }
0x2d: {  	s3 =	simm.s32 $0x108;
	s8 =	sld [smem:$0x3FB2]  }
0x2e: {  	s3 =	simm.s32 @!p0 $0x1082;
	s9 =	sld [smem:$0x3FB3]  }
0x2f: {  	lr =	sadd.s32 s0, s3;
	s0 =	sld [smem:$0x3FAA]  }
0x30: {  	s3 =	sld [smem:$0x3FAD]  }
0x31: {  	[smem:$0x3FB6] =	sst s10  }
0x32: {  	s10 =	sld [smem:$0x3FB4];
	_ =	sdelay $0x3  }
0x33: {  	p0 =	seq.s32 s10, $0x1;
	s10 =	sld [smem:$0x3FB6];
	_ =	sdelay $0x3  }
0x34: {  	[smem:$0x3FB6] =	sst s10  }
0x35: {  	s10 =	sld [smem:$0x3FB5];
	_ =	sdelay $0x3  }
0x36: {  	p1 =	seq.s32 s10, $0x1;
	s10 =	sld [smem:$0x3FB6];
	_ =	sdelay $0x3  }
0x37: {  	[smem:$0x3FB6] =	sst s10  }
0x38: {  	s10 =	sld [smem:$0x3FB7]  }
0x39: {  	_ = 	snop;
	(pc) =	sbr.ind lr, $3  }
0x3a: {  	_ = 	snop  }
0x3b: {  	_ = 	snop  }
0x3c: {  	p2 =	seq.s32 s10, $0x1;
	s10 =	sld [smem:$0x3FB6]  }
0x3d: {  	_ =	shalt  }
0x3e: {  	_ =	shalt  }
0x3f: {  	_ =	shalt  }
0x40: {  	_ =	shalt  }
0x41: {  	_ =	shalt  }
0x42: {  	_ =	shalt  }
0x43: {  	_ =	shalt  }
0x44: {  	_ =	shalt  }
0x45: {  	_ =	shalt  }
0x46: {  	_ =	shalt  }
0x47: {  	_ =	shalt  }
0x48: {  	_ =	shalt  }
0x49: {  	_ =	shalt  }
0x4a: {  	_ =	shalt  }
0x4b: {  	_ =	shalt  }
0x4c: {  	_ =	shalt  }
0x4d: {  	_ =	shalt  }
0x4e: {  	_ =	shalt  }
0x4f: {  	_ =	shalt  }
0x50: {  	_ =	shalt  }
0x51: {  	_ =	shalt  }
0x52: {  	_ =	shalt  }
0x53: {  	_ =	shalt  }
0x54: {  	_ =	shalt  }
0x55: {  	_ =	shalt  }
0x56: {  	_ =	shalt  }
0x57: {  	_ =	shalt  }
0x58: {  	_ =	shalt  }
0x59: {  	_ =	shalt  }
0x5a: {  	_ =	shalt  }
0x5b: {  	_ =	shalt  }
0x5c: {  	_ =	shalt  }
0x5d: {  	_ =	shalt  }
0x5e: {  	_ =	shalt  }
0x5f: {  	_ =	shalt  }
0x60: {  	_ =	shalt  }
0x61: {  	_ =	shalt  }
0x62: {  	_ =	shalt  }
0x63: {  	_ =	shalt  }
0x64: {  	_ =	shalt  }
0x65: {  	_ =	shalt  }
0x66: {  	_ =	shalt  }
0x67: {  	_ =	shalt  }
0x68: {  	_ =	shalt  }
0x69: {  	_ =	shalt  }
0x6a: {  	_ =	shalt  }
0x6b: {  	_ =	shalt  }
0x6c: {  	_ =	shalt  }
0x6d: {  	_ =	shalt  }
0x6e: {  	_ =	shalt  }
0x6f: {  	_ =	shalt  }
0x70: {  	_ =	shalt  }
0x71: {  	_ =	shalt  }
0x72: {  	_ =	shalt  }
0x73: {  	_ =	shalt  }
0x74: {  	_ =	shalt  }
0x75: {  	_ =	shalt  }
0x76: {  	_ =	shalt  }
0x77: {  	_ =	shalt  }
0x78: {  	_ =	shalt  }
0x79: {  	_ =	shalt  }
0x7a: {  	_ =	shalt  }
0x7b: {  	_ =	shalt  }
0x7c: {  	_ =	shalt  }
0x7d: {  	_ =	shalt  }
0x7e: {  	_ =	shalt  }
0x7f: {  	_ =	shalt  }
0x80: {  	_ =	shalt  }
0x81: {  	_ =	shalt  }
0x82: {  	_ =	shalt  }
0x83: {  	_ =	shalt  }
0x84: {  	_ =	shalt  }
0x85: {  	_ =	shalt  }
0x86: {  	_ =	shalt  }
0x87: {  	_ =	shalt  }
.Lfunc_end0:
.L_simem_size_0:
called_computation.2_lowered:
.L_overlay_start_0:
0x88: {  	s2 =	sld [smem:$0x3FD9]  }
0x89: {  	s3 =	sld [smem:$0x3FFE];
	_ =	sdelay $0x1  }
0x8a: {  	s1 =	srdreg.scid  }
0x8b: {  	s0 =	sand.u32 $0x1, s1  }
0x8c: {  	s17 =	sshll.u32 s0, $0xA;
	s2 =	sadd.s32 s3, s2  }
0x8d: {  	s2 =	sadd.s32 s2, s17  }
0x8e: {  	[smem:$0x3FC2] =	sst s2  }
0x8f: {  	_ = 	snop  }
0x90: {  	s2 =	sld [smem:$0x3FD0];
	(tm) =	ssettm $0x1  }
0x91: {  	s18 =	sld [smem:$0x3FFB];
	_ =	sdelay $0x3  }
0x92: {  	_ =	strace s18  }
0x93: {  	s3 =	sld [smem:$0x3FFC];
	_ =	sdelay $0x3  }
0x94: {  	_ =	strace s3  }
0x95: {  	s3 =	sld [smem:$0x3FFD];
	_ =	sdelay $0x3  }
0x96: {  	_ =	strace s3  }
0x97: {  	_ =	strace $0x8FFFFFFF  }
0x98: {  	s19 =	sld [smem:$0x3FDB];
	_ =	sdelay $0x1  }
0x99: {  	s4 =	simm.s32 $_scs_section_size  }
0x9a: {  	s5 =	simm.s32 $_size__tile_overlayer_lowered;
	s6 =	simm.s32 $_tile_overlayer_lowered  }
0x9b: {  	s22 =	simm.s32 $0x1BFF;
	s21 =	sshll.u32 s6, $0x1;
	s3 =	sadd.s32 s4, s19  }
0x9c: {  	s7 =	simm.s32 $0x0;
	s20 =	sshll.u32 s5, $0x1;
	s5 =	sadd.s32 s21, s3  }
0x9d: {  	[timem:s7], [sflag:s22] =	dma.local [hbm:s5], s20  }
0x9e: {  	_ =	swait.ge [sflag:s22], s20  }
0x9f: {  	s4 =	ssub.s32 $0x0, s20;
	[sflag:s22] =	ssyncset.done $0x0  }
0xa0: {  	[sflag:s22] =	ssyncadd.s32 s4;
	_ =	sdelay $0x1  }
0xa1: {  	s23 =	simm.s32 $0x1B8B  }
0xa2: {  	_ =	swait.ge [sflag:s23], $0x1  }
0xa3: {  	[sflag:s23] =	ssyncset.done $0x0  }
0xa4: {  	s25 =	simm.s32 $0x1B8E;
	s24 =	sld [smem:$0x3FFE];
	[sflag:s23] =	ssyncadd.s32 $0xFFFFFFFF  }
0xa5: {  	s26 =	simm.s32 $execute0_lowered;
	[smem:$0x3FD2] =	sst s25  }
0xa6: {  	s5 =	sshll.u32 s26, $0x1;
	_ =	strace $0x8000004C;
	[dreg:$0x1] =	wrdreg $0xFFFFFFFF  }
0xa7: {  	s28 =	simm.s32 $_size_execute0_lowered;
	s3 =	sadd.s32 s3, s5;
	[dreg:$0x0] =	wrdreg $0x0  }
0xa8: {  	s5 =	sshll.u32 s28, $0x1;
	[dreg:$0x2] =	wrdreg s3  }
0xa9: {  	[dreg:$0x3] =	wrdreg s5  }
0xaa: {  	[dreg:$0x4] =	wrdreg $0xC0  }
0xab: {  	_ =	task [dreg:s7], $0x5FFFF  }
0xac: {  	[dreg:$0x1] =	wrdreg $0xFFFFFFFF  }
0xad: {  	[dreg:$0x0] =	wrdreg $0x60  }
0xae: {  	[dreg:$0x2] =	wrdreg s2  }
0xaf: {  	[dreg:$0x3] =	wrdreg s24  }
0xb0: {  	[dreg:$0x4] =	wrdreg $0xB8000  }
0xb1: {  	[dreg:$0x5] =	wrdreg $0x9  }
0xb2: {  	_ =	task.clear_ibuf [dreg:s7], $0x6FFFF;
	_ =	strace $0x9000004C  }
0xb3: {  	s29 =	simm.s32 $0x9;
	_ =	strace $0x8000004E  }
0xb4: {  	_ =	swait.ge [sflag:s29], $0x1  }
0xb5: {  	[sflag:s29] =	ssyncadd.s32 $0xFFFFFFFF  }
0xb6: {  	_ =	strace $0x9000004E  }
0xb7: {  	_ =	sfence  }
0xb8: {  	s30 =	sld [smem:$0x0];
	_ =	sdelay $0x2  }
0xb9: {  	s31 =	sshll.u32 s1, $0xD;
	s1 =	sshrl.u32 s1, $0x2  }
0xba: {  	s3 =	sand.u32 $0x4000, s31;
	s1 =	sadd.s32 s1, s30  }
0xbb: {  	s0 =	sor.u32 s3, s0;
	s1 =	sshll.u32 s1, $0x11  }
0xbc: {  	s0 =	sor.u32 s1, s0  }
0xbd: {  	s0 =	sadd.s32 $0x8F2B, s0  }
0xbe: {  	[sflag:s0] =	ssyncadd.remote.s32 $0x1  }
0xbf: {  	_ =	sfence.sel $0xFFFF  }
0xc0: {  	[dreg:$0x0] =	wrdreg $0xFFFFFFFF;
	(pc) =	sbr.abs _section_cstart, $3  }
0xc1: {  	[dreg:$0x1] =	wrdreg $0xFFFFFFFF  }
0xc2: {  	_ =	task.clear_ibuf [dreg:s7], $0x2FFFF;
	_ =	strace $0x9FFFFFFF  }
0xc3: {  	(tm) =	ssettm $0x7FFFFFFF  }
tec
execute0_lowered:
.L_overlay_start_1:
0x0: {  	(tag) =	ssettag $0x1  }
0x1: {  	s0 =	rddreg [dreg:$0x0]  }
0x2: {  	s2 =	rddreg [dreg:$0x1]  }
0x3: {  	s1 =	rddreg [dreg:$0x2]  }
0x4: {  	s3 =	srdreg.scid;
	s15 =	stileid.u32  }
0x5: {  	s28 =	simm.s32 $0x6800;
	s29 =	simm.s32 $0x9000;
	s5 =	smul.u32 $0x14000, s15  }
0x6: {  	s30 =	simm.s32 $0x1;
	s31 =	simm.s32 $0x2;
	s6 =	smul.u32 $0x50000, s15  }
0x7: {  	s7 =	sand.u32 $0x1, s3;
	s3 =	simm.s32 $0x0;
	s12 =	smul.u32 $0x2800, s15  }
0x8: {  	s8 =	sadd.s32 $0x15E00, s2;
	s14 =	sshll.u32 s15, $0xB;
	s4 =	smul.u32 $0x140000, s7  }
0x9: {  	[smem:$0x7FF] =	sst s3;
	s9 =	ssub.s32 $0x2, s7;
	s13 =	sshll.u32 s7, $0xF  }
0xa: {  	p0 =	sne.s32 s7, $0x0;
	s7 =	simm.s32 $0x3E00;
	_ =	strace $0x8000004D  }
0xb: {  	s21 =	sshrl.u32 s9, $0x1;
	s6 =	sshrl.u32 s6, $0x2;
	s22 =	sor.u32 s14, s13  }
0xc: {  	s5 =	sadd.s32 s5, s4;
	s4 =	sadd.s32 $0x25E00, s2;
	s13 =	sadd.s32 s0, s22  }
0xd: {  	s9 =	ssub.s32 s9, s21;
	s23 =	sadd.s32 s8, s22;
	[dreg:$0x5] =	wrdreg s13  }
0xe: {  	s5 =	sshrl.u32 s5, $0x3;
	s12 =	sadd.s32 s4, s12;
	[dreg:$0x6] =	wrdreg s23  }
0xf: {  	s26 =	smax.u32 s9, $0x1;
	s23 =	simm.s32 $0x2000;
	s9 =	simm.s32 $0x3F00  }
0x10: {  	s10 =	sadd.s32 s5, s2;
	s5 =	sadd.s32 s6, s1;
	[dreg:$0x4] =	wrdreg s12  }
0x11: {  	s6 =	sadd.s32 $0x4CF00, s2;
	s12 =	sor.u32 $0x400, s22;
	[dreg:$0xa] =	wrdreg s26  }
0x12: {  	s22 =	simm.s32 $0x4;
	s26 =	simm.s32 $0x80;
	s2 =	sadd.s32 $0x4000, s5  }
0x13: {  	s11 =	sadd.s32 $0x8000, s5;
	s18 =	sadd.s32 $0xC000, s5;
	s0 =	sadd.s32 s0, s12  }
0x14: {  	s19 =	sadd.s32 $0x10000, s5;
	s24 =	sadd.s32 s8, s12;
	[dreg:$0x7] =	wrdreg s0  }
0x15: {  	s25 =	sadd.s32 $0x4DE00, s10;
	s21 =	sshrl.u32 @!p0 s5, $0x3;
	[dreg:$0x8] =	wrdreg s24  }
0x16: {  	s8 =	simm.s32 $0x3E80;
	s10 =	simm.s32 $0x0;
	[dreg:$0x9] =	wrdreg s25  }
0x17: {  	s0 =	sshll.u32 @p0 s15, $0x6;
	s17 =	sshrl.u32 @p0 s11, $0x3;
	s18 =	sshrl.u32 @p0 s18, $0x3  }
0x18: {  	s19 =	sshrl.u32 @p0 s19, $0x3;
	s14 =	sor.u32 @p0 $0x1C04, s0;
	s0 =	sshrl.u32 @p0 s5, $0x3  }
0x19: {  	s24 =	simm.s32 $0x50;
	[dreg:$0xb] =	wrdreg s0;
	s0 =	sshrl.u32 @p0 s2, $0x3  }
0x1a: {  	s25 =	simm.s32 $0x4000;
	[dreg:$0xc] =	wrdreg s0;
	s0 =	sshll.u32 @!p0 s15, $0x6  }
0x1b: {  	s2 =	simm.s32 $0x1F00;
	s20 =	sor.u32 @!p0 $0x1C04, s0;
	s0 =	simm.s32 $0x3  }
.LBB2_1:
0x1c: {  	s11 =	rddreg [dreg:$0xb]  }
0x1d: {  	[spmem:s11], [sflag:s14] =	dma.local @p0 [hbm:s6], $0x800  }
0x1e: {  	s11 =	simm.s32 @p0 $0x4  }
0x1f: {  	_ =	swait.ge @p0 [sflag:s11], $0x800  }
0x20: {  	[sflag:s11] =	ssyncset.done @p0 $0x0  }
0x21: {  	s12 =	rddreg [dreg:$0xc];
	[sflag:s11] =	ssyncadd.s32 @p0 $0xFFFFF800  }
0x22: {  	[spmem:s12], [sflag:s14] =	dma.local @p0 [hbm:s6], $0x800  }
0x23: {  	_ =	swait.ge @p0 [sflag:s11], $0x800  }
0x24: {  	[sflag:s11] =	ssyncset.done @p0 $0x0  }
0x25: {  	[sflag:s11] =	ssyncadd.s32 @p0 $0xFFFFF800  }
0x26: {  	[spmem:s17], [sflag:s14] =	dma.local @p0 [hbm:s6], $0x800  }
0x27: {  	_ =	swait.ge @p0 [sflag:s11], $0x800  }
0x28: {  	[sflag:s11] =	ssyncset.done @p0 $0x0  }
0x29: {  	[sflag:s11] =	ssyncadd.s32 @p0 $0xFFFFF800  }
0x2a: {  	[spmem:s18], [sflag:s14] =	dma.local @p0 [hbm:s6], $0x800  }
0x2b: {  	_ =	swait.ge @p0 [sflag:s11], $0x800  }
0x2c: {  	[sflag:s11] =	ssyncset.done @p0 $0x0  }
0x2d: {  	[sflag:s11] =	ssyncadd.s32 @p0 $0xFFFFF800  }
0x2e: {  	[spmem:s19], [sflag:s14] =	dma.local @p0 [hbm:s6], $0x800  }
0x2f: {  	_ =	swait.ge @p0 [sflag:s11], $0x800  }
0x30: {  	[sflag:s11] =	ssyncset.done @p0 $0x0  }
0x31: {  	[sflag:s11] =	ssyncadd.s32 @p0 $0xFFFFF800;
	s11 =	rddreg [dreg:$0x4]  }
0x32: {  	[spmem:s21], [sflag:s20] =	dma.local @!p0 [hbm:s11], $0x2800  }
0x33: {  	s11 =	simm.s32 @!p0 $0x4  }
0x34: {  	_ =	swait.ge @!p0 [sflag:s11], $0x2800  }
0x35: {  	[sflag:s11] =	ssyncset.done @!p0 $0x0  }
0x36: {  	[sflag:s11] =	ssyncadd.s32 @!p0 $0xFFFFD800  }
0x37: {  	[bflag:$0x0] =	sbarrier.arrive $0xFFFF  }
0x38: {  	s12 =	rddreg [dreg:$0x5]  }
0x39: {  	[tilespmem:s3], [sflag:$0x4] =	stream.linear.gather [hbm4b:s12+s3], $0x1F80, $0x38;
	[tilespmem:$0x1F800] =	vst v63  }
0x3a: {  	_ =	swait.ge [sflag:s22], $0x1F80  }
0x3b: {  	[sflag:s22] =	ssyncset.done $0x0  }
0x3c: {  	s13 =	rddreg [dreg:$0x6];
	[sflag:s22] =	ssyncadd.s32 $0xFFFFE080  }
0x3d: {  	[tilespmem:s23], [sflag:$0x4] =	stream.linear.gather [hbm4b:s13+s3], $0x1F80, $0x38;
	[tilespmem:$0x1F800] =	vst v63  }
0x3e: {  	_ =	swait.ge [sflag:s22], $0x1F80  }
0x3f: {  	[sflag:s22] =	ssyncset.done $0x0  }
0x40: {  	[sflag:s22] =	ssyncadd.s32 $0xFFFFE080  }
0x41: {  	[tilespmem:s25], [sflag:$0x1] =	stream.indirect.gather [hbm4b:s4+s24], $0x80, s3, s24, $0xb8;
	[tilespmem:$0x1F800] =	vst v63  }
0x42: {  	_ = 	snop  }
0x43: {  	[tilespmem:s28], [sflag:$0x2] =	stream.indirect.gather [hbm4b:s4+s24], $0x80, s26, s24, $0xb8;
	[tilespmem:$0x1F800] =	vst v63  }
0x44: {  	s15 =	simm.s32 $0x100  }
0x45: {  	[tilespmem:s29], [sflag:$0x3] =	stream.indirect.gather [hbm4b:s4+s24], $0x80, s15, s24, $0xb8;
	[tilespmem:$0x1F800] =	vst v63  }
0x46: {  	_ =	swait.ge [sflag:s30], $0x2800  }
0x47: {  	[sflag:s30] =	ssyncset.done $0x0  }
0x48: {  	s16 =	simm.s32 $0x2000;
	[sflag:s30] =	ssyncadd.s32 $0xFFFFD800  }
0x49: {  	[spmem:s1] =	stream.indirect.scatter.add.f32 [tilespmem:s25], [sflag:$0x4], $0x80, s16, s24, $0xb8;
	[tilespmem:$0x1F800] =	vst v63  }
0x4a: {  	_ =	swait.ge [sflag:s22], $0x2800  }
0x4b: {  	[sflag:s22] =	ssyncset.done $0x0  }
0x4c: {  	s12 =	simm.s32 $0x180;
	[sflag:s22] =	ssyncadd.s32 $0xFFFFD800  }
0x4d: {  	[tilespmem:s25], [sflag:$0x1] =	stream.indirect.gather [hbm4b:s4+s24], $0x80, s12, s24, $0xb8;
	[tilespmem:$0x1F800] =	vst v63  }
0x4e: {  	_ =	swait.ge [sflag:s31], $0x2800  }
0x4f: {  	[sflag:s31] =	ssyncset.done $0x0  }
0x50: {  	s13 =	simm.s32 $0x2080;
	[sflag:s31] =	ssyncadd.s32 $0xFFFFD800  }
0x51: {  	[spmem:s1] =	stream.indirect.scatter.add.f32 [tilespmem:s28], [sflag:$0x4], $0x80, s13, s24, $0xb8;
	[tilespmem:$0x1F800] =	vst v63  }
0x52: {  	_ =	swait.ge [sflag:s22], $0x2800  }
0x53: {  	[sflag:s22] =	ssyncset.done $0x0  }
0x54: {  	s15 =	simm.s32 $0x200;
	[sflag:s22] =	ssyncadd.s32 $0xFFFFD800  }
0x55: {  	[tilespmem:s28], [sflag:$0x2] =	stream.indirect.gather [hbm4b:s4+s24], $0x80, s15, s24, $0xb8;
	[tilespmem:$0x1F800] =	vst v63  }
0x56: {  	_ =	swait.ge [sflag:s0], $0x2800  }
0x57: {  	[sflag:s0] =	ssyncset.done $0x0  }
0x58: {  	s16 =	simm.s32 $0x2100;
	[sflag:s0] =	ssyncadd.s32 $0xFFFFD800  }
0x59: {  	[spmem:s1] =	stream.indirect.scatter.add.f32 [tilespmem:s29], [sflag:$0x4], $0x80, s16, s24, $0xb8;
	[tilespmem:$0x1F800] =	vst v63  }
0x5a: {  	_ =	swait.ge [sflag:s22], $0x2800  }
0x5b: {  	s11 =	simm.s32 $0x180;
	s12 =	simm.s32 $0xC00;
	[sflag:s22] =	ssyncset.done $0x0  }
.LBB2_2:
0x5c: {  	s13 =	sadd.s32 $0x100, s11  }
0x5d: {  	[sflag:s22] =	ssyncadd.s32 $0xFFFFD800;
	s15 =	smov.u32 s12;
	s16 =	sadd.s32 $0x600, s12  }
0x5e: {  	[tilespmem:s29], [sflag:$0x3] =	stream.indirect.gather [hbm4b:s4+s24], $0x80, s13, s24, $0xb8;
	[tilespmem:$0x1F800] =	vst v63  }
0x5f: {  	p1 =	sne.s32 s12, $0x7200;
	_ =	swait.ge [sflag:s30], $0x2800  }
0x60: {  	[sflag:s30] =	ssyncset.done $0x0  }
0x61: {  	s12 =	sadd.s32 $0x2000, s11;
	[sflag:s30] =	ssyncadd.s32 $0xFFFFD800  }
0x62: {  	[spmem:s1] =	stream.indirect.scatter.add.f32 [tilespmem:s25], [sflag:$0x4], $0x80, s12, s24, $0xb8;
	[tilespmem:$0x1F800] =	vst v63  }
0x63: {  	_ =	swait.ge [sflag:s22], $0x2800  }
0x64: {  	[sflag:s22] =	ssyncset.done $0x0  }
0x65: {  	s12 =	sadd.s32 $0x180, s11;
	[sflag:s22] =	ssyncadd.s32 $0xFFFFD800  }
0x66: {  	[tilespmem:s25], [sflag:$0x1] =	stream.indirect.gather [hbm4b:s4+s24], $0x80, s12, s24, $0xb8;
	[tilespmem:$0x1F800] =	vst v63  }
0x67: {  	_ =	swait.ge [sflag:s31], $0x2800  }
0x68: {  	[sflag:s31] =	ssyncset.done $0x0  }
0x69: {  	s12 =	sadd.s32 $0x2080, s11;
	[sflag:s31] =	ssyncadd.s32 $0xFFFFD800  }
0x6a: {  	[spmem:s1] =	stream.indirect.scatter.add.f32 [tilespmem:s28], [sflag:$0x4], $0x80, s12, s24, $0xb8;
	[tilespmem:$0x1F800] =	vst v63  }
0x6b: {  	_ =	swait.ge [sflag:s22], $0x2800  }
0x6c: {  	[sflag:s22] =	ssyncset.done $0x0  }
0x6d: {  	s12 =	sadd.s32 $0x200, s11;
	[sflag:s22] =	ssyncadd.s32 $0xFFFFD800  }
0x6e: {  	[tilespmem:s28], [sflag:$0x2] =	stream.indirect.gather [hbm4b:s4+s24], $0x80, s12, s24, $0xb8;
	[tilespmem:$0x1F800] =	vst v63  }
0x6f: {  	_ =	swait.ge [sflag:s0], $0x2800  }
.Ltmp0:
0x70: {  	[sflag:s0] =	ssyncset.done $0x0;
	(pc) =	sbr.rel @p1 .LBB2_2-.Ltmp0, $4  }
0x71: {  	s11 =	sadd.s32 $0x2100, s11;
	[sflag:s0] =	ssyncadd.s32 $0xFFFFD800  }
0x72: {  	[spmem:s1] =	stream.indirect.scatter.add.f32 [tilespmem:s29], [sflag:$0x4], $0x80, s11, s24, $0xb8;
	[tilespmem:$0x1F800] =	vst v63  }
0x73: {  	_ =	swait.ge [sflag:s22], $0x2800  }
0x74: {  	s12 =	smov.u32 s16;
	s11 =	sshra.s32 s15, $0x2;
	[sflag:s22] =	ssyncset.done $0x0  }
0x75: {  	s12 =	sadd.s32 $0x100, s11;
	[sflag:s22] =	ssyncadd.s32 $0xFFFFD800  }
0x76: {  	[tilespmem:s29], [sflag:$0x3] =	stream.indirect.gather [hbm4b:s4+s24], $0x80, s12, s24, $0xb8;
	[tilespmem:$0x1F800] =	vst v63  }
0x77: {  	_ =	swait.ge [sflag:s30], $0x2800  }
0x78: {  	[sflag:s30] =	ssyncset.done $0x0  }
0x79: {  	s16 =	sadd.s32 $0x2000, s11;
	[sflag:s30] =	ssyncadd.s32 $0xFFFFD800  }
0x7a: {  	[spmem:s1] =	stream.indirect.scatter.add.f32 [tilespmem:s25], [sflag:$0x4], $0x80, s16, s24, $0xb8;
	[tilespmem:$0x1F800] =	vst v63  }
0x7b: {  	_ =	swait.ge [sflag:s22], $0x2800  }
0x7c: {  	[sflag:s22] =	ssyncset.done $0x0  }
0x7d: {  	s13 =	sadd.s32 $0x180, s11;
	[sflag:s22] =	ssyncadd.s32 $0xFFFFD800  }
0x7e: {  	[tilespmem:s25], [sflag:$0x1] =	stream.indirect.gather [hbm4b:s4+s24], $0x80, s13, s24, $0xb8;
	[tilespmem:$0x1F800] =	vst v63  }
0x7f: {  	_ =	swait.ge [sflag:s31], $0x2800  }
0x80: {  	[sflag:s31] =	ssyncset.done $0x0  }
0x81: {  	s15 =	sadd.s32 $0x2080, s11;
	[sflag:s31] =	ssyncadd.s32 $0xFFFFD800  }
0x82: {  	[spmem:s1] =	stream.indirect.scatter.add.f32 [tilespmem:s28], [sflag:$0x4], $0x80, s15, s24, $0xb8;
	[tilespmem:$0x1F800] =	vst v63  }
0x83: {  	_ =	swait.ge [sflag:s22], $0x2800  }
0x84: {  	[sflag:s22] =	ssyncset.done $0x0  }
0x85: {  	s16 =	sadd.s32 $0x200, s11;
	[sflag:s22] =	ssyncadd.s32 $0xFFFFD800  }
0x86: {  	[tilespmem:s28], [sflag:$0x2] =	stream.indirect.gather [hbm4b:s4+s24], $0x80, s16, s24, $0xb8;
	[tilespmem:$0x1F800] =	vst v63  }
0x87: {  	_ =	swait.ge [sflag:s0], $0x2800  }
0x88: {  	[sflag:s0] =	ssyncset.done $0x0  }
0x89: {  	s13 =	sadd.s32 $0x2100, s11;
	[sflag:s0] =	ssyncadd.s32 $0xFFFFD800  }
0x8a: {  	[spmem:s1] =	stream.indirect.scatter.add.f32 [tilespmem:s29], [sflag:$0x4], $0x80, s13, s24, $0xb8;
	[tilespmem:$0x1F800] =	vst v63  }
0x8b: {  	_ =	swait.ge [sflag:s22], $0x2800  }
0x8c: {  	[sflag:s22] =	ssyncset.done $0x0  }
0x8d: {  	[sflag:s22] =	ssyncadd.s32 $0xFFFFD800  }
0x8e: {  	[tilespmem:s29], [sflag:$0x3] =	stream.indirect.gather [hbm4b:s4+s24], $0x80, s2, s24, $0xb8;
	[tilespmem:$0x1F800] =	vst v63  }
0x8f: {  	_ =	swait.ge [sflag:s30], $0x2800  }
0x90: {  	[sflag:s30] =	ssyncset.done $0x0  }
0x91: {  	[sflag:s30] =	ssyncadd.s32 $0xFFFFD800  }
0x92: {  	[spmem:s1] =	stream.indirect.scatter.add.f32 [tilespmem:s25], [sflag:$0x4], $0x80, s7, s24, $0xb8;
	[tilespmem:$0x1F800] =	vst v63  }
0x93: {  	_ =	swait.ge [sflag:s22], $0x2800  }
0x94: {  	[sflag:s22] =	ssyncset.done $0x0  }
0x95: {  	[sflag:s22] =	ssyncadd.s32 $0xFFFFD800  }
0x96: {  	_ =	swait.ge [sflag:s31], $0x2800  }
0x97: {  	[sflag:s31] =	ssyncset.done $0x0  }
0x98: {  	[sflag:s31] =	ssyncadd.s32 $0xFFFFD800  }
0x99: {  	[spmem:s1] =	stream.indirect.scatter.add.f32 [tilespmem:s28], [sflag:$0x4], $0x80, s8, s24, $0xb8;
	[tilespmem:$0x1F800] =	vst v63  }
0x9a: {  	_ =	swait.ge [sflag:s22], $0x2800  }
0x9b: {  	[sflag:s22] =	ssyncset.done $0x0  }
0x9c: {  	[sflag:s22] =	ssyncadd.s32 $0xFFFFD800  }
0x9d: {  	_ =	swait.ge [sflag:s0], $0x2800  }
0x9e: {  	[sflag:s0] =	ssyncset.done $0x0  }
0x9f: {  	[sflag:s0] =	ssyncadd.s32 $0xFFFFD800  }
0xa0: {  	[spmem:s1] =	stream.indirect.scatter.add.f32 [tilespmem:s29], [sflag:$0x4], $0x80, s9, s24, $0xb8;
	[tilespmem:$0x1F800] =	vst v63  }
0xa1: {  	_ =	swait.ge [sflag:s22], $0x2800  }
0xa2: {  	[sflag:s22] =	ssyncset.done $0x0  }
0xa3: {  	s15 =	simm.s32 $0x0;
	s16 =	rddreg [dreg:$0x7];
	[sflag:s22] =	ssyncadd.s32 $0xFFFFD800  }
0xa4: {  	[tilespmem:s15], [sflag:$0x4] =	stream.linear.gather [hbm4b:s16+s15], $0x1F80, $0x38;
	[tilespmem:$0x1F800] =	vst v63  }
0xa5: {  	_ =	swait.ge [sflag:s22], $0x1F80  }
0xa6: {  	[sflag:s22] =	ssyncset.done $0x0  }
0xa7: {  	s13 =	rddreg [dreg:$0x8];
	[sflag:s22] =	ssyncadd.s32 $0xFFFFE080  }
0xa8: {  	[tilespmem:s23], [sflag:$0x4] =	stream.linear.gather [hbm4b:s13+s15], $0x1F80, $0x38;
	[tilespmem:$0x1F800] =	vst v63  }
0xa9: {  	_ =	swait.ge [sflag:s22], $0x1F80  }
0xaa: {  	[sflag:s22] =	ssyncset.done $0x0  }
0xab: {  	[sflag:s22] =	ssyncadd.s32 $0xFFFFE080  }
0xac: {  	[tilespmem:s25], [sflag:$0x1] =	stream.indirect.gather [hbm4b:s4+s24], $0x80, s15, s24, $0xb8;
	[tilespmem:$0x1F800] =	vst v63  }
0xad: {  	_ = 	snop  }
0xae: {  	[tilespmem:s28], [sflag:$0x2] =	stream.indirect.gather [hbm4b:s4+s24], $0x80, s26, s24, $0xb8;
	[tilespmem:$0x1F800] =	vst v63  }
0xaf: {  	s15 =	simm.s32 $0x100  }
0xb0: {  	[tilespmem:s29], [sflag:$0x3] =	stream.indirect.gather [hbm4b:s4+s24], $0x80, s15, s24, $0xb8;
	[tilespmem:$0x1F800] =	vst v63  }
0xb1: {  	_ =	swait.ge [sflag:s30], $0x2800  }
0xb2: {  	[sflag:s30] =	ssyncset.done $0x0  }
0xb3: {  	s16 =	simm.s32 $0x2000;
	[sflag:s30] =	ssyncadd.s32 $0xFFFFD800  }
0xb4: {  	[spmem:s1] =	stream.indirect.scatter.add.f32 [tilespmem:s25], [sflag:$0x4], $0x80, s16, s24, $0xb8;
	[tilespmem:$0x1F800] =	vst v63  }
0xb5: {  	_ =	swait.ge [sflag:s22], $0x2800  }
0xb6: {  	[sflag:s22] =	ssyncset.done $0x0  }
0xb7: {  	s12 =	simm.s32 $0x180;
	[sflag:s22] =	ssyncadd.s32 $0xFFFFD800  }
0xb8: {  	[tilespmem:s25], [sflag:$0x1] =	stream.indirect.gather [hbm4b:s4+s24], $0x80, s12, s24, $0xb8;
	[tilespmem:$0x1F800] =	vst v63  }
0xb9: {  	_ =	swait.ge [sflag:s31], $0x2800  }
0xba: {  	[sflag:s31] =	ssyncset.done $0x0  }
0xbb: {  	s13 =	simm.s32 $0x2080;
	[sflag:s31] =	ssyncadd.s32 $0xFFFFD800  }
0xbc: {  	[spmem:s1] =	stream.indirect.scatter.add.f32 [tilespmem:s28], [sflag:$0x4], $0x80, s13, s24, $0xb8;
	[tilespmem:$0x1F800] =	vst v63  }
0xbd: {  	_ =	swait.ge [sflag:s22], $0x2800  }
0xbe: {  	[sflag:s22] =	ssyncset.done $0x0  }
0xbf: {  	s15 =	simm.s32 $0x200;
	[sflag:s22] =	ssyncadd.s32 $0xFFFFD800  }
0xc0: {  	[tilespmem:s28], [sflag:$0x2] =	stream.indirect.gather [hbm4b:s4+s24], $0x80, s15, s24, $0xb8;
	[tilespmem:$0x1F800] =	vst v63  }
0xc1: {  	_ =	swait.ge [sflag:s0], $0x2800  }
0xc2: {  	[sflag:s0] =	ssyncset.done $0x0  }
0xc3: {  	s16 =	simm.s32 $0x2100;
	[sflag:s0] =	ssyncadd.s32 $0xFFFFD800  }
0xc4: {  	[spmem:s1] =	stream.indirect.scatter.add.f32 [tilespmem:s29], [sflag:$0x4], $0x80, s16, s24, $0xb8;
	[tilespmem:$0x1F800] =	vst v63  }
0xc5: {  	_ =	swait.ge [sflag:s22], $0x2800  }
0xc6: {  	s11 =	simm.s32 $0x180;
	s12 =	simm.s32 $0xC00;
	[sflag:s22] =	ssyncset.done $0x0  }
.LBB2_4:
0xc7: {  	s13 =	sadd.s32 $0x100, s11  }
0xc8: {  	[sflag:s22] =	ssyncadd.s32 $0xFFFFD800;
	s15 =	smov.u32 s12;
	s16 =	sadd.s32 $0x600, s12  }
0xc9: {  	[tilespmem:s29], [sflag:$0x3] =	stream.indirect.gather [hbm4b:s4+s24], $0x80, s13, s24, $0xb8;
	[tilespmem:$0x1F800] =	vst v63  }
0xca: {  	p1 =	sne.s32 s12, $0x7200;
	_ =	swait.ge [sflag:s30], $0x2800  }
0xcb: {  	[sflag:s30] =	ssyncset.done $0x0  }
0xcc: {  	s12 =	sadd.s32 $0x2000, s11;
	[sflag:s30] =	ssyncadd.s32 $0xFFFFD800  }
0xcd: {  	[spmem:s1] =	stream.indirect.scatter.add.f32 [tilespmem:s25], [sflag:$0x4], $0x80, s12, s24, $0xb8;
	[tilespmem:$0x1F800] =	vst v63  }
0xce: {  	_ =	swait.ge [sflag:s22], $0x2800  }
0xcf: {  	[sflag:s22] =	ssyncset.done $0x0  }
0xd0: {  	s12 =	sadd.s32 $0x180, s11;
	[sflag:s22] =	ssyncadd.s32 $0xFFFFD800  }
0xd1: {  	[tilespmem:s25], [sflag:$0x1] =	stream.indirect.gather [hbm4b:s4+s24], $0x80, s12, s24, $0xb8;
	[tilespmem:$0x1F800] =	vst v63  }
0xd2: {  	_ =	swait.ge [sflag:s31], $0x2800  }
0xd3: {  	[sflag:s31] =	ssyncset.done $0x0  }
0xd4: {  	s12 =	sadd.s32 $0x2080, s11;
	[sflag:s31] =	ssyncadd.s32 $0xFFFFD800  }
0xd5: {  	[spmem:s1] =	stream.indirect.scatter.add.f32 [tilespmem:s28], [sflag:$0x4], $0x80, s12, s24, $0xb8;
	[tilespmem:$0x1F800] =	vst v63  }
0xd6: {  	_ =	swait.ge [sflag:s22], $0x2800  }
0xd7: {  	[sflag:s22] =	ssyncset.done $0x0  }
0xd8: {  	s12 =	sadd.s32 $0x200, s11;
	[sflag:s22] =	ssyncadd.s32 $0xFFFFD800  }
0xd9: {  	[tilespmem:s28], [sflag:$0x2] =	stream.indirect.gather [hbm4b:s4+s24], $0x80, s12, s24, $0xb8;
	[tilespmem:$0x1F800] =	vst v63  }
0xda: {  	_ =	swait.ge [sflag:s0], $0x2800  }
.Ltmp1:
0xdb: {  	[sflag:s0] =	ssyncset.done $0x0;
	(pc) =	sbr.rel @p1 .LBB2_4-.Ltmp1, $4  }
0xdc: {  	s11 =	sadd.s32 $0x2100, s11;
	[sflag:s0] =	ssyncadd.s32 $0xFFFFD800  }
0xdd: {  	[spmem:s1] =	stream.indirect.scatter.add.f32 [tilespmem:s29], [sflag:$0x4], $0x80, s11, s24, $0xb8;
	[tilespmem:$0x1F800] =	vst v63  }
0xde: {  	_ =	swait.ge [sflag:s22], $0x2800  }
0xdf: {  	s12 =	smov.u32 s16;
	s11 =	sshra.s32 s15, $0x2;
	[sflag:s22] =	ssyncset.done $0x0  }
0xe0: {  	s12 =	sadd.s32 $0x100, s11;
	[sflag:s22] =	ssyncadd.s32 $0xFFFFD800  }
0xe1: {  	[tilespmem:s29], [sflag:$0x3] =	stream.indirect.gather [hbm4b:s4+s24], $0x80, s12, s24, $0xb8;
	[tilespmem:$0x1F800] =	vst v63  }
0xe2: {  	_ =	swait.ge [sflag:s30], $0x2800  }
0xe3: {  	[sflag:s30] =	ssyncset.done $0x0  }
0xe4: {  	s16 =	sadd.s32 $0x2000, s11;
	[sflag:s30] =	ssyncadd.s32 $0xFFFFD800  }
0xe5: {  	[spmem:s1] =	stream.indirect.scatter.add.f32 [tilespmem:s25], [sflag:$0x4], $0x80, s16, s24, $0xb8;
	[tilespmem:$0x1F800] =	vst v63  }
0xe6: {  	_ =	swait.ge [sflag:s22], $0x2800  }
0xe7: {  	[sflag:s22] =	ssyncset.done $0x0  }
0xe8: {  	s13 =	sadd.s32 $0x180, s11;
	[sflag:s22] =	ssyncadd.s32 $0xFFFFD800  }
0xe9: {  	[tilespmem:s25], [sflag:$0x1] =	stream.indirect.gather [hbm4b:s4+s24], $0x80, s13, s24, $0xb8;
	[tilespmem:$0x1F800] =	vst v63  }
0xea: {  	_ =	swait.ge [sflag:s31], $0x2800  }
0xeb: {  	[sflag:s31] =	ssyncset.done $0x0  }
0xec: {  	s15 =	sadd.s32 $0x2080, s11;
	[sflag:s31] =	ssyncadd.s32 $0xFFFFD800  }
0xed: {  	[spmem:s1] =	stream.indirect.scatter.add.f32 [tilespmem:s28], [sflag:$0x4], $0x80, s15, s24, $0xb8;
	[tilespmem:$0x1F800] =	vst v63  }
0xee: {  	_ =	swait.ge [sflag:s22], $0x2800  }
0xef: {  	[sflag:s22] =	ssyncset.done $0x0  }
0xf0: {  	s16 =	sadd.s32 $0x200, s11;
	[sflag:s22] =	ssyncadd.s32 $0xFFFFD800  }
0xf1: {  	[tilespmem:s28], [sflag:$0x2] =	stream.indirect.gather [hbm4b:s4+s24], $0x80, s16, s24, $0xb8;
	[tilespmem:$0x1F800] =	vst v63  }
0xf2: {  	_ =	swait.ge [sflag:s0], $0x2800  }
0xf3: {  	[sflag:s0] =	ssyncset.done $0x0  }
0xf4: {  	s12 =	sadd.s32 $0x2100, s11;
	[sflag:s0] =	ssyncadd.s32 $0xFFFFD800  }
0xf5: {  	[spmem:s1] =	stream.indirect.scatter.add.f32 [tilespmem:s29], [sflag:$0x4], $0x80, s12, s24, $0xb8;
	[tilespmem:$0x1F800] =	vst v63  }
0xf6: {  	_ =	swait.ge [sflag:s22], $0x2800  }
0xf7: {  	[sflag:s22] =	ssyncset.done $0x0  }
0xf8: {  	[sflag:s22] =	ssyncadd.s32 $0xFFFFD800  }
0xf9: {  	[tilespmem:s29], [sflag:$0x3] =	stream.indirect.gather [hbm4b:s4+s24], $0x80, s2, s24, $0xb8;
	[tilespmem:$0x1F800] =	vst v63  }
0xfa: {  	_ =	swait.ge [sflag:s30], $0x2800  }
0xfb: {  	[sflag:s30] =	ssyncset.done $0x0  }
0xfc: {  	[sflag:s30] =	ssyncadd.s32 $0xFFFFD800  }
0xfd: {  	[spmem:s1] =	stream.indirect.scatter.add.f32 [tilespmem:s25], [sflag:$0x4], $0x80, s7, s24, $0xb8;
	[tilespmem:$0x1F800] =	vst v63  }
0xfe: {  	_ =	swait.ge [sflag:s22], $0x2800  }
0xff: {  	[sflag:s22] =	ssyncset.done $0x0  }
0x100: {  	[sflag:s22] =	ssyncadd.s32 $0xFFFFD800  }
0x101: {  	_ =	swait.ge [sflag:s31], $0x2800  }
0x102: {  	[sflag:s31] =	ssyncset.done $0x0  }
0x103: {  	[sflag:s31] =	ssyncadd.s32 $0xFFFFD800  }
0x104: {  	[spmem:s1] =	stream.indirect.scatter.add.f32 [tilespmem:s28], [sflag:$0x4], $0x80, s8, s24, $0xb8;
	[tilespmem:$0x1F800] =	vst v63  }
0x105: {  	_ =	swait.ge [sflag:s22], $0x2800  }
0x106: {  	[sflag:s22] =	ssyncset.done $0x0  }
0x107: {  	[sflag:s22] =	ssyncadd.s32 $0xFFFFD800  }
0x108: {  	_ =	swait.ge [sflag:s0], $0x2800  }
0x109: {  	[sflag:s0] =	ssyncset.done $0x0  }
0x10a: {  	[sflag:s0] =	ssyncadd.s32 $0xFFFFD800  }
0x10b: {  	[spmem:s1] =	stream.indirect.scatter.add.f32 [tilespmem:s29], [sflag:$0x4], $0x80, s9, s24, $0xb8;
	[tilespmem:$0x1F800] =	vst v63  }
0x10c: {  	_ =	swait.ge [sflag:s22], $0x2800  }
0x10d: {  	[sflag:s22] =	ssyncset.done $0x0  }
0x10e: {  	s13 =	stileid.u32;
	[sflag:s22] =	ssyncadd.s32 $0xFFFFD800  }
0x10f: {  	s11 =	sshll.u32 s13, $0x6;
	[bflag:$0x0] =	sbarrier.arrive $0xFFFF  }
0x110: {  	s11 =	sor.u32 $0x1C04, s11;
	s15 =	sshrl.u32 s5, $0x3;
	s13 =	rddreg [dreg:$0x9]  }
0x111: {  	[hbm:s13], [sflag:s11] =	dma.local [spmem:s15], $0x2800  }
0x112: {  	_ =	swait.ge [sflag:s22], $0x2800  }
0x113: {  	s10 =	sadd.s32 $0x1, s10;
	s16 =	rddreg [dreg:$0xa]  }
0x114: {  	p1 =	sne.s32 s10, s16  }
.Ltmp2:
0x115: {  	_ = 	snop;
	(pc) =	sbr.rel @p1 .LBB2_1-.Ltmp2, $3  }
0x116: {  	_ =	sdelay $0x1  }
0x117: {  	[sflag:s22] =	ssyncset.done $0x0  }
0x118: {  	[sflag:s22] =	ssyncadd.s32 $0xFFFFD800  }
0x119: {  	_ =	sfence.sel $0x180000  }
0x11a: {  	[bflag:$0x0] =	sbarrier.arrive $0xFFFF  }
0x11b: {  	_ =	strace $0x9000004D  }
0x11c: {  	s0 =	stileid.u32;
	[bflag:$0x2] =	sbarrier.arrive $0xFFFF  }
0x11d: {  	p0 =	sne.s32 s0, $0x0;
	s0 =	rddreg [dreg:$0x3]  }
0x11e: {  	s0 =	sadd.s32 @!p0 $0x100000, s0  }
0x11f: {  	[sflag:s0] =	ssyncadd.tile.s32 @!p0 $0x1;
	_ =	shalt  }
.Lfunc_end2:
_tile_overlayer_lowered:
.L_overlay_start_2:
0x120: {  	(tag) =	ssettag $0x2  }
0x121: {  	s0 =	rddreg [dreg:$0x0];
	s2 =	stileid.u32  }
0x122: {  	s1 =	rddreg [dreg:$0x1];
	p0 =	sne.s32 s2, $0x0  }
0x123: {  	s3 =	rddreg [dreg:$0x2];
	[bflag:$0x3] =	sbarrier.arrive $0xFFFF;
	s2 =	simm.s32 @!p0 $0x1C04  }
0x124: {  	[timem:s3], [sflag:s2] =	dma.local @!p0 [hbm:s0], s1  }
0x125: {  	s0 =	simm.s32 @!p0 $0x4  }
0x126: {  	_ =	swait.ge @!p0 [sflag:s0], s1  }
0x127: {  	s1 =	ssub.s32 @!p0 $0x0, s1;
	[sflag:s0] =	ssyncset.done @!p0 $0x0  }
0x128: {  	[sflag:s0] =	ssyncadd.s32 @!p0 s1  }
0x129: {  	[bflag:$0x3] =	sbarrier.arrive $0xFFFF  }
0x12a: {  	_ =	shalt  }

// kernel: kernel.8.cloned.1.call-start
scs
__scs_entry_jumppad:
0x0: {  	(pc) =	sbr.rel $0x88, $3  }
0x1: {  	(tag) =	ssettag $0x0;
	lr =	simm.s32 $0x1  }
0x2: {  	[smem:$0x3F9B] =	sst lr;
	_ =	strace $0xD0000000  }
0x3: {  	_ = 	snop  }
0x4: {  	_ = 	snop  }
0x5: {  	_ = 	snop  }
0x6: {  	_ = 	snop  }
0x7: {  	_ = 	snop  }
__scs_overlays_trampoline_lowered:
0x8: {  	[smem:$0x3FAA] =	sst s0  }
0x9: {  	[smem:$0x3FAB] =	sst s1  }
0xa: {  	[smem:$0x3FAC] =	sst s2  }
0xb: {  	[smem:$0x3FAD] =	sst s3  }
0xc: {  	[smem:$0x3FAE] =	sst s4  }
0xd: {  	[smem:$0x3FAF] =	sst s5  }
0xe: {  	[smem:$0x3FB0] =	sst s6  }
0xf: {  	[smem:$0x3FB1] =	sst s7  }
0x10: {  	[smem:$0x3FB2] =	sst s8  }
0x11: {  	[smem:$0x3FB3] =	sst s9;
	s0 =	simm.s32 @!p0 $0x0  }
0x12: {  	s1 =	sld [smem:$0x3F99];
	s0 =	simm.s32 @p0 $0x1  }
0x13: {  	[smem:$0x3FB4] =	sst s0;
	s0 =	simm.s32 @!p1 $0x0  }
0x14: {  	s2 =	sld [smem:$0x3F98];
	s0 =	simm.s32 @p1 $0x1  }
0x15: {  	[smem:$0x3FB5] =	sst s0;
	s0 =	simm.s32 @!p2 $0x0  }
0x16: {  	s3 =	sld [smem:$0x3FDB];
	s0 =	simm.s32 @p2 $0x1  }
0x17: {  	s4 =	simm.s32 $0x1BF5;
	[smem:$0x3FB7] =	sst s0  }
0x18: {  	s0 =	sld [smem:$0x3F9A];
	_ =	swait.ge [sflag:s4], $0x0  }
0x19: {  	s7 =	sld [smem:$0x3F9B]  }
0x1a: {  	s8 =	sadd.s32 $0xFFFFE003, lr  }
0x1b: {  	s9 =	sadd.s32 $0xFFFFFEF7, lr;
	s5 =	simm.s32 $0xFFFFFFFF;
	p2 =	slt.u32 s8, $0xFFFFF086  }
0x1c: {  	p1 =	slt.u32 s9, $0xF7A;
	s5 =	simm.s32 @!p2 $0x0  }
0x1d: {  	s5 =	simm.s32 @p1 $0x1;
	p0 =	seq.s32 s7, s2  }
0x1e: {  	s7 =	smul.u32 @!p0 $0xF7A, s2;
	p2 =	seq.s32 @!p0 s5, $0x0  }
0x1f: {  	s9 =	smul.u32 $0xF7A, s1;
	s8 =	simm.s32 @!p0 $0x1BF5;
	p2 =	por !p2, p0  }
0x20: {  	[sflag:s8] =	ssyncset.s32 @!p0 $0xFFFFF086;
	s6 =	sadd.s32 @!p0 s3, s7;
	s7 =	simm.s32 @!p0 $0x108  }
0x21: {  	s3 =	sadd.s32 s3, s9;
	s6 =	sadd.s32 @!p0 $0x88, s6;
	s7 =	simm.s32 @p2 $0x1082  }
0x22: {  	[simem:s7], [sflag:s8] =	dma.local @!p0 [hbm:s6], $0xF7A  }
0x23: {  	s9 =	sor.u32 $0xD0000000, s2;
	s6 =	simm.s32 $0x108;
	_ =	swait.ge @!p0 [sflag:s8], $0x0  }
0x24: {  	s3 =	sadd.s32 $0x88, s3;
	s6 =	simm.s32 @!p1 $0x1082;
	[sflag:s4] =	ssyncset.s32 $0xFFFFF086  }
0x25: {  	[simem:s6], [sflag:s4] =	dma.local [hbm:s3], $0xF7A  }
0x26: {  	[smem:$0x3F9B] =	sst s1;
	(tag) =	ssettag s2;
	_ =	strace s9  }
0x27: {  	s1 =	sld [smem:$0x3FAB]  }
0x28: {  	s2 =	sld [smem:$0x3FAC]  }
0x29: {  	s4 =	sld [smem:$0x3FAE]  }
0x2a: {  	p0 =	seq.s32 s5, $0x0;
	s5 =	sld [smem:$0x3FAF]  }
0x2b: {  	s6 =	sld [smem:$0x3FB0]  }
0x2c: {  	s7 =	sld [smem:$0x3FB1]  }
0x2d: {  	s3 =	simm.s32 $0x108;
	s8 =	sld [smem:$0x3FB2]  }
0x2e: {  	s3 =	simm.s32 @!p0 $0x1082;
	s9 =	sld [smem:$0x3FB3]  }
0x2f: {  	lr =	sadd.s32 s0, s3;
	s0 =	sld [smem:$0x3FAA]  }
0x30: {  	s3 =	sld [smem:$0x3FAD]  }
0x31: {  	[smem:$0x3FB6] =	sst s10  }
0x32: {  	s10 =	sld [smem:$0x3FB4];
	_ =	sdelay $0x3  }
0x33: {  	p0 =	seq.s32 s10, $0x1;
	s10 =	sld [smem:$0x3FB6];
	_ =	sdelay $0x3  }
0x34: {  	[smem:$0x3FB6] =	sst s10  }
0x35: {  	s10 =	sld [smem:$0x3FB5];
	_ =	sdelay $0x3  }
0x36: {  	p1 =	seq.s32 s10, $0x1;
	s10 =	sld [smem:$0x3FB6];
	_ =	sdelay $0x3  }
0x37: {  	[smem:$0x3FB6] =	sst s10  }
0x38: {  	s10 =	sld [smem:$0x3FB7]  }
0x39: {  	_ = 	snop;
	(pc) =	sbr.ind lr, $3  }
0x3a: {  	_ = 	snop  }
0x3b: {  	_ = 	snop  }
0x3c: {  	p2 =	seq.s32 s10, $0x1;
	s10 =	sld [smem:$0x3FB6]  }
0x3d: {  	_ =	shalt  }
0x3e: {  	_ =	shalt  }
0x3f: {  	_ =	shalt  }
0x40: {  	_ =	shalt  }
0x41: {  	_ =	shalt  }
0x42: {  	_ =	shalt  }
0x43: {  	_ =	shalt  }
0x44: {  	_ =	shalt  }
0x45: {  	_ =	shalt  }
0x46: {  	_ =	shalt  }
0x47: {  	_ =	shalt  }
0x48: {  	_ =	shalt  }
0x49: {  	_ =	shalt  }
0x4a: {  	_ =	shalt  }
0x4b: {  	_ =	shalt  }
0x4c: {  	_ =	shalt  }
0x4d: {  	_ =	shalt  }
0x4e: {  	_ =	shalt  }
0x4f: {  	_ =	shalt  }
0x50: {  	_ =	shalt  }
0x51: {  	_ =	shalt  }
0x52: {  	_ =	shalt  }
0x53: {  	_ =	shalt  }
0x54: {  	_ =	shalt  }
0x55: {  	_ =	shalt  }
0x56: {  	_ =	shalt  }
0x57: {  	_ =	shalt  }
0x58: {  	_ =	shalt  }
0x59: {  	_ =	shalt  }
0x5a: {  	_ =	shalt  }
0x5b: {  	_ =	shalt  }
0x5c: {  	_ =	shalt  }
0x5d: {  	_ =	shalt  }
0x5e: {  	_ =	shalt  }
0x5f: {  	_ =	shalt  }
0x60: {  	_ =	shalt  }
0x61: {  	_ =	shalt  }
0x62: {  	_ =	shalt  }
0x63: {  	_ =	shalt  }
0x64: {  	_ =	shalt  }
0x65: {  	_ =	shalt  }
0x66: {  	_ =	shalt  }
0x67: {  	_ =	shalt  }
0x68: {  	_ =	shalt  }
0x69: {  	_ =	shalt  }
0x6a: {  	_ =	shalt  }
0x6b: {  	_ =	shalt  }
0x6c: {  	_ =	shalt  }
0x6d: {  	_ =	shalt  }
0x6e: {  	_ =	shalt  }
0x6f: {  	_ =	shalt  }
0x70: {  	_ =	shalt  }
0x71: {  	_ =	shalt  }
0x72: {  	_ =	shalt  }
0x73: {  	_ =	shalt  }
0x74: {  	_ =	shalt  }
0x75: {  	_ =	shalt  }
0x76: {  	_ =	shalt  }
0x77: {  	_ =	shalt  }
0x78: {  	_ =	shalt  }
0x79: {  	_ =	shalt  }
0x7a: {  	_ =	shalt  }
0x7b: {  	_ =	shalt  }
0x7c: {  	_ =	shalt  }
0x7d: {  	_ =	shalt  }
0x7e: {  	_ =	shalt  }
0x7f: {  	_ =	shalt  }
0x80: {  	_ =	shalt  }
0x81: {  	_ =	shalt  }
0x82: {  	_ =	shalt  }
0x83: {  	_ =	shalt  }
0x84: {  	_ =	shalt  }
0x85: {  	_ =	shalt  }
0x86: {  	_ =	shalt  }
0x87: {  	_ =	shalt  }
.Lfunc_end0:
.L_simem_size_0:
called_computation_lowered:
.L_overlay_start_0:
0x88: {  	s2 =	sld [smem:$0x3FD9]  }
0x89: {  	s3 =	sld [smem:$0x3FFE];
	_ =	sdelay $0x1  }
0x8a: {  	s1 =	srdreg.scid  }
0x8b: {  	s0 =	sand.u32 $0x1, s1  }
0x8c: {  	s16 =	sshll.u32 s0, $0xA;
	s2 =	sadd.s32 s3, s2  }
0x8d: {  	s2 =	sadd.s32 s2, s16  }
0x8e: {  	[smem:$0x3FC2] =	sst s2  }
0x8f: {  	_ = 	snop  }
0x90: {  	(tm) =	ssettm $0x1  }
0x91: {  	s17 =	sld [smem:$0x3FFB];
	_ =	sdelay $0x3  }
0x92: {  	_ =	strace s17  }
0x93: {  	s2 =	sld [smem:$0x3FFC];
	_ =	sdelay $0x3  }
0x94: {  	_ =	strace s2  }
0x95: {  	s2 =	sld [smem:$0x3FFD];
	_ =	sdelay $0x3  }
0x96: {  	_ =	strace s2  }
0x97: {  	_ =	strace $0x8FFFFFFF  }
0x98: {  	s18 =	sld [smem:$0x3FDB];
	_ =	sdelay $0x1  }
0x99: {  	s19 =	simm.s32 $_scs_section_size  }
0x9a: {  	s4 =	simm.s32 $_size__tile_overlayer_lowered;
	s5 =	simm.s32 $_tile_overlayer_lowered  }
0x9b: {  	s22 =	simm.s32 $0x1BFF;
	s21 =	sshll.u32 s5, $0x1;
	s2 =	sadd.s32 s19, s18  }
0x9c: {  	s6 =	simm.s32 $0x0;
	s20 =	sshll.u32 s4, $0x1;
	s4 =	sadd.s32 s21, s2  }
0x9d: {  	[timem:s6], [sflag:s22] =	dma.local [hbm:s4], s20  }
0x9e: {  	_ =	swait.ge [sflag:s22], s20  }
0x9f: {  	s3 =	ssub.s32 $0x0, s20;
	[sflag:s22] =	ssyncset.done $0x0  }
0xa0: {  	[sflag:s22] =	ssyncadd.s32 s3;
	_ =	sdelay $0x1  }
0xa1: {  	s23 =	simm.s32 $0x1B8B  }
0xa2: {  	_ =	swait.ge [sflag:s23], $0x1  }
0xa3: {  	[sflag:s23] =	ssyncset.done $0x0  }
0xa4: {  	s25 =	simm.s32 $0x1B8E;
	s24 =	sld [smem:$0x3FFE];
	[sflag:s23] =	ssyncadd.s32 $0xFFFFFFFF  }
0xa5: {  	s26 =	simm.s32 $execute0_lowered;
	[smem:$0x3FD2] =	sst s25  }
0xa6: {  	s4 =	sshll.u32 s26, $0x1;
	_ =	strace $0x80000046;
	[dreg:$0x1] =	wrdreg $0xFFFFFFFF  }
0xa7: {  	s28 =	simm.s32 $_size_execute0_lowered;
	s2 =	sadd.s32 s2, s4;
	[dreg:$0x0] =	wrdreg $0x0  }
0xa8: {  	s4 =	sshll.u32 s28, $0x1;
	[dreg:$0x2] =	wrdreg s2  }
0xa9: {  	[dreg:$0x3] =	wrdreg s4  }
0xaa: {  	[dreg:$0x4] =	wrdreg $0xC0  }
0xab: {  	_ =	task [dreg:s6], $0x5FFFF  }
0xac: {  	[dreg:$0x1] =	wrdreg $0xFFFFFFFF  }
0xad: {  	[dreg:$0x0] =	wrdreg $0x60  }
0xae: {  	[dreg:$0x2] =	wrdreg s24  }
0xaf: {  	[dreg:$0x3] =	wrdreg $0x9  }
0xb0: {  	_ =	task.clear_ibuf [dreg:s6], $0x4FFFF;
	_ =	strace $0x90000046  }
0xb1: {  	s29 =	simm.s32 $0x9;
	_ =	strace $0x80000048  }
0xb2: {  	_ =	swait.ge [sflag:s29], $0x1  }
0xb3: {  	[sflag:s29] =	ssyncadd.s32 $0xFFFFFFFF  }
0xb4: {  	_ =	strace $0x90000048  }
0xb5: {  	_ =	sfence  }
0xb6: {  	s30 =	sld [smem:$0x0];
	_ =	sdelay $0x2  }
0xb7: {  	s31 =	sshll.u32 s1, $0xD;
	s1 =	sshrl.u32 s1, $0x2  }
0xb8: {  	s3 =	sand.u32 $0x4000, s31;
	s1 =	sadd.s32 s1, s30  }
0xb9: {  	s0 =	sor.u32 s3, s0;
	s1 =	sshll.u32 s1, $0x11  }
0xba: {  	s0 =	sor.u32 s1, s0  }
0xbb: {  	s0 =	sadd.s32 $0x8F2B, s0  }
0xbc: {  	[sflag:s0] =	ssyncadd.remote.s32 $0x1  }
0xbd: {  	_ =	sfence.sel $0xFFFF  }
0xbe: {  	[dreg:$0x0] =	wrdreg $0xFFFFFFFF;
	(pc) =	sbr.abs _section_cstart, $3  }
0xbf: {  	[dreg:$0x1] =	wrdreg $0xFFFFFFFF  }
0xc0: {  	_ =	task.clear_ibuf [dreg:s6], $0x2FFFF;
	_ =	strace $0x9FFFFFFF  }
0xc1: {  	(tm) =	ssettm $0x7FFFFFFF  }
tec
execute0_lowered:
.L_overlay_start_1:
0x0: {  	(tag) =	ssettag $0x1  }
0x1: {  	s0 =	srdreg.scid  }
0x2: {  	s3 =	sand.u32 $0x1, s0  }
0x3: {  	s4 =	rddreg [dreg:$0x0];
	s0 =	stileid.u32;
	s1 =	sshll.u32 s3, $0x4  }
0x4: {  	s2 =	simm.s32 $0x0;
	s8 =	simm.s32 $0x1;
	s1 =	sor.u32 s0, s1  }
0x5: {  	s9 =	simm.s32 $0x2780;
	s10 =	simm.s32 $0x0;
	s5 =	sshrl.u32 s1, $0x3  }
0x6: {  	[smem:$0x7FF] =	sst s2;
	s7 =	sshll.u32 s0, $0x7;
	s6 =	smul.u32 $0x13C00, s5  }
0x7: {  	s3 =	ssub.s32 $0x2, s3;
	s7 =	sand.u32 $0x380, s7;
	s5 =	smul.u32 $0x14000, s5  }
0x8: {  	s31 =	sshrl.u32 s3, $0x1;
	s1 =	rddreg [dreg:$0x1];
	s6 =	sor.u32 s7, s6  }
0x9: {  	_ =	strace $0x80000047;
	s5 =	sor.u32 s7, s5;
	s6 =	sshrl.u32 s6, $0x3  }
0xa: {  	s7 =	simm.s32 $0x400;
	s5 =	sshrl.u32 s5, $0x3;
	s6 =	sadd.s32 s6, s4  }
0xb: {  	s4 =	sadd.s32 s5, s4;
	s5 =	ssub.s32 s3, s31;
	s3 =	sadd.s32 $0x2000, s6  }
0xc: {  	v0 =	vimm.f32 $0.0e+00;
	v1 =	vimm.f32 $1.000000000e+00;
	s4 =	sadd.s32 $0xBE00, s4;
	s5 =	smax.u32 s5, $0x1;
	s6 =	simm.s32 $0x80  }
.LBB2_1:
0xd: {  	[tilespmem:s2], [sflag:$0x1] =	stream.strided.gather [hbm4b:s3+s6], $0x2780, s7, s6, $0x38;
	[tilespmem:$0x4F80] =	vst v63  }
0xe: {  	_ =	swait.ge [sflag:s8], $0x2780  }
0xf: {  	[sflag:s8] =	ssyncset.done $0x0  }
0x10: {  	s11 =	simm.s32 $0x0;
	[sflag:s8] =	ssyncadd.s32 $0xFFFFD880  }
.LBB2_2:
0x11: {  	p0 =	sne.s32 s11, $0x9FC0  }
.Ltmp0:
0x12: {  	_ = 	snop;
	(pc) =	sbr.rel @p0 .LBB2_2-.Ltmp0, $3  }
0x13: {  	_ =	sdelay $0x1  }
0x14: {  	s12 =	sshra.s32 s11, $0x2  }
0x15: {  	s11 =	sadd.s32 $0x40, s11;
	[tilespmem:s12+$0x2780] =	vst v0  }
0x16: {  	s12 =	simm.s32 $0x0;
	s11 =	simm.s32 $0x40  }
.LBB2_4:
0x17: {  	p0 =	sne.s32 s11, $0x9D40;
	v2 =	vld [tilespmem:s12+$0x0];
	_ =	sdelay $0x3  }
.Ltmp1:
0x18: {  	(pc) =	sbr.rel @p0 .LBB2_4-.Ltmp1, $2  }
0x19: {  	_ =	sdelay $0x2  }
0x1a: {  	s12 =	sshra.s32 s11, $0x2;
	s11 =	sadd.s32 $0x40, s11;
	[tilespmem:v2+s9+$0x0] =	vst.idx.add.f32.msk $0xffff, v1  }
0x1b: {  	v2 =	vld [tilespmem:s12+$0x0];
	_ =	sdelay $0x5  }
0x1c: {  	s10 =	sadd.s32 $0x1, s10  }
0x1d: {  	p0 =	sne.s32 s10, s5  }
.Ltmp2:
0x1e: {  	[tilespmem:v2+s9+$0x0] =	vst.idx.add.f32.msk $0xffff, v1;
	(pc) =	sbr.rel @p0 .LBB2_1-.Ltmp2, $4  }
0x1f: {  	[hbm4b:s4+s6] =	stream.strided.scatter [tilespmem:s9], [sflag:$0x1], $0x2800, s7, s6, $0x38;
	[tilespmem:$0x4F80] =	vst v63  }
0x20: {  	_ =	swait.ge [sflag:s8], $0x2800  }
0x21: {  	[sflag:s8] =	ssyncset.done $0x0  }
0x22: {  	[sflag:s8] =	ssyncadd.s32 $0xFFFFD800  }
0x23: {  	_ =	sfence.sel $0x180000  }
0x24: {  	[bflag:$0x0] =	sbarrier.arrive $0xFFFF  }
0x25: {  	p0 =	sne.s32 s0, $0x0;
	_ =	strace $0x90000047  }
0x26: {  	s0 =	sadd.s32 @!p0 $0x100000, s1;
	[bflag:$0x2] =	sbarrier.arrive $0xFFFF  }
0x27: {  	[sflag:s0] =	ssyncadd.tile.s32 @!p0 $0x1;
	_ =	shalt  }
.Lfunc_end2:
_tile_overlayer_lowered:
.L_overlay_start_2:
0x28: {  	(tag) =	ssettag $0x2  }
0x29: {  	s0 =	rddreg [dreg:$0x0];
	s2 =	stileid.u32  }
0x2a: {  	s1 =	rddreg [dreg:$0x1];
	p0 =	sne.s32 s2, $0x0  }
0x2b: {  	s3 =	rddreg [dreg:$0x2];
	[bflag:$0x3] =	sbarrier.arrive $0xFFFF;
	s2 =	simm.s32 @!p0 $0x1C01  }
0x2c: {  	[timem:s3], [sflag:s2] =	dma.local @!p0 [hbm:s0], s1  }
0x2d: {  	s0 =	simm.s32 @!p0 $0x1  }
0x2e: {  	_ =	swait.ge @!p0 [sflag:s0], s1  }
0x2f: {  	s1 =	ssub.s32 @!p0 $0x0, s1;
	[sflag:s0] =	ssyncset.done @!p0 $0x0  }
0x30: {  	[sflag:s0] =	ssyncadd.s32 @!p0 s1  }
0x31: {  	[bflag:$0x3] =	sbarrier.arrive $0xFFFF  }
0x32: {  	_ =	shalt  }

</sc_bundles>
